<compile_context>
chip_gen: v7x
topology: tpu7x:2x2x1
jax: 0.10.2.dev20260603
libtpu: 0.0.44.dev20260713+nightly
codegen_flags: <defaults>
</compile_context>

<pallas_src>
import jax
import jax.numpy as jnp
from jax import lax
from jax.experimental import pallas as pl
from jax.experimental.pallas import tpu as pltpu
from jax.experimental.pallas import tpu_sc as plsc

_B, _C, _H, _W = 32, 3, 512, 512
_NSC = 2
_BPW = _B // _NSC
_NCHUNK = _BPW * _C
_RING = 7


def _scs_copy(x_hbm, o_hbm, *scratch):
    bufs, (sem_in, sem_out) = scratch[:_RING], scratch[_RING:]
    core = lax.axis_index("c")
    base = core * _BPW

    def chunk_copies(j):
        bb, ch = j // _C, j % _C
        b = base + bb
        r = j % _RING
        cin = pltpu.make_async_copy(
            x_hbm.at[b, (_C - 1) - ch], bufs[r], sem_in.at[r])
        cout = pltpu.make_async_copy(
            bufs[r], o_hbm.at[b, ch], sem_out.at[r])
        return cin, cout

    copies = [chunk_copies(j) for j in range(_NCHUNK)]
    for j in range(_RING - 1):
        copies[j][0].start()
    for j in range(_NCHUNK):
        copies[j][0].wait()
        copies[j][1].start()
        if j + _RING - 1 < _NCHUNK:
            if j >= 1:
                copies[j - 1][1].wait()
            copies[j + _RING - 1][0].start()
    for j in range(_NCHUNK - _RING, _NCHUNK):
        copies[j][1].wait()


def kernel(x):
    mesh = plsc.ScalarSubcoreMesh(axis_name="c", num_cores=_NSC)
    return pl.kernel(
        _scs_copy,
        mesh=mesh,
        out_type=jax.ShapeDtypeStruct(x.shape, x.dtype),
        scratch_types=(
            [pltpu.VMEM_SHARED((_H, _W), jnp.float32) for _ in range(_RING)]
            + [pltpu.SemaphoreType.DMA((_RING,)),
               pltpu.SemaphoreType.DMA((_RING,))]
        ),
    )(x)

# --- scband reference (transcript-rebuilt; emitter-appended) ---
"""Pipeline reference for scband-index-select-module-11879879544126 (READ-ONLY COPY).

The authoritative reference and input builder live on the scoring server;
editing this copy changes nothing except your own understanding.
"""

import jax, jax.numpy as jnp
import numpy as np

CHANNEL_ORDER = jnp.array([2, 1, 0], dtype=jnp.int32)

def setup_inputs(seed: int = 0) -> dict:
    key = jax.random.key(seed)
    x = jax.random.normal(key, (32, 3, 512, 512), dtype=jnp.float32)
    return {"x": x}

def reference(x):
    # torch.index_select(x, 1, channel_order) -> gather along axis 1
    x1 = jnp.take(x, CHANNEL_ORDER, axis=1)
    return x1

if __name__ == "__main__":
    import jax
    _d = setup_inputs()
    print(jax.jit(kernel)(*tuple(_d.values())))

</pallas_src>

<mosaic_0001>
#map = affine_map<(d0) -> (0, 0, 0, 0)>
module attributes {stable_mosaic.version = 14 : i64} {
  func.func @_scs_copy(%arg0: i32, %arg1: memref<32x3x512x512xf32, #tpu.memory_space<hbm>>, %arg2: memref<32x3x512x512xf32, #tpu.memory_space<hbm>>, %arg3: memref<512x512xf32, #tpu.memory_space<vmem_shared>>, %arg4: memref<512x512xf32, #tpu.memory_space<vmem_shared>>, %arg5: memref<512x512xf32, #tpu.memory_space<vmem_shared>>, %arg6: memref<512x512xf32, #tpu.memory_space<vmem_shared>>, %arg7: memref<512x512xf32, #tpu.memory_space<vmem_shared>>, %arg8: memref<512x512xf32, #tpu.memory_space<vmem_shared>>, %arg9: memref<512x512xf32, #tpu.memory_space<vmem_shared>>, %arg10: memref<7x!tpu.dma_semaphore, #tpu.memory_space<semaphore_mem>>, %arg11: memref<7x!tpu.dma_semaphore, #tpu.memory_space<semaphore_mem>>) attributes {dimension_semantics = [#tpu.dimension_semantics<core_parallel>], iteration_bounds = array<i64: 2>, scalar_prefetch = 0 : i64, scratch_operands = 9 : i64, tpu.core_type = #tpu.core_type<sc_scalar_subcore>, window_params = [{transform_indices = #map}, {transform_indices = #map}]} {
    %mul3A = arith.constant 16 : i32
    %mul3A_0 = arith.muli %arg0, %mul3A : i32
    %add3A = arith.constant 0 : i32
    %add3A_1 = arith.addi %mul3A_0, %add3A : i32
    %add3A_2 = arith.constant 0 : i32
    %add3A_3 = arith.addi %mul3A_0, %add3A_2 : i32
    %add3A_4 = arith.constant 0 : i32
    %add3A_5 = arith.addi %mul3A_0, %add3A_4 : i32
    %add3A_6 = arith.constant 1 : i32
    %add3A_7 = arith.addi %mul3A_0, %add3A_6 : i32
    %add3A_8 = arith.constant 1 : i32
    %add3A_9 = arith.addi %mul3A_0, %add3A_8 : i32
    %add3A_10 = arith.constant 1 : i32
    %add3A_11 = arith.addi %mul3A_0, %add3A_10 : i32
    %add3A_12 = arith.constant 2 : i32
    %add3A_13 = arith.addi %mul3A_0, %add3A_12 : i32
    %add3A_14 = arith.constant 2 : i32
    %add3A_15 = arith.addi %mul3A_0, %add3A_14 : i32
    %add3A_16 = arith.constant 2 : i32
    %add3A_17 = arith.addi %mul3A_0, %add3A_16 : i32
    %add3A_18 = arith.constant 3 : i32
    %add3A_19 = arith.addi %mul3A_0, %add3A_18 : i32
    %add3A_20 = arith.constant 3 : i32
    %add3A_21 = arith.addi %mul3A_0, %add3A_20 : i32
    %add3A_22 = arith.constant 3 : i32
    %add3A_23 = arith.addi %mul3A_0, %add3A_22 : i32
    %add3A_24 = arith.constant 4 : i32
    %add3A_25 = arith.addi %mul3A_0, %add3A_24 : i32
    %add3A_26 = arith.constant 4 : i32
    %add3A_27 = arith.addi %mul3A_0, %add3A_26 : i32
    %add3A_28 = arith.constant 4 : i32
    %add3A_29 = arith.addi %mul3A_0, %add3A_28 : i32
    %add3A_30 = arith.constant 5 : i32
    %add3A_31 = arith.addi %mul3A_0, %add3A_30 : i32
    %add3A_32 = arith.constant 5 : i32
    %add3A_33 = arith.addi %mul3A_0, %add3A_32 : i32
    %add3A_34 = arith.constant 5 : i32
    %add3A_35 = arith.addi %mul3A_0, %add3A_34 : i32
    %add3A_36 = arith.constant 6 : i32
    %add3A_37 = arith.addi %mul3A_0, %add3A_36 : i32
    %add3A_38 = arith.constant 6 : i32
    %add3A_39 = arith.addi %mul3A_0, %add3A_38 : i32
    %add3A_40 = arith.constant 6 : i32
    %add3A_41 = arith.addi %mul3A_0, %add3A_40 : i32
    %add3A_42 = arith.constant 7 : i32
    %add3A_43 = arith.addi %mul3A_0, %add3A_42 : i32
    %add3A_44 = arith.constant 7 : i32
    %add3A_45 = arith.addi %mul3A_0, %add3A_44 : i32
    %add3A_46 = arith.constant 7 : i32
    %add3A_47 = arith.addi %mul3A_0, %add3A_46 : i32
    %add3A_48 = arith.constant 8 : i32
    %add3A_49 = arith.addi %mul3A_0, %add3A_48 : i32
    %add3A_50 = arith.constant 8 : i32
    %add3A_51 = arith.addi %mul3A_0, %add3A_50 : i32
    %add3A_52 = arith.constant 8 : i32
    %add3A_53 = arith.addi %mul3A_0, %add3A_52 : i32
    %add3A_54 = arith.constant 9 : i32
    %add3A_55 = arith.addi %mul3A_0, %add3A_54 : i32
    %add3A_56 = arith.constant 9 : i32
    %add3A_57 = arith.addi %mul3A_0, %add3A_56 : i32
    %add3A_58 = arith.constant 9 : i32
    %add3A_59 = arith.addi %mul3A_0, %add3A_58 : i32
    %add3A_60 = arith.constant 10 : i32
    %add3A_61 = arith.addi %mul3A_0, %add3A_60 : i32
    %add3A_62 = arith.constant 10 : i32
    %add3A_63 = arith.addi %mul3A_0, %add3A_62 : i32
    %add3A_64 = arith.constant 10 : i32
    %add3A_65 = arith.addi %mul3A_0, %add3A_64 : i32
    %add3A_66 = arith.constant 11 : i32
    %add3A_67 = arith.addi %mul3A_0, %add3A_66 : i32
    %add3A_68 = arith.constant 11 : i32
    %add3A_69 = arith.addi %mul3A_0, %add3A_68 : i32
    %add3A_70 = arith.constant 11 : i32
    %add3A_71 = arith.addi %mul3A_0, %add3A_70 : i32
    %add3A_72 = arith.constant 12 : i32
    %add3A_73 = arith.addi %mul3A_0, %add3A_72 : i32
    %add3A_74 = arith.constant 12 : i32
    %add3A_75 = arith.addi %mul3A_0, %add3A_74 : i32
    %add3A_76 = arith.constant 12 : i32
    %add3A_77 = arith.addi %mul3A_0, %add3A_76 : i32
    %add3A_78 = arith.constant 13 : i32
    %add3A_79 = arith.addi %mul3A_0, %add3A_78 : i32
    %add3A_80 = arith.constant 13 : i32
    %add3A_81 = arith.addi %mul3A_0, %add3A_80 : i32
    %add3A_82 = arith.constant 13 : i32
    %add3A_83 = arith.addi %mul3A_0, %add3A_82 : i32
    %add3A_84 = arith.constant 14 : i32
    %add3A_85 = arith.addi %mul3A_0, %add3A_84 : i32
    %add3A_86 = arith.constant 14 : i32
    %add3A_87 = arith.addi %mul3A_0, %add3A_86 : i32
    %add3A_88 = arith.constant 14 : i32
    %add3A_89 = arith.addi %mul3A_0, %add3A_88 : i32
    %add3A_90 = arith.constant 15 : i32
    %add3A_91 = arith.addi %mul3A_0, %add3A_90 : i32
    %add3A_92 = arith.constant 15 : i32
    %add3A_93 = arith.addi %mul3A_0, %add3A_92 : i32
    %add3A_94 = arith.constant 15 : i32
    %add3A_95 = arith.addi %mul3A_0, %add3A_94 : i32
    %dma_start3A = arith.constant 2 : i32
    %dma_start3A_96 = arith.constant 0 : i32
    %dma_start3A_97 = tpu.memref_slice %arg10[%dma_start3A_96] : memref<7x!tpu.dma_semaphore, #tpu.memory_space<semaphore_mem>> -> memref<1x!tpu.dma_semaphore, #tpu.memory_space<semaphore_mem>>
    %dma_start3A_98 = tpu.memref_squeeze %dma_start3A_97 : memref<1x!tpu.dma_semaphore, #tpu.memory_space<semaphore_mem>> -> memref<!tpu.dma_semaphore, #tpu.memory_space<semaphore_mem>>
    %dma_start3A_99 = arith.constant 0 : i32
    %dma_start3A_100 = arith.constant 0 : i32
    %dma_start3A_101 = tpu.memref_slice %arg1[%add3A_1, %dma_start3A, %dma_start3A_99, %dma_start3A_100] : memref<32x3x512x512xf32, #tpu.memory_space<hbm>> -> memref<1x1x512x512xf32, #tpu.memory_space<hbm>>
    %dma_start3A_102 = tpu.memref_squeeze %dma_start3A_101 : memref<1x1x512x512xf32, #tpu.memory_space<hbm>> -> memref<512x512xf32, #tpu.memory_space<hbm>>
    tpu.enqueue_dma source(%dma_start3A_102 : memref<512x512xf32, #tpu.memory_space<hbm>>) target(%arg3 : memref<512x512xf32, #tpu.memory_space<vmem_shared>>) target_semaphore(%dma_start3A_98 : memref<!tpu.dma_semaphore, #tpu.memory_space<semaphore_mem>>)
    %dma_start3A_103 = arith.constant 1 : i32
    %dma_start3A_104 = arith.constant 1 : i32
    %dma_start3A_105 = tpu.memref_slice %arg10[%dma_start3A_104] : memref<7x!tpu.dma_semaphore, #tpu.memory_space<semaphore_mem>> -> memref<1x!tpu.dma_semaphore, #tpu.memory_space<semaphore_mem>>
    %dma_start3A_106 = tpu.memref_squeeze %dma_start3A_105 : memref<1x!tpu.dma_semaphore, #tpu.memory_space<semaphore_mem>> -> memref<!tpu.dma_semaphore, #tpu.memory_space<semaphore_mem>>
    %dma_start3A_107 = arith.constant 0 : i32
    %dma_start3A_108 = arith.constant 0 : i32
    %dma_start3A_109 = tpu.memref_slice %arg1[%add3A_3, %dma_start3A_103, %dma_start3A_107, %dma_start3A_108] : memref<32x3x512x512xf32, #tpu.memory_space<hbm>> -> memref<1x1x512x512xf32, #tpu.memory_space<hbm>>
    %dma_start3A_110 = tpu.memref_squeeze %dma_start3A_109 : memref<1x1x512x512xf32, #tpu.memory_space<hbm>> -> memref<512x512xf32, #tpu.memory_space<hbm>>
    tpu.enqueue_dma source(%dma_start3A_110 : memref<512x512xf32, #tpu.memory_space<hbm>>) target(%arg4 : memref<512x512xf32, #tpu.memory_space<vmem_shared>>) target_semaphore(%dma_start3A_106 : memref<!tpu.dma_semaphore, #tpu.memory_space<semaphore_mem>>)
    %dma_start3A_111 = arith.constant 0 : i32
    %dma_start3A_112 = arith.constant 2 : i32
    %dma_start3A_113 = tpu.memref_slice %arg10[%dma_start3A_112] : memref<7x!tpu.dma_semaphore, #tpu.memory_space<semaphore_mem>> -> memref<1x!tpu.dma_semaphore, #tpu.memory_space<semaphore_mem>>
    %dma_start3A_114 = tpu.memref_squeeze %dma_start3A_113 : memref<1x!tpu.dma_semaphore, #tpu.memory_space<semaphore_mem>> -> memref<!tpu.dma_semaphore, #tpu.memory_space<semaphore_mem>>
    %dma_start3A_115 = arith.constant 0 : i32
    %dma_start3A_116 = arith.constant 0 : i32
    %dma_start3A_117 = tpu.memref_slice %arg1[%add3A_5, %dma_start3A_111, %dma_start3A_115, %dma_start3A_116] : memref<32x3x512x512xf32, #tpu.memory_space<hbm>> -> memref<1x1x512x512xf32, #tpu.memory_space<hbm>>
    %dma_start3A_118 = tpu.memref_squeeze %dma_start3A_117 : memref<1x1x512x512xf32, #tpu.memory_space<hbm>> -> memref<512x512xf32, #tpu.memory_space<hbm>>
    tpu.enqueue_dma source(%dma_start3A_118 : memref<512x512xf32, #tpu.memory_space<hbm>>) target(%arg5 : memref<512x512xf32, #tpu.memory_space<vmem_shared>>) target_semaphore(%dma_start3A_114 : memref<!tpu.dma_semaphore, #tpu.memory_space<semaphore_mem>>)
    %dma_start3A_119 = arith.constant 2 : i32
    %dma_start3A_120 = arith.constant 3 : i32
    %dma_start3A_121 = tpu.memref_slice %arg10[%dma_start3A_120] : memref<7x!tpu.dma_semaphore, #tpu.memory_space<semaphore_mem>> -> memref<1x!tpu.dma_semaphore, #tpu.memory_space<semaphore_mem>>
    %dma_start3A_122 = tpu.memref_squeeze %dma_start3A_121 : memref<1x!tpu.dma_semaphore, #tpu.memory_space<semaphore_mem>> -> memref<!tpu.dma_semaphore, #tpu.memory_space<semaphore_mem>>
    %dma_start3A_123 = arith.constant 0 : i32
    %dma_start3A_124 = arith.constant 0 : i32
    %dma_start3A_125 = tpu.memref_slice %arg1[%add3A_7, %dma_start3A_119, %dma_start3A_123, %dma_start3A_124] : memref<32x3x512x512xf32, #tpu.memory_space<hbm>> -> memref<1x1x512x512xf32, #tpu.memory_space<hbm>>
    %dma_start3A_126 = tpu.memref_squeeze %dma_start3A_125 : memref<1x1x512x512xf32, #tpu.memory_space<hbm>> -> memref<512x512xf32, #tpu.memory_space<hbm>>
    tpu.enqueue_dma source(%dma_start3A_126 : memref<512x512xf32, #tpu.memory_space<hbm>>) target(%arg6 : memref<512x512xf32, #tpu.memory_space<vmem_shared>>) target_semaphore(%dma_start3A_122 : memref<!tpu.dma_semaphore, #tpu.memory_space<semaphore_mem>>)
    %dma_start3A_127 = arith.constant 1 : i32
    %dma_start3A_128 = arith.constant 4 : i32
    %dma_start3A_129 = tpu.memref_slice %arg10[%dma_start3A_128] : memref<7x!tpu.dma_semaphore, #tpu.memory_space<semaphore_mem>> -> memref<1x!tpu.dma_semaphore, #tpu.memory_space<semaphore_mem>>
    %dma_start3A_130 = tpu.memref_squeeze %dma_start3A_129 : memref<1x!tpu.dma_semaphore, #tpu.memory_space<semaphore_mem>> -> memref<!tpu.dma_semaphore, #tpu.memory_space<semaphore_mem>>
    %dma_start3A_131 = arith.constant 0 : i32
    %dma_start3A_132 = arith.constant 0 : i32
    %dma_start3A_133 = tpu.memref_slice %arg1[%add3A_9, %dma_start3A_127, %dma_start3A_131, %dma_start3A_132] : memref<32x3x512x512xf32, #tpu.memory_space<hbm>> -> memref<1x1x512x512xf32, #tpu.memory_space<hbm>>
    %dma_start3A_134 = tpu.memref_squeeze %dma_start3A_133 : memref<1x1x512x512xf32, #tpu.memory_space<hbm>> -> memref<512x512xf32, #tpu.memory_space<hbm>>
    tpu.enqueue_dma source(%dma_start3A_134 : memref<512x512xf32, #tpu.memory_space<hbm>>) target(%arg7 : memref<512x512xf32, #tpu.memory_space<vmem_shared>>) target_semaphore(%dma_start3A_130 : memref<!tpu.dma_semaphore, #tpu.memory_space<semaphore_mem>>)
    %dma_start3A_135 = arith.constant 0 : i32
    %dma_start3A_136 = arith.constant 5 : i32
    %dma_start3A_137 = tpu.memref_slice %arg10[%dma_start3A_136] : memref<7x!tpu.dma_semaphore, #tpu.memory_space<semaphore_mem>> -> memref<1x!tpu.dma_semaphore, #tpu.memory_space<semaphore_mem>>
    %dma_start3A_138 = tpu.memref_squeeze %dma_start3A_137 : memref<1x!tpu.dma_semaphore, #tpu.memory_space<semaphore_mem>> -> memref<!tpu.dma_semaphore, #tpu.memory_space<semaphore_mem>>
    %dma_start3A_139 = arith.constant 0 : i32
    %dma_start3A_140 = arith.constant 0 : i32
    %dma_start3A_141 = tpu.memref_slice %arg1[%add3A_11, %dma_start3A_135, %dma_start3A_139, %dma_start3A_140] : memref<32x3x512x512xf32, #tpu.memory_space<hbm>> -> memref<1x1x512x512xf32, #tpu.memory_space<hbm>>
    %dma_start3A_142 = tpu.memref_squeeze %dma_start3A_141 : memref<1x1x512x512xf32, #tpu.memory_space<hbm>> -> memref<512x512xf32, #tpu.memory_space<hbm>>
    tpu.enqueue_dma source(%dma_start3A_142 : memref<512x512xf32, #tpu.memory_space<hbm>>) target(%arg8 : memref<512x512xf32, #tpu.memory_space<vmem_shared>>) target_semaphore(%dma_start3A_138 : memref<!tpu.dma_semaphore, #tpu.memory_space<semaphore_mem>>)
    %dma_wait3A = arith.constant 2 : i32
    %dma_wait3A_143 = arith.constant 0 : i32
    %dma_wait3A_144 = tpu.memref_slice %arg10[%dma_wait3A_143] : memref<7x!tpu.dma_semaphore, #tpu.memory_space<semaphore_mem>> -> memref<1x!tpu.dma_semaphore, #tpu.memory_space<semaphore_mem>>
    %dma_wait3A_145 = tpu.memref_squeeze %dma_wait3A_144 : memref<1x!tpu.dma_semaphore, #tpu.memory_space<semaphore_mem>> -> memref<!tpu.dma_semaphore, #tpu.memory_space<semaphore_mem>>
    %dma_wait3A_146 = arith.constant 0 : i32
    %dma_wait3A_147 = arith.constant 0 : i32
    %dma_wait3A_148 = tpu.memref_slice %arg1[%add3A_1, %dma_wait3A, %dma_wait3A_146, %dma_wait3A_147] : memref<32x3x512x512xf32, #tpu.memory_space<hbm>> -> memref<1x1x512x512xf32, #tpu.memory_space<hbm>>
    %dma_wait3A_149 = tpu.memref_squeeze %dma_wait3A_148 : memref<1x1x512x512xf32, #tpu.memory_space<hbm>> -> memref<512x512xf32, #tpu.memory_space<hbm>>
    tpu.wait_dma2 semaphore(%dma_wait3A_145 : memref<!tpu.dma_semaphore, #tpu.memory_space<semaphore_mem>>) src(%dma_wait3A_149 : memref<512x512xf32, #tpu.memory_space<hbm>>) dst(%arg3 : memref<512x512xf32, #tpu.memory_space<vmem_shared>>)
    %dma_start3A_150 = arith.constant 0 : i32
    %dma_start3A_151 = arith.constant 0 : i32
    %dma_start3A_152 = tpu.memref_slice %arg11[%dma_start3A_151] : memref<7x!tpu.dma_semaphore, #tpu.memory_space<semaphore_mem>> -> memref<1x!tpu.dma_semaphore, #tpu.memory_space<semaphore_mem>>
    %dma_start3A_153 = tpu.memref_squeeze %dma_start3A_152 : memref<1x!tpu.dma_semaphore, #tpu.memory_space<semaphore_mem>> -> memref<!tpu.dma_semaphore, #tpu.memory_space<semaphore_mem>>
    %dma_start3A_154 = arith.constant 0 : i32
    %dma_start3A_155 = arith.constant 0 : i32
    %dma_start3A_156 = tpu.memref_slice %arg2[%add3A_1, %dma_start3A_150, %dma_start3A_154, %dma_start3A_155] : memref<32x3x512x512xf32, #tpu.memory_space<hbm>> -> memref<1x1x512x512xf32, #tpu.memory_space<hbm>>
    %dma_start3A_157 = tpu.memref_squeeze %dma_start3A_156 : memref<1x1x512x512xf32, #tpu.memory_space<hbm>> -> memref<512x512xf32, #tpu.memory_space<hbm>>
    tpu.enqueue_dma source(%arg3 : memref<512x512xf32, #tpu.memory_space<vmem_shared>>) target(%dma_start3A_157 : memref<512x512xf32, #tpu.memory_space<hbm>>) target_semaphore(%dma_start3A_153 : memref<!tpu.dma_semaphore, #tpu.memory_space<semaphore_mem>>)
    %dma_start3A_158 = arith.constant 2 : i32
    %dma_start3A_159 = arith.constant 6 : i32
    %dma_start3A_160 = tpu.memref_slice %arg10[%dma_start3A_159] : memref<7x!tpu.dma_semaphore, #tpu.memory_space<semaphore_mem>> -> memref<1x!tpu.dma_semaphore, #tpu.memory_space<semaphore_mem>>
    %dma_start3A_161 = tpu.memref_squeeze %dma_start3A_160 : memref<1x!tpu.dma_semaphore, #tpu.memory_space<semaphore_mem>> -> memref<!tpu.dma_semaphore, #tpu.memory_space<semaphore_mem>>
    %dma_start3A_162 = arith.constant 0 : i32
    %dma_start3A_163 = arith.constant 0 : i32
    %dma_start3A_164 = tpu.memref_slice %arg1[%add3A_13, %dma_start3A_158, %dma_start3A_162, %dma_start3A_163] : memref<32x3x512x512xf32, #tpu.memory_space<hbm>> -> memref<1x1x512x512xf32, #tpu.memory_space<hbm>>
    %dma_start3A_165 = tpu.memref_squeeze %dma_start3A_164 : memref<1x1x512x512xf32, #tpu.memory_space<hbm>> -> memref<512x512xf32, #tpu.memory_space<hbm>>
    tpu.enqueue_dma source(%dma_start3A_165 : memref<512x512xf32, #tpu.memory_space<hbm>>) target(%arg9 : memref<512x512xf32, #tpu.memory_space<vmem_shared>>) target_semaphore(%dma_start3A_161 : memref<!tpu.dma_semaphore, #tpu.memory_space<semaphore_mem>>)
    %dma_wait3A_166 = arith.constant 1 : i32
    %dma_wait3A_167 = arith.constant 1 : i32
    %dma_wait3A_168 = tpu.memref_slice %arg10[%dma_wait3A_167] : memref<7x!tpu.dma_semaphore, #tpu.memory_space<semaphore_mem>> -> memref<1x!tpu.dma_semaphore, #tpu.memory_space<semaphore_mem>>
    %dma_wait3A_169 = tpu.memref_squeeze %dma_wait3A_168 : memref<1x!tpu.dma_semaphore, #tpu.memory_space<semaphore_mem>> -> memref<!tpu.dma_semaphore, #tpu.memory_space<semaphore_mem>>
    %dma_wait3A_170 = arith.constant 0 : i32
    %dma_wait3A_171 = arith.constant 0 : i32
    %dma_wait3A_172 = tpu.memref_slice %arg1[%add3A_3, %dma_wait3A_166, %dma_wait3A_170, %dma_wait3A_171] : memref<32x3x512x512xf32, #tpu.memory_space<hbm>> -> memref<1x1x512x512xf32, #tpu.memory_space<hbm>>
    %dma_wait3A_173 = tpu.memref_squeeze %dma_wait3A_172 : memref<1x1x512x512xf32, #tpu.memory_space<hbm>> -> memref<512x512xf32, #tpu.memory_space<hbm>>
    tpu.wait_dma2 semaphore(%dma_wait3A_169 : memref<!tpu.dma_semaphore, #tpu.memory_space<semaphore_mem>>) src(%dma_wait3A_173 : memref<512x512xf32, #tpu.memory_space<hbm>>) dst(%arg4 : memref<512x512xf32, #tpu.memory_space<vmem_shared>>)
    %dma_start3A_174 = arith.constant 1 : i32
    %dma_start3A_175 = arith.constant 1 : i32
    %dma_start3A_176 = tpu.memref_slice %arg11[%dma_start3A_175] : memref<7x!tpu.dma_semaphore, #tpu.memory_space<semaphore_mem>> -> memref<1x!tpu.dma_semaphore, #tpu.memory_space<semaphore_mem>>
    %dma_start3A_177 = tpu.memref_squeeze %dma_start3A_176 : memref<1x!tpu.dma_semaphore, #tpu.memory_space<semaphore_mem>> -> memref<!tpu.dma_semaphore, #tpu.memory_space<semaphore_mem>>
    %dma_start3A_178 = arith.constant 0 : i32
    %dma_start3A_179 = arith.constant 0 : i32
    %dma_start3A_180 = tpu.memref_slice %arg2[%add3A_3, %dma_start3A_174, %dma_start3A_178, %dma_start3A_179] : memref<32x3x512x512xf32, #tpu.memory_space<hbm>> -> memref<1x1x512x512xf32, #tpu.memory_space<hbm>>
    %dma_start3A_181 = tpu.memref_squeeze %dma_start3A_180 : memref<1x1x512x512xf32, #tpu.memory_space<hbm>> -> memref<512x512xf32, #tpu.memory_space<hbm>>
    tpu.enqueue_dma source(%arg4 : memref<512x512xf32, #tpu.memory_space<vmem_shared>>) target(%dma_start3A_181 : memref<512x512xf32, #tpu.memory_space<hbm>>) target_semaphore(%dma_start3A_177 : memref<!tpu.dma_semaphore, #tpu.memory_space<semaphore_mem>>)
    %dma_wait3A_182 = arith.constant 0 : i32
    %dma_wait3A_183 = arith.constant 0 : i32
    %dma_wait3A_184 = tpu.memref_slice %arg11[%dma_wait3A_183] : memref<7x!tpu.dma_semaphore, #tpu.memory_space<semaphore_mem>> -> memref<1x!tpu.dma_semaphore, #tpu.memory_space<semaphore_mem>>
    %dma_wait3A_185 = tpu.memref_squeeze %dma_wait3A_184 : memref<1x!tpu.dma_semaphore, #tpu.memory_space<semaphore_mem>> -> memref<!tpu.dma_semaphore, #tpu.memory_space<semaphore_mem>>
    %dma_wait3A_186 = arith.constant 0 : i32
    %dma_wait3A_187 = arith.constant 0 : i32
    %dma_wait3A_188 = tpu.memref_slice %arg2[%add3A_1, %dma_wait3A_182, %dma_wait3A_186, %dma_wait3A_187] : memref<32x3x512x512xf32, #tpu.memory_space<hbm>> -> memref<1x1x512x512xf32, #tpu.memory_space<hbm>>
    %dma_wait3A_189 = tpu.memref_squeeze %dma_wait3A_188 : memref<1x1x512x512xf32, #tpu.memory_space<hbm>> -> memref<512x512xf32, #tpu.memory_space<hbm>>
    tpu.wait_dma2 semaphore(%dma_wait3A_185 : memref<!tpu.dma_semaphore, #tpu.memory_space<semaphore_mem>>) src(%arg3 : memref<512x512xf32, #tpu.memory_space<vmem_shared>>) dst(%dma_wait3A_189 : memref<512x512xf32, #tpu.memory_space<hbm>>)
    %dma_start3A_190 = arith.constant 1 : i32
    %dma_start3A_191 = arith.constant 0 : i32
    %dma_start3A_192 = tpu.memref_slice %arg10[%dma_start3A_191] : memref<7x!tpu.dma_semaphore, #tpu.memory_space<semaphore_mem>> -> memref<1x!tpu.dma_semaphore, #tpu.memory_space<semaphore_mem>>
    %dma_start3A_193 = tpu.memref_squeeze %dma_start3A_192 : memref<1x!tpu.dma_semaphore, #tpu.memory_space<semaphore_mem>> -> memref<!tpu.dma_semaphore, #tpu.memory_space<semaphore_mem>>
    %dma_start3A_194 = arith.constant 0 : i32
    %dma_start3A_195 = arith.constant 0 : i32
    %dma_start3A_196 = tpu.memref_slice %arg1[%add3A_15, %dma_start3A_190, %dma_start3A_194, %dma_start3A_195] : memref<32x3x512x512xf32, #tpu.memory_space<hbm>> -> memref<1x1x512x512xf32, #tpu.memory_space<hbm>>
    %dma_start3A_197 = tpu.memref_squeeze %dma_start3A_196 : memref<1x1x512x512xf32, #tpu.memory_space<hbm>> -> memref<512x512xf32, #tpu.memory_space<hbm>>
    tpu.enqueue_dma source(%dma_start3A_197 : memref<512x512xf32, #tpu.memory_space<hbm>>) target(%arg3 : memref<512x512xf32, #tpu.memory_space<vmem_shared>>) target_semaphore(%dma_start3A_193 : memref<!tpu.dma_semaphore, #tpu.memory_space<semaphore_mem>>)
    %dma_wait3A_198 = arith.constant 0 : i32
    %dma_wait3A_199 = arith.constant 2 : i32
    %dma_wait3A_200 = tpu.memref_slice %arg10[%dma_wait3A_199] : memref<7x!tpu.dma_semaphore, #tpu.memory_space<semaphore_mem>> -> memref<1x!tpu.dma_semaphore, #tpu.memory_space<semaphore_mem>>
    %dma_wait3A_201 = tpu.memref_squeeze %dma_wait3A_200 : memref<1x!tpu.dma_semaphore, #tpu.memory_space<semaphore_mem>> -> memref<!tpu.dma_semaphore, #tpu.memory_space<semaphore_mem>>
    %dma_wait3A_202 = arith.constant 0 : i32
    %dma_wait3A_203 = arith.constant 0 : i32
    %dma_wait3A_204 = tpu.memref_slice %arg1[%add3A_5, %dma_wait3A_198, %dma_wait3A_202, %dma_wait3A_203] : memref<32x3x512x512xf32, #tpu.memory_space<hbm>> -> memref<1x1x512x512xf32, #tpu.memory_space<hbm>>
    %dma_wait3A_205 = tpu.memref_squeeze %dma_wait3A_204 : memref<1x1x512x512xf32, #tpu.memory_space<hbm>> -> memref<512x512xf32, #tpu.memory_space<hbm>>
    tpu.wait_dma2 semaphore(%dma_wait3A_201 : memref<!tpu.dma_semaphore, #tpu.memory_space<semaphore_mem>>) src(%dma_wait3A_205 : memref<512x512xf32, #tpu.memory_space<hbm>>) dst(%arg5 : memref<512x512xf32, #tpu.memory_space<vmem_shared>>)
    %dma_start3A_206 = arith.constant 2 : i32
    %dma_start3A_207 = arith.constant 2 : i32
    %dma_start3A_208 = tpu.memref_slice %arg11[%dma_start3A_207] : memref<7x!tpu.dma_semaphore, #tpu.memory_space<semaphore_mem>> -> memref<1x!tpu.dma_semaphore, #tpu.memory_space<semaphore_mem>>
    %dma_start3A_209 = tpu.memref_squeeze %dma_start3A_208 : memref<1x!tpu.dma_semaphore, #tpu.memory_space<semaphore_mem>> -> memref<!tpu.dma_semaphore, #tpu.memory_space<semaphore_mem>>
    %dma_start3A_210 = arith.constant 0 : i32
    %dma_start3A_211 = arith.constant 0 : i32
    %dma_start3A_212 = tpu.memref_slice %arg2[%add3A_5, %dma_start3A_206, %dma_start3A_210, %dma_start3A_211] : memref<32x3x512x512xf32, #tpu.memory_space<hbm>> -> memref<1x1x512x512xf32, #tpu.memory_space<hbm>>
    %dma_start3A_213 = tpu.memref_squeeze %dma_start3A_212 : memref<1x1x512x512xf32, #tpu.memory_space<hbm>> -> memref<512x512xf32, #tpu.memory_space<hbm>>
    tpu.enqueue_dma source(%arg5 : memref<512x512xf32, #tpu.memory_space<vmem_shared>>) target(%dma_start3A_213 : memref<512x512xf32, #tpu.memory_space<hbm>>) target_semaphore(%dma_start3A_209 : memref<!tpu.dma_semaphore, #tpu.memory_space<semaphore_mem>>)
    %dma_wait3A_214 = arith.constant 1 : i32
    %dma_wait3A_215 = arith.constant 1 : i32
    %dma_wait3A_216 = tpu.memref_slice %arg11[%dma_wait3A_215] : memref<7x!tpu.dma_semaphore, #tpu.memory_space<semaphore_mem>> -> memref<1x!tpu.dma_semaphore, #tpu.memory_space<semaphore_mem>>
    %dma_wait3A_217 = tpu.memref_squeeze %dma_wait3A_216 : memref<1x!tpu.dma_semaphore, #tpu.memory_space<semaphore_mem>> -> memref<!tpu.dma_semaphore, #tpu.memory_space<semaphore_mem>>
    %dma_wait3A_218 = arith.constant 0 : i32
    %dma_wait3A_219 = arith.constant 0 : i32
    %dma_wait3A_220 = tpu.memref_slice %arg2[%add3A_3, %dma_wait3A_214, %dma_wait3A_218, %dma_wait3A_219] : memref<32x3x512x512xf32, #tpu.memory_space<hbm>> -> memref<1x1x512x512xf32, #tpu.memory_space<hbm>>
    %dma_wait3A_221 = tpu.memref_squeeze %dma_wait3A_220 : memref<1x1x512x512xf32, #tpu.memory_space<hbm>> -> memref<512x512xf32, #tpu.memory_space<hbm>>
    tpu.wait_dma2 semaphore(%dma_wait3A_217 : memref<!tpu.dma_semaphore, #tpu.memory_space<semaphore_mem>>) src(%arg4 : memref<512x512xf32, #tpu.memory_space<vmem_shared>>) dst(%dma_wait3A_221 : memref<512x512xf32, #tpu.memory_space<hbm>>)
    %dma_start3A_222 = arith.constant 0 : i32
    %dma_start3A_223 = arith.constant 1 : i32
    %dma_start3A_224 = tpu.memref_slice %arg10[%dma_start3A_223] : memref<7x!tpu.dma_semaphore, #tpu.memory_space<semaphore_mem>> -> memref<1x!tpu.dma_semaphore, #tpu.memory_space<semaphore_mem>>
    %dma_start3A_225 = tpu.memref_squeeze %dma_start3A_224 : memref<1x!tpu.dma_semaphore, #tpu.memory_space<semaphore_mem>> -> memref<!tpu.dma_semaphore, #tpu.memory_space<semaphore_mem>>
    %dma_start3A_226 = arith.constant 0 : i32
    %dma_start3A_227 = arith.constant 0 : i32
    %dma_start3A_228 = tpu.memref_slice %arg1[%add3A_17, %dma_start3A_222, %dma_start3A_226, %dma_start3A_227] : memref<32x3x512x512xf32, #tpu.memory_space<hbm>> -> memref<1x1x512x512xf32, #tpu.memory_space<hbm>>
    %dma_start3A_229 = tpu.memref_squeeze %dma_start3A_228 : memref<1x1x512x512xf32, #tpu.memory_space<hbm>> -> memref<512x512xf32, #tpu.memory_space<hbm>>
    tpu.enqueue_dma source(%dma_start3A_229 : memref<512x512xf32, #tpu.memory_space<hbm>>) target(%arg4 : memref<512x512xf32, #tpu.memory_space<vmem_shared>>) target_semaphore(%dma_start3A_225 : memref<!tpu.dma_semaphore, #tpu.memory_space<semaphore_mem>>)
    %dma_wait3A_230 = arith.constant 2 : i32
    %dma_wait3A_231 = arith.constant 3 : i32
    %dma_wait3A_232 = tpu.memref_slice %arg10[%dma_wait3A_231] : memref<7x!tpu.dma_semaphore, #tpu.memory_space<semaphore_mem>> -> memref<1x!tpu.dma_semaphore, #tpu.memory_space<semaphore_mem>>
    %dma_wait3A_233 = tpu.memref_squeeze %dma_wait3A_232 : memref<1x!tpu.dma_semaphore, #tpu.memory_space<semaphore_mem>> -> memref<!tpu.dma_semaphore, #tpu.memory_space<semaphore_mem>>
    %dma_wait3A_234 = arith.constant 0 : i32
    %dma_wait3A_235 = arith.constant 0 : i32
    %dma_wait3A_236 = tpu.memref_slice %arg1[%add3A_7, %dma_wait3A_230, %dma_wait3A_234, %dma_wait3A_235] : memref<32x3x512x512xf32, #tpu.memory_space<hbm>> -> memref<1x1x512x512xf32, #tpu.memory_space<hbm>>
    %dma_wait3A_237 = tpu.memref_squeeze %dma_wait3A_236 : memref<1x1x512x512xf32, #tpu.memory_space<hbm>> -> memref<512x512xf32, #tpu.memory_space<hbm>>
    tpu.wait_dma2 semaphore(%dma_wait3A_233 : memref<!tpu.dma_semaphore, #tpu.memory_space<semaphore_mem>>) src(%dma_wait3A_237 : memref<512x512xf32, #tpu.memory_space<hbm>>) dst(%arg6 : memref<512x512xf32, #tpu.memory_space<vmem_shared>>)
    %dma_start3A_238 = arith.constant 0 : i32
    %dma_start3A_239 = arith.constant 3 : i32
    %dma_start3A_240 = tpu.memref_slice %arg11[%dma_start3A_239] : memref<7x!tpu.dma_semaphore, #tpu.memory_space<semaphore_mem>> -> memref<1x!tpu.dma_semaphore, #tpu.memory_space<semaphore_mem>>
    %dma_start3A_241 = tpu.memref_squeeze %dma_start3A_240 : memref<1x!tpu.dma_semaphore, #tpu.memory_space<semaphore_mem>> -> memref<!tpu.dma_semaphore, #tpu.memory_space<semaphore_mem>>
    %dma_start3A_242 = arith.constant 0 : i32
    %dma_start3A_243 = arith.constant 0 : i32
    %dma_start3A_244 = tpu.memref_slice %arg2[%add3A_7, %dma_start3A_238, %dma_start3A_242, %dma_start3A_243] : memref<32x3x512x512xf32, #tpu.memory_space<hbm>> -> memref<1x1x512x512xf32, #tpu.memory_space<hbm>>
    %dma_start3A_245 = tpu.memref_squeeze %dma_start3A_244 : memref<1x1x512x512xf32, #tpu.memory_space<hbm>> -> memref<512x512xf32, #tpu.memory_space<hbm>>
    tpu.enqueue_dma source(%arg6 : memref<512x512xf32, #tpu.memory_space<vmem_shared>>) target(%dma_start3A_245 : memref<512x512xf32, #tpu.memory_space<hbm>>) target_semaphore(%dma_start3A_241 : memref<!tpu.dma_semaphore, #tpu.memory_space<semaphore_mem>>)
    %dma_wait3A_246 = arith.constant 2 : i32
    %dma_wait3A_247 = arith.constant 2 : i32
    %dma_wait3A_248 = tpu.memref_slice %arg11[%dma_wait3A_247] : memref<7x!tpu.dma_semaphore, #tpu.memory_space<semaphore_mem>> -> memref<1x!tpu.dma_semaphore, #tpu.memory_space<semaphore_mem>>
    %dma_wait3A_249 = tpu.memref_squeeze %dma_wait3A_248 : memref<1x!tpu.dma_semaphore, #tpu.memory_space<semaphore_mem>> -> memref<!tpu.dma_semaphore, #tpu.memory_space<semaphore_mem>>
    %dma_wait3A_250 = arith.constant 0 : i32
    %dma_wait3A_251 = arith.constant 0 : i32
    %dma_wait3A_252 = tpu.memref_slice %arg2[%add3A_5, %dma_wait3A_246, %dma_wait3A_250, %dma_wait3A_251] : memref<32x3x512x512xf32, #tpu.memory_space<hbm>> -> memref<1x1x512x512xf32, #tpu.memory_space<hbm>>
    %dma_wait3A_253 = tpu.memref_squeeze %dma_wait3A_252 : memref<1x1x512x512xf32, #tpu.memory_space<hbm>> -> memref<512x512xf32, #tpu.memory_space<hbm>>
    tpu.wait_dma2 semaphore(%dma_wait3A_249 : memref<!tpu.dma_semaphore, #tpu.memory_space<semaphore_mem>>) src(%arg5 : memref<512x512xf32, #tpu.memory_space<vmem_shared>>) dst(%dma_wait3A_253 : memref<512x512xf32, #tpu.memory_space<hbm>>)
    %dma_start3A_254 = arith.constant 2 : i32
    %dma_start3A_255 = arith.constant 2 : i32
    %dma_start3A_256 = tpu.memref_slice %arg10[%dma_start3A_255] : memref<7x!tpu.dma_semaphore, #tpu.memory_space<semaphore_mem>> -> memref<1x!tpu.dma_semaphore, #tpu.memory_space<semaphore_mem>>
    %dma_start3A_257 = tpu.memref_squeeze %dma_start3A_256 : memref<1x!tpu.dma_semaphore, #tpu.memory_space<semaphore_mem>> -> memref<!tpu.dma_semaphore, #tpu.memory_space<semaphore_mem>>
    %dma_start3A_258 = arith.constant 0 : i32
    %dma_start3A_259 = arith.constant 0 : i32
    %dma_start3A_260 = tpu.memref_slice %arg1[%add3A_19, %dma_start3A_254, %dma_start3A_258, %dma_start3A_259] : memref<32x3x512x512xf32, #tpu.memory_space<hbm>> -> memref<1x1x512x512xf32, #tpu.memory_space<hbm>>
    %dma_start3A_261 = tpu.memref_squeeze %dma_start3A_260 : memref<1x1x512x512xf32, #tpu.memory_space<hbm>> -> memref<512x512xf32, #tpu.memory_space<hbm>>
    tpu.enqueue_dma source(%dma_start3A_261 : memref<512x512xf32, #tpu.memory_space<hbm>>) target(%arg5 : memref<512x512xf32, #tpu.memory_space<vmem_shared>>) target_semaphore(%dma_start3A_257 : memref<!tpu.dma_semaphore, #tpu.memory_space<semaphore_mem>>)
    %dma_wait3A_262 = arith.constant 1 : i32
    %dma_wait3A_263 = arith.constant 4 : i32
    %dma_wait3A_264 = tpu.memref_slice %arg10[%dma_wait3A_263] : memref<7x!tpu.dma_semaphore, #tpu.memory_space<semaphore_mem>> -> memref<1x!tpu.dma_semaphore, #tpu.memory_space<semaphore_mem>>
    %dma_wait3A_265 = tpu.memref_squeeze %dma_wait3A_264 : memref<1x!tpu.dma_semaphore, #tpu.memory_space<semaphore_mem>> -> memref<!tpu.dma_semaphore, #tpu.memory_space<semaphore_mem>>
    %dma_wait3A_266 = arith.constant 0 : i32
    %dma_wait3A_267 = arith.constant 0 : i32
    %dma_wait3A_268 = tpu.memref_slice %arg1[%add3A_9, %dma_wait3A_262, %dma_wait3A_266, %dma_wait3A_267] : memref<32x3x512x512xf32, #tpu.memory_space<hbm>> -> memref<1x1x512x512xf32, #tpu.memory_space<hbm>>
    %dma_wait3A_269 = tpu.memref_squeeze %dma_wait3A_268 : memref<1x1x512x512xf32, #tpu.memory_space<hbm>> -> memref<512x512xf32, #tpu.memory_space<hbm>>
    tpu.wait_dma2 semaphore(%dma_wait3A_265 : memref<!tpu.dma_semaphore, #tpu.memory_space<semaphore_mem>>) src(%dma_wait3A_269 : memref<512x512xf32, #tpu.memory_space<hbm>>) dst(%arg7 : memref<512x512xf32, #tpu.memory_space<vmem_shared>>)
    %dma_start3A_270 = arith.constant 1 : i32
    %dma_start3A_271 = arith.constant 4 : i32
    %dma_start3A_272 = tpu.memref_slice %arg11[%dma_start3A_271] : memref<7x!tpu.dma_semaphore, #tpu.memory_space<semaphore_mem>> -> memref<1x!tpu.dma_semaphore, #tpu.memory_space<semaphore_mem>>
    %dma_start3A_273 = tpu.memref_squeeze %dma_start3A_272 : memref<1x!tpu.dma_semaphore, #tpu.memory_space<semaphore_mem>> -> memref<!tpu.dma_semaphore, #tpu.memory_space<semaphore_mem>>
    %dma_start3A_274 = arith.constant 0 : i32
    %dma_start3A_275 = arith.constant 0 : i32
    %dma_start3A_276 = tpu.memref_slice %arg2[%add3A_9, %dma_start3A_270, %dma_start3A_274, %dma_start3A_275] : memref<32x3x512x512xf32, #tpu.memory_space<hbm>> -> memref<1x1x512x512xf32, #tpu.memory_space<hbm>>
    %dma_start3A_277 = tpu.memref_squeeze %dma_start3A_276 : memref<1x1x512x512xf32, #tpu.memory_space<hbm>> -> memref<512x512xf32, #tpu.memory_space<hbm>>
    tpu.enqueue_dma source(%arg7 : memref<512x512xf32, #tpu.memory_space<vmem_shared>>) target(%dma_start3A_277 : memref<512x512xf32, #tpu.memory_space<hbm>>) target_semaphore(%dma_start3A_273 : memref<!tpu.dma_semaphore, #tpu.memory_space<semaphore_mem>>)
    %dma_wait3A_278 = arith.constant 0 : i32
    %dma_wait3A_279 = arith.constant 3 : i32
    %dma_wait3A_280 = tpu.memref_slice %arg11[%dma_wait3A_279] : memref<7x!tpu.dma_semaphore, #tpu.memory_space<semaphore_mem>> -> memref<1x!tpu.dma_semaphore, #tpu.memory_space<semaphore_mem>>
    %dma_wait3A_281 = tpu.memref_squeeze %dma_wait3A_280 : memref<1x!tpu.dma_semaphore, #tpu.memory_space<semaphore_mem>> -> memref<!tpu.dma_semaphore, #tpu.memory_space<semaphore_mem>>
    %dma_wait3A_282 = arith.constant 0 : i32
    %dma_wait3A_283 = arith.constant 0 : i32
    %dma_wait3A_284 = tpu.memref_slice %arg2[%add3A_7, %dma_wait3A_278, %dma_wait3A_282, %dma_wait3A_283] : memref<32x3x512x512xf32, #tpu.memory_space<hbm>> -> memref<1x1x512x512xf32, #tpu.memory_space<hbm>>
    %dma_wait3A_285 = tpu.memref_squeeze %dma_wait3A_284 : memref<1x1x512x512xf32, #tpu.memory_space<hbm>> -> memref<512x512xf32, #tpu.memory_space<hbm>>
    tpu.wait_dma2 semaphore(%dma_wait3A_281 : memref<!tpu.dma_semaphore, #tpu.memory_space<semaphore_mem>>) src(%arg6 : memref<512x512xf32, #tpu.memory_space<vmem_shared>>) dst(%dma_wait3A_285 : memref<512x512xf32, #tpu.memory_space<hbm>>)
    %dma_start3A_286 = arith.constant 1 : i32
    %dma_start3A_287 = arith.constant 3 : i32
    %dma_start3A_288 = tpu.memref_slice %arg10[%dma_start3A_287] : memref<7x!tpu.dma_semaphore, #tpu.memory_space<semaphore_mem>> -> memref<1x!tpu.dma_semaphore, #tpu.memory_space<semaphore_mem>>
    %dma_start3A_289 = tpu.memref_squeeze %dma_start3A_288 : memref<1x!tpu.dma_semaphore, #tpu.memory_space<semaphore_mem>> -> memref<!tpu.dma_semaphore, #tpu.memory_space<semaphore_mem>>
    %dma_start3A_290 = arith.constant 0 : i32
    %dma_start3A_291 = arith.constant 0 : i32
    %dma_start3A_292 = tpu.memref_slice %arg1[%add3A_21, %dma_start3A_286, %dma_start3A_290, %dma_start3A_291] : memref<32x3x512x512xf32, #tpu.memory_space<hbm>> -> memref<1x1x512x512xf32, #tpu.memory_space<hbm>>
    %dma_start3A_293 = tpu.memref_squeeze %dma_start3A_292 : memref<1x1x512x512xf32, #tpu.memory_space<hbm>> -> memref<512x512xf32, #tpu.memory_space<hbm>>
    tpu.enqueue_dma source(%dma_start3A_293 : memref<512x512xf32, #tpu.memory_space<hbm>>) target(%arg6 : memref<512x512xf32, #tpu.memory_space<vmem_shared>>) target_semaphore(%dma_start3A_289 : memref<!tpu.dma_semaphore, #tpu.memory_space<semaphore_mem>>)
    %dma_wait3A_294 = arith.constant 0 : i32
    %dma_wait3A_295 = arith.constant 5 : i32
    %dma_wait3A_296 = tpu.memref_slice %arg10[%dma_wait3A_295] : memref<7x!tpu.dma_semaphore, #tpu.memory_space<semaphore_mem>> -> memref<1x!tpu.dma_semaphore, #tpu.memory_space<semaphore_mem>>
    %dma_wait3A_297 = tpu.memref_squeeze %dma_wait3A_296 : memref<1x!tpu.dma_semaphore, #tpu.memory_space<semaphore_mem>> -> memref<!tpu.dma_semaphore, #tpu.memory_space<semaphore_mem>>
    %dma_wait3A_298 = arith.constant 0 : i32
    %dma_wait3A_299 = arith.constant 0 : i32
    %dma_wait3A_300 = tpu.memref_slice %arg1[%add3A_11, %dma_wait3A_294, %dma_wait3A_298, %dma_wait3A_299] : memref<32x3x512x512xf32, #tpu.memory_space<hbm>> -> memref<1x1x512x512xf32, #tpu.memory_space<hbm>>
    %dma_wait3A_301 = tpu.memref_squeeze %dma_wait3A_300 : memref<1x1x512x512xf32, #tpu.memory_space<hbm>> -> memref<512x512xf32, #tpu.memory_space<hbm>>
    tpu.wait_dma2 semaphore(%dma_wait3A_297 : memref<!tpu.dma_semaphore, #tpu.memory_space<semaphore_mem>>) src(%dma_wait3A_301 : memref<512x512xf32, #tpu.memory_space<hbm>>) dst(%arg8 : memref<512x512xf32, #tpu.memory_space<vmem_shared>>)
    %dma_start3A_302 = arith.constant 2 : i32
    %dma_start3A_303 = arith.constant 5 : i32
    %dma_start3A_304 = tpu.memref_slice %arg11[%dma_start3A_303] : memref<7x!tpu.dma_semaphore, #tpu.memory_space<semaphore_mem>> -> memref<1x!tpu.dma_semaphore, #tpu.memory_space<semaphore_mem>>
    %dma_start3A_305 = tpu.memref_squeeze %dma_start3A_304 : memref<1x!tpu.dma_semaphore, #tpu.memory_space<semaphore_mem>> -> memref<!tpu.dma_semaphore, #tpu.memory_space<semaphore_mem>>
    %dma_start3A_306 = arith.constant 0 : i32
    %dma_start3A_307 = arith.constant 0 : i32
    %dma_start3A_308 = tpu.memref_slice %arg2[%add3A_11, %dma_start3A_302, %dma_start3A_306, %dma_start3A_307] : memref<32x3x512x512xf32, #tpu.memory_space<hbm>> -> memref<1x1x512x512xf32, #tpu.memory_space<hbm>>
    %dma_start3A_309 = tpu.memref_squeeze %dma_start3A_308 : memref<1x1x512x512xf32, #tpu.memory_space<hbm>> -> memref<512x512xf32, #tpu.memory_space<hbm>>
    tpu.enqueue_dma source(%arg8 : memref<512x512xf32, #tpu.memory_space<vmem_shared>>) target(%dma_start3A_309 : memref<512x512xf32, #tpu.memory_space<hbm>>) target_semaphore(%dma_start3A_305 : memref<!tpu.dma_semaphore, #tpu.memory_space<semaphore_mem>>)
    %dma_wait3A_310 = arith.constant 1 : i32
    %dma_wait3A_311 = arith.constant 4 : i32
    %dma_wait3A_312 = tpu.memref_slice %arg11[%dma_wait3A_311] : memref<7x!tpu.dma_semaphore, #tpu.memory_space<semaphore_mem>> -> memref<1x!tpu.dma_semaphore, #tpu.memory_space<semaphore_mem>>
    %dma_wait3A_313 = tpu.memref_squeeze %dma_wait3A_312 : memref<1x!tpu.dma_semaphore, #tpu.memory_space<semaphore_mem>> -> memref<!tpu.dma_semaphore, #tpu.memory_space<semaphore_mem>>
    %dma_wait3A_314 = arith.constant 0 : i32
    %dma_wait3A_315 = arith.constant 0 : i32
    %dma_wait3A_316 = tpu.memref_slice %arg2[%add3A_9, %dma_wait3A_310, %dma_wait3A_314, %dma_wait3A_315] : memref<32x3x512x512xf32, #tpu.memory_space<hbm>> -> memref<1x1x512x512xf32, #tpu.memory_space<hbm>>
    %dma_wait3A_317 = tpu.memref_squeeze %dma_wait3A_316 : memref<1x1x512x512xf32, #tpu.memory_space<hbm>> -> memref<512x512xf32, #tpu.memory_space<hbm>>
    tpu.wait_dma2 semaphore(%dma_wait3A_313 : memref<!tpu.dma_semaphore, #tpu.memory_space<semaphore_mem>>) src(%arg7 : memref<512x512xf32, #tpu.memory_space<vmem_shared>>) dst(%dma_wait3A_317 : memref<512x512xf32, #tpu.memory_space<hbm>>)
    %dma_start3A_318 = arith.constant 0 : i32
    %dma_start3A_319 = arith.constant 4 : i32
    %dma_start3A_320 = tpu.memref_slice %arg10[%dma_start3A_319] : memref<7x!tpu.dma_semaphore, #tpu.memory_space<semaphore_mem>> -> memref<1x!tpu.dma_semaphore, #tpu.memory_space<semaphore_mem>>
    %dma_start3A_321 = tpu.memref_squeeze %dma_start3A_320 : memref<1x!tpu.dma_semaphore, #tpu.memory_space<semaphore_mem>> -> memref<!tpu.dma_semaphore, #tpu.memory_space<semaphore_mem>>
    %dma_start3A_322 = arith.constant 0 : i32
    %dma_start3A_323 = arith.constant 0 : i32
    %dma_start3A_324 = tpu.memref_slice %arg1[%add3A_23, %dma_start3A_318, %dma_start3A_322, %dma_start3A_323] : memref<32x3x512x512xf32, #tpu.memory_space<hbm>> -> memref<1x1x512x512xf32, #tpu.memory_space<hbm>>
    %dma_start3A_325 = tpu.memref_squeeze %dma_start3A_324 : memref<1x1x512x512xf32, #tpu.memory_space<hbm>> -> memref<512x512xf32, #tpu.memory_space<hbm>>
    tpu.enqueue_dma source(%dma_start3A_325 : memref<512x512xf32, #tpu.memory_space<hbm>>) target(%arg7 : memref<512x512xf32, #tpu.memory_space<vmem_shared>>) target_semaphore(%dma_start3A_321 : memref<!tpu.dma_semaphore, #tpu.memory_space<semaphore_mem>>)
    %dma_wait3A_326 = arith.constant 2 : i32
    %dma_wait3A_327 = arith.constant 6 : i32
    %dma_wait3A_328 = tpu.memref_slice %arg10[%dma_wait3A_327] : memref<7x!tpu.dma_semaphore, #tpu.memory_space<semaphore_mem>> -> memref<1x!tpu.dma_semaphore, #tpu.memory_space<semaphore_mem>>
    %dma_wait3A_329 = tpu.memref_squeeze %dma_wait3A_328 : memref<1x!tpu.dma_semaphore, #tpu.memory_space<semaphore_mem>> -> memref<!tpu.dma_semaphore, #tpu.memory_space<semaphore_mem>>
    %dma_wait3A_330 = arith.constant 0 : i32
    %dma_wait3A_331 = arith.constant 0 : i32
    %dma_wait3A_332 = tpu.memref_slice %arg1[%add3A_13, %dma_wait3A_326, %dma_wait3A_330, %dma_wait3A_331] : memref<32x3x512x512xf32, #tpu.memory_space<hbm>> -> memref<1x1x512x512xf32, #tpu.memory_space<hbm>>
    %dma_wait3A_333 = tpu.memref_squeeze %dma_wait3A_332 : memref<1x1x512x512xf32, #tpu.memory_space<hbm>> -> memref<512x512xf32, #tpu.memory_space<hbm>>
    tpu.wait_dma2 semaphore(%dma_wait3A_329 : memref<!tpu.dma_semaphore, #tpu.memory_space<semaphore_mem>>) src(%dma_wait3A_333 : memref<512x512xf32, #tpu.memory_space<hbm>>) dst(%arg9 : memref<512x512xf32, #tpu.memory_space<vmem_shared>>)
    %dma_start3A_334 = arith.constant 0 : i32
    %dma_start3A_335 = arith.constant 6 : i32
    %dma_start3A_336 = tpu.memref_slice %arg11[%dma_start3A_335] : memref<7x!tpu.dma_semaphore, #tpu.memory_space<semaphore_mem>> -> memref<1x!tpu.dma_semaphore, #tpu.memory_space<semaphore_mem>>
    %dma_start3A_337 = tpu.memref_squeeze %dma_start3A_336 : memref<1x!tpu.dma_semaphore, #tpu.memory_space<semaphore_mem>> -> memref<!tpu.dma_semaphore, #tpu.memory_space<semaphore_mem>>
    %dma_start3A_338 = arith.constant 0 : i32
    %dma_start3A_339 = arith.constant 0 : i32
    %dma_start3A_340 = tpu.memref_slice %arg2[%add3A_13, %dma_start3A_334, %dma_start3A_338, %dma_start3A_339] : memref<32x3x512x512xf32, #tpu.memory_space<hbm>> -> memref<1x1x512x512xf32, #tpu.memory_space<hbm>>
    %dma_start3A_341 = tpu.memref_squeeze %dma_start3A_340 : memref<1x1x512x512xf32, #tpu.memory_space<hbm>> -> memref<512x512xf32, #tpu.memory_space<hbm>>
    tpu.enqueue_dma source(%arg9 : memref<512x512xf32, #tpu.memory_space<vmem_shared>>) target(%dma_start3A_341 : memref<512x512xf32, #tpu.memory_space<hbm>>) target_semaphore(%dma_start3A_337 : memref<!tpu.dma_semaphore, #tpu.memory_space<semaphore_mem>>)
    %dma_wait3A_342 = arith.constant 2 : i32
    %dma_wait3A_343 = arith.constant 5 : i32
    %dma_wait3A_344 = tpu.memref_slice %arg11[%dma_wait3A_343] : memref<7x!tpu.dma_semaphore, #tpu.memory_space<semaphore_mem>> -> memref<1x!tpu.dma_semaphore, #tpu.memory_space<semaphore_mem>>
    %dma_wait3A_345 = tpu.memref_squeeze %dma_wait3A_344 : memref<1x!tpu.dma_semaphore, #tpu.memory_space<semaphore_mem>> -> memref<!tpu.dma_semaphore, #tpu.memory_space<semaphore_mem>>
    %dma_wait3A_346 = arith.constant 0 : i32
    %dma_wait3A_347 = arith.constant 0 : i32
    %dma_wait3A_348 = tpu.memref_slice %arg2[%add3A_11, %dma_wait3A_342, %dma_wait3A_346, %dma_wait3A_347] : memref<32x3x512x512xf32, #tpu.memory_space<hbm>> -> memref<1x1x512x512xf32, #tpu.memory_space<hbm>>
    %dma_wait3A_349 = tpu.memref_squeeze %dma_wait3A_348 : memref<1x1x512x512xf32, #tpu.memory_space<hbm>> -> memref<512x512xf32, #tpu.memory_space<hbm>>
    tpu.wait_dma2 semaphore(%dma_wait3A_345 : memref<!tpu.dma_semaphore, #tpu.memory_space<semaphore_mem>>) src(%arg8 : memref<512x512xf32, #tpu.memory_space<vmem_shared>>) dst(%dma_wait3A_349 : memref<512x512xf32, #tpu.memory_space<hbm>>)
    %dma_start3A_350 = arith.constant 2 : i32
    %dma_start3A_351 = arith.constant 5 : i32
    %dma_start3A_352 = tpu.memref_slice %arg10[%dma_start3A_351] : memref<7x!tpu.dma_semaphore, #tpu.memory_space<semaphore_mem>> -> memref<1x!tpu.dma_semaphore, #tpu.memory_space<semaphore_mem>>
    %dma_start3A_353 = tpu.memref_squeeze %dma_start3A_352 : memref<1x!tpu.dma_semaphore, #tpu.memory_space<semaphore_mem>> -> memref<!tpu.dma_semaphore, #tpu.memory_space<semaphore_mem>>
    %dma_start3A_354 = arith.constant 0 : i32
    %dma_start3A_355 = arith.constant 0 : i32
    %dma_start3A_356 = tpu.memref_slice %arg1[%add3A_25, %dma_start3A_350, %dma_start3A_354, %dma_start3A_355] : memref<32x3x512x512xf32, #tpu.memory_space<hbm>> -> memref<1x1x512x512xf32, #tpu.memory_space<hbm>>
    %dma_start3A_357 = tpu.memref_squeeze %dma_start3A_356 : memref<1x1x512x512xf32, #tpu.memory_space<hbm>> -> memref<512x512xf32, #tpu.memory_space<hbm>>
    tpu.enqueue_dma source(%dma_start3A_357 : memref<512x512xf32, #tpu.memory_space<hbm>>) target(%arg8 : memref<512x512xf32, #tpu.memory_space<vmem_shared>>) target_semaphore(%dma_start3A_353 : memref<!tpu.dma_semaphore, #tpu.memory_space<semaphore_mem>>)
    %dma_wait3A_358 = arith.constant 1 : i32
    %dma_wait3A_359 = arith.constant 0 : i32
    %dma_wait3A_360 = tpu.memref_slice %arg10[%dma_wait3A_359] : memref<7x!tpu.dma_semaphore, #tpu.memory_space<semaphore_mem>> -> memref<1x!tpu.dma_semaphore, #tpu.memory_space<semaphore_mem>>
    %dma_wait3A_361 = tpu.memref_squeeze %dma_wait3A_360 : memref<1x!tpu.dma_semaphore, #tpu.memory_space<semaphore_mem>> -> memref<!tpu.dma_semaphore, #tpu.memory_space<semaphore_mem>>
    %dma_wait3A_362 = arith.constant 0 : i32
    %dma_wait3A_363 = arith.constant 0 : i32
    %dma_wait3A_364 = tpu.memref_slice %arg1[%add3A_15, %dma_wait3A_358, %dma_wait3A_362, %dma_wait3A_363] : memref<32x3x512x512xf32, #tpu.memory_space<hbm>> -> memref<1x1x512x512xf32, #tpu.memory_space<hbm>>
    %dma_wait3A_365 = tpu.memref_squeeze %dma_wait3A_364 : memref<1x1x512x512xf32, #tpu.memory_space<hbm>> -> memref<512x512xf32, #tpu.memory_space<hbm>>
    tpu.wait_dma2 semaphore(%dma_wait3A_361 : memref<!tpu.dma_semaphore, #tpu.memory_space<semaphore_mem>>) src(%dma_wait3A_365 : memref<512x512xf32, #tpu.memory_space<hbm>>) dst(%arg3 : memref<512x512xf32, #tpu.memory_space<vmem_shared>>)
    %dma_start3A_366 = arith.constant 1 : i32
    %dma_start3A_367 = arith.constant 0 : i32
    %dma_start3A_368 = tpu.memref_slice %arg11[%dma_start3A_367] : memref<7x!tpu.dma_semaphore, #tpu.memory_space<semaphore_mem>> -> memref<1x!tpu.dma_semaphore, #tpu.memory_space<semaphore_mem>>
    %dma_start3A_369 = tpu.memref_squeeze %dma_start3A_368 : memref<1x!tpu.dma_semaphore, #tpu.memory_space<semaphore_mem>> -> memref<!tpu.dma_semaphore, #tpu.memory_space<semaphore_mem>>
    %dma_start3A_370 = arith.constant 0 : i32
    %dma_start3A_371 = arith.constant 0 : i32
    %dma_start3A_372 = tpu.memref_slice %arg2[%add3A_15, %dma_start3A_366, %dma_start3A_370, %dma_start3A_371] : memref<32x3x512x512xf32, #tpu.memory_space<hbm>> -> memref<1x1x512x512xf32, #tpu.memory_space<hbm>>
    %dma_start3A_373 = tpu.memref_squeeze %dma_start3A_372 : memref<1x1x512x512xf32, #tpu.memory_space<hbm>> -> memref<512x512xf32, #tpu.memory_space<hbm>>
    tpu.enqueue_dma source(%arg3 : memref<512x512xf32, #tpu.memory_space<vmem_shared>>) target(%dma_start3A_373 : memref<512x512xf32, #tpu.memory_space<hbm>>) target_semaphore(%dma_start3A_369 : memref<!tpu.dma_semaphore, #tpu.memory_space<semaphore_mem>>)
    %dma_wait3A_374 = arith.constant 0 : i32
    %dma_wait3A_375 = arith.constant 6 : i32
    %dma_wait3A_376 = tpu.memref_slice %arg11[%dma_wait3A_375] : memref<7x!tpu.dma_semaphore, #tpu.memory_space<semaphore_mem>> -> memref<1x!tpu.dma_semaphore, #tpu.memory_space<semaphore_mem>>
    %dma_wait3A_377 = tpu.memref_squeeze %dma_wait3A_376 : memref<1x!tpu.dma_semaphore, #tpu.memory_space<semaphore_mem>> -> memref<!tpu.dma_semaphore, #tpu.memory_space<semaphore_mem>>
    %dma_wait3A_378 = arith.constant 0 : i32
    %dma_wait3A_379 = arith.constant 0 : i32
    %dma_wait3A_380 = tpu.memref_slice %arg2[%add3A_13, %dma_wait3A_374, %dma_wait3A_378, %dma_wait3A_379] : memref<32x3x512x512xf32, #tpu.memory_space<hbm>> -> memref<1x1x512x512xf32, #tpu.memory_space<hbm>>
    %dma_wait3A_381 = tpu.memref_squeeze %dma_wait3A_380 : memref<1x1x512x512xf32, #tpu.memory_space<hbm>> -> memref<512x512xf32, #tpu.memory_space<hbm>>
    tpu.wait_dma2 semaphore(%dma_wait3A_377 : memref<!tpu.dma_semaphore, #tpu.memory_space<semaphore_mem>>) src(%arg9 : memref<512x512xf32, #tpu.memory_space<vmem_shared>>) dst(%dma_wait3A_381 : memref<512x512xf32, #tpu.memory_space<hbm>>)
    %dma_start3A_382 = arith.constant 1 : i32
    %dma_start3A_383 = arith.constant 6 : i32
    %dma_start3A_384 = tpu.memref_slice %arg10[%dma_start3A_383] : memref<7x!tpu.dma_semaphore, #tpu.memory_space<semaphore_mem>> -> memref<1x!tpu.dma_semaphore, #tpu.memory_space<semaphore_mem>>
    %dma_start3A_385 = tpu.memref_squeeze %dma_start3A_384 : memref<1x!tpu.dma_semaphore, #tpu.memory_space<semaphore_mem>> -> memref<!tpu.dma_semaphore, #tpu.memory_space<semaphore_mem>>
    %dma_start3A_386 = arith.constant 0 : i32
    %dma_start3A_387 = arith.constant 0 : i32
    %dma_start3A_388 = tpu.memref_slice %arg1[%add3A_27, %dma_start3A_382, %dma_start3A_386, %dma_start3A_387] : memref<32x3x512x512xf32, #tpu.memory_space<hbm>> -> memref<1x1x512x512xf32, #tpu.memory_space<hbm>>
    %dma_start3A_389 = tpu.memref_squeeze %dma_start3A_388 : memref<1x1x512x512xf32, #tpu.memory_space<hbm>> -> memref<512x512xf32, #tpu.memory_space<hbm>>
    tpu.enqueue_dma source(%dma_start3A_389 : memref<512x512xf32, #tpu.memory_space<hbm>>) target(%arg9 : memref<512x512xf32, #tpu.memory_space<vmem_shared>>) target_semaphore(%dma_start3A_385 : memref<!tpu.dma_semaphore, #tpu.memory_space<semaphore_mem>>)
    %dma_wait3A_390 = arith.constant 0 : i32
    %dma_wait3A_391 = arith.constant 1 : i32
    %dma_wait3A_392 = tpu.memref_slice %arg10[%dma_wait3A_391] : memref<7x!tpu.dma_semaphore, #tpu.memory_space<semaphore_mem>> -> memref<1x!tpu.dma_semaphore, #tpu.memory_space<semaphore_mem>>
    %dma_wait3A_393 = tpu.memref_squeeze %dma_wait3A_392 : memref<1x!tpu.dma_semaphore, #tpu.memory_space<semaphore_mem>> -> memref<!tpu.dma_semaphore, #tpu.memory_space<semaphore_mem>>
    %dma_wait3A_394 = arith.constant 0 : i32
    %dma_wait3A_395 = arith.constant 0 : i32
    %dma_wait3A_396 = tpu.memref_slice %arg1[%add3A_17, %dma_wait3A_390, %dma_wait3A_394, %dma_wait3A_395] : memref<32x3x512x512xf32, #tpu.memory_space<hbm>> -> memref<1x1x512x512xf32, #tpu.memory_space<hbm>>
    %dma_wait3A_397 = tpu.memref_squeeze %dma_wait3A_396 : memref<1x1x512x512xf32, #tpu.memory_space<hbm>> -> memref<512x512xf32, #tpu.memory_space<hbm>>
    tpu.wait_dma2 semaphore(%dma_wait3A_393 : memref<!tpu.dma_semaphore, #tpu.memory_space<semaphore_mem>>) src(%dma_wait3A_397 : memref<512x512xf32, #tpu.memory_space<hbm>>) dst(%arg4 : memref<512x512xf32, #tpu.memory_space<vmem_shared>>)
    %dma_start3A_398 = arith.constant 2 : i32
    %dma_start3A_399 = arith.constant 1 : i32
    %dma_start3A_400 = tpu.memref_slice %arg11[%dma_start3A_399] : memref<7x!tpu.dma_semaphore, #tpu.memory_space<semaphore_mem>> -> memref<1x!tpu.dma_semaphore, #tpu.memory_space<semaphore_mem>>
    %dma_start3A_401 = tpu.memref_squeeze %dma_start3A_400 : memref<1x!tpu.dma_semaphore, #tpu.memory_space<semaphore_mem>> -> memref<!tpu.dma_semaphore, #tpu.memory_space<semaphore_mem>>
    %dma_start3A_402 = arith.constant 0 : i32
    %dma_start3A_403 = arith.constant 0 : i32
    %dma_start3A_404 = tpu.memref_slice %arg2[%add3A_17, %dma_start3A_398, %dma_start3A_402, %dma_start3A_403] : memref<32x3x512x512xf32, #tpu.memory_space<hbm>> -> memref<1x1x512x512xf32, #tpu.memory_space<hbm>>
    %dma_start3A_405 = tpu.memref_squeeze %dma_start3A_404 : memref<1x1x512x512xf32, #tpu.memory_space<hbm>> -> memref<512x512xf32, #tpu.memory_space<hbm>>
    tpu.enqueue_dma source(%arg4 : memref<512x512xf32, #tpu.memory_space<vmem_shared>>) target(%dma_start3A_405 : memref<512x512xf32, #tpu.memory_space<hbm>>) target_semaphore(%dma_start3A_401 : memref<!tpu.dma_semaphore, #tpu.memory_space<semaphore_mem>>)
    %dma_wait3A_406 = arith.constant 1 : i32
    %dma_wait3A_407 = arith.constant 0 : i32
    %dma_wait3A_408 = tpu.memref_slice %arg11[%dma_wait3A_407] : memref<7x!tpu.dma_semaphore, #tpu.memory_space<semaphore_mem>> -> memref<1x!tpu.dma_semaphore, #tpu.memory_space<semaphore_mem>>
    %dma_wait3A_409 = tpu.memref_squeeze %dma_wait3A_408 : memref<1x!tpu.dma_semaphore, #tpu.memory_space<semaphore_mem>> -> memref<!tpu.dma_semaphore, #tpu.memory_space<semaphore_mem>>
    %dma_wait3A_410 = arith.constant 0 : i32
    %dma_wait3A_411 = arith.constant 0 : i32
    %dma_wait3A_412 = tpu.memref_slice %arg2[%add3A_15, %dma_wait3A_406, %dma_wait3A_410, %dma_wait3A_411] : memref<32x3x512x512xf32, #tpu.memory_space<hbm>> -> memref<1x1x512x512xf32, #tpu.memory_space<hbm>>
    %dma_wait3A_413 = tpu.memref_squeeze %dma_wait3A_412 : memref<1x1x512x512xf32, #tpu.memory_space<hbm>> -> memref<512x512xf32, #tpu.memory_space<hbm>>
    tpu.wait_dma2 semaphore(%dma_wait3A_409 : memref<!tpu.dma_semaphore, #tpu.memory_space<semaphore_mem>>) src(%arg3 : memref<512x512xf32, #tpu.memory_space<vmem_shared>>) dst(%dma_wait3A_413 : memref<512x512xf32, #tpu.memory_space<hbm>>)
    %dma_start3A_414 = arith.constant 0 : i32
    %dma_start3A_415 = arith.constant 0 : i32
    %dma_start3A_416 = tpu.memref_slice %arg10[%dma_start3A_415] : memref<7x!tpu.dma_semaphore, #tpu.memory_space<semaphore_mem>> -> memref<1x!tpu.dma_semaphore, #tpu.memory_space<semaphore_mem>>
    %dma_start3A_417 = tpu.memref_squeeze %dma_start3A_416 : memref<1x!tpu.dma_semaphore, #tpu.memory_space<semaphore_mem>> -> memref<!tpu.dma_semaphore, #tpu.memory_space<semaphore_mem>>
    %dma_start3A_418 = arith.constant 0 : i32
    %dma_start3A_419 = arith.constant 0 : i32
    %dma_start3A_420 = tpu.memref_slice %arg1[%add3A_29, %dma_start3A_414, %dma_start3A_418, %dma_start3A_419] : memref<32x3x512x512xf32, #tpu.memory_space<hbm>> -> memref<1x1x512x512xf32, #tpu.memory_space<hbm>>
    %dma_start3A_421 = tpu.memref_squeeze %dma_start3A_420 : memref<1x1x512x512xf32, #tpu.memory_space<hbm>> -> memref<512x512xf32, #tpu.memory_space<hbm>>
    tpu.enqueue_dma source(%dma_start3A_421 : memref<512x512xf32, #tpu.memory_space<hbm>>) target(%arg3 : memref<512x512xf32, #tpu.memory_space<vmem_shared>>) target_semaphore(%dma_start3A_417 : memref<!tpu.dma_semaphore, #tpu.memory_space<semaphore_mem>>)
    %dma_wait3A_422 = arith.constant 2 : i32
    %dma_wait3A_423 = arith.constant 2 : i32
    %dma_wait3A_424 = tpu.memref_slice %arg10[%dma_wait3A_423] : memref<7x!tpu.dma_semaphore, #tpu.memory_space<semaphore_mem>> -> memref<1x!tpu.dma_semaphore, #tpu.memory_space<semaphore_mem>>
    %dma_wait3A_425 = tpu.memref_squeeze %dma_wait3A_424 : memref<1x!tpu.dma_semaphore, #tpu.memory_space<semaphore_mem>> -> memref<!tpu.dma_semaphore, #tpu.memory_space<semaphore_mem>>
    %dma_wait3A_426 = arith.constant 0 : i32
    %dma_wait3A_427 = arith.constant 0 : i32
    %dma_wait3A_428 = tpu.memref_slice %arg1[%add3A_19, %dma_wait3A_422, %dma_wait3A_426, %dma_wait3A_427] : memref<32x3x512x512xf32, #tpu.memory_space<hbm>> -> memref<1x1x512x512xf32, #tpu.memory_space<hbm>>
    %dma_wait3A_429 = tpu.memref_squeeze %dma_wait3A_428 : memref<1x1x512x512xf32, #tpu.memory_space<hbm>> -> memref<512x512xf32, #tpu.memory_space<hbm>>
    tpu.wait_dma2 semaphore(%dma_wait3A_425 : memref<!tpu.dma_semaphore, #tpu.memory_space<semaphore_mem>>) src(%dma_wait3A_429 : memref<512x512xf32, #tpu.memory_space<hbm>>) dst(%arg5 : memref<512x512xf32, #tpu.memory_space<vmem_shared>>)
    %dma_start3A_430 = arith.constant 0 : i32
    %dma_start3A_431 = arith.constant 2 : i32
    %dma_start3A_432 = tpu.memref_slice %arg11[%dma_start3A_431] : memref<7x!tpu.dma_semaphore, #tpu.memory_space<semaphore_mem>> -> memref<1x!tpu.dma_semaphore, #tpu.memory_space<semaphore_mem>>
    %dma_start3A_433 = tpu.memref_squeeze %dma_start3A_432 : memref<1x!tpu.dma_semaphore, #tpu.memory_space<semaphore_mem>> -> memref<!tpu.dma_semaphore, #tpu.memory_space<semaphore_mem>>
    %dma_start3A_434 = arith.constant 0 : i32
    %dma_start3A_435 = arith.constant 0 : i32
    %dma_start3A_436 = tpu.memref_slice %arg2[%add3A_19, %dma_start3A_430, %dma_start3A_434, %dma_start3A_435] : memref<32x3x512x512xf32, #tpu.memory_space<hbm>> -> memref<1x1x512x512xf32, #tpu.memory_space<hbm>>
    %dma_start3A_437 = tpu.memref_squeeze %dma_start3A_436 : memref<1x1x512x512xf32, #tpu.memory_space<hbm>> -> memref<512x512xf32, #tpu.memory_space<hbm>>
    tpu.enqueue_dma source(%arg5 : memref<512x512xf32, #tpu.memory_space<vmem_shared>>) target(%dma_start3A_437 : memref<512x512xf32, #tpu.memory_space<hbm>>) target_semaphore(%dma_start3A_433 : memref<!tpu.dma_semaphore, #tpu.memory_space<semaphore_mem>>)
    %dma_wait3A_438 = arith.constant 2 : i32
    %dma_wait3A_439 = arith.constant 1 : i32
    %dma_wait3A_440 = tpu.memref_slice %arg11[%dma_wait3A_439] : memref<7x!tpu.dma_semaphore, #tpu.memory_space<semaphore_mem>> -> memref<1x!tpu.dma_semaphore, #tpu.memory_space<semaphore_mem>>
    %dma_wait3A_441 = tpu.memref_squeeze %dma_wait3A_440 : memref<1x!tpu.dma_semaphore, #tpu.memory_space<semaphore_mem>> -> memref<!tpu.dma_semaphore, #tpu.memory_space<semaphore_mem>>
    %dma_wait3A_442 = arith.constant 0 : i32
    %dma_wait3A_443 = arith.constant 0 : i32
    %dma_wait3A_444 = tpu.memref_slice %arg2[%add3A_17, %dma_wait3A_438, %dma_wait3A_442, %dma_wait3A_443] : memref<32x3x512x512xf32, #tpu.memory_space<hbm>> -> memref<1x1x512x512xf32, #tpu.memory_space<hbm>>
    %dma_wait3A_445 = tpu.memref_squeeze %dma_wait3A_444 : memref<1x1x512x512xf32, #tpu.memory_space<hbm>> -> memref<512x512xf32, #tpu.memory_space<hbm>>
    tpu.wait_dma2 semaphore(%dma_wait3A_441 : memref<!tpu.dma_semaphore, #tpu.memory_space<semaphore_mem>>) src(%arg4 : memref<512x512xf32, #tpu.memory_space<vmem_shared>>) dst(%dma_wait3A_445 : memref<512x512xf32, #tpu.memory_space<hbm>>)
    %dma_start3A_446 = arith.constant 2 : i32
    %dma_start3A_447 = arith.constant 1 : i32
    %dma_start3A_448 = tpu.memref_slice %arg10[%dma_start3A_447] : memref<7x!tpu.dma_semaphore, #tpu.memory_space<semaphore_mem>> -> memref<1x!tpu.dma_semaphore, #tpu.memory_space<semaphore_mem>>
    %dma_start3A_449 = tpu.memref_squeeze %dma_start3A_448 : memref<1x!tpu.dma_semaphore, #tpu.memory_space<semaphore_mem>> -> memref<!tpu.dma_semaphore, #tpu.memory_space<semaphore_mem>>
    %dma_start3A_450 = arith.constant 0 : i32
    %dma_start3A_451 = arith.constant 0 : i32
    %dma_start3A_452 = tpu.memref_slice %arg1[%add3A_31, %dma_start3A_446, %dma_start3A_450, %dma_start3A_451] : memref<32x3x512x512xf32, #tpu.memory_space<hbm>> -> memref<1x1x512x512xf32, #tpu.memory_space<hbm>>
    %dma_start3A_453 = tpu.memref_squeeze %dma_start3A_452 : memref<1x1x512x512xf32, #tpu.memory_space<hbm>> -> memref<512x512xf32, #tpu.memory_space<hbm>>
    tpu.enqueue_dma source(%dma_start3A_453 : memref<512x512xf32, #tpu.memory_space<hbm>>) target(%arg4 : memref<512x512xf32, #tpu.memory_space<vmem_shared>>) target_semaphore(%dma_start3A_449 : memref<!tpu.dma_semaphore, #tpu.memory_space<semaphore_mem>>)
    %dma_wait3A_454 = arith.constant 1 : i32
    %dma_wait3A_455 = arith.constant 3 : i32
    %dma_wait3A_456 = tpu.memref_slice %arg10[%dma_wait3A_455] : memref<7x!tpu.dma_semaphore, #tpu.memory_space<semaphore_mem>> -> memref<1x!tpu.dma_semaphore, #tpu.memory_space<semaphore_mem>>
    %dma_wait3A_457 = tpu.memref_squeeze %dma_wait3A_456 : memref<1x!tpu.dma_semaphore, #tpu.memory_space<semaphore_mem>> -> memref<!tpu.dma_semaphore, #tpu.memory_space<semaphore_mem>>
    %dma_wait3A_458 = arith.constant 0 : i32
    %dma_wait3A_459 = arith.constant 0 : i32
    %dma_wait3A_460 = tpu.memref_slice %arg1[%add3A_21, %dma_wait3A_454, %dma_wait3A_458, %dma_wait3A_459] : memref<32x3x512x512xf32, #tpu.memory_space<hbm>> -> memref<1x1x512x512xf32, #tpu.memory_space<hbm>>
    %dma_wait3A_461 = tpu.memref_squeeze %dma_wait3A_460 : memref<1x1x512x512xf32, #tpu.memory_space<hbm>> -> memref<512x512xf32, #tpu.memory_space<hbm>>
    tpu.wait_dma2 semaphore(%dma_wait3A_457 : memref<!tpu.dma_semaphore, #tpu.memory_space<semaphore_mem>>) src(%dma_wait3A_461 : memref<512x512xf32, #tpu.memory_space<hbm>>) dst(%arg6 : memref<512x512xf32, #tpu.memory_space<vmem_shared>>)
    %dma_start3A_462 = arith.constant 1 : i32
    %dma_start3A_463 = arith.constant 3 : i32
    %dma_start3A_464 = tpu.memref_slice %arg11[%dma_start3A_463] : memref<7x!tpu.dma_semaphore, #tpu.memory_space<semaphore_mem>> -> memref<1x!tpu.dma_semaphore, #tpu.memory_space<semaphore_mem>>
    %dma_start3A_465 = tpu.memref_squeeze %dma_start3A_464 : memref<1x!tpu.dma_semaphore, #tpu.memory_space<semaphore_mem>> -> memref<!tpu.dma_semaphore, #tpu.memory_space<semaphore_mem>>
    %dma_start3A_466 = arith.constant 0 : i32
    %dma_start3A_467 = arith.constant 0 : i32
    %dma_start3A_468 = tpu.memref_slice %arg2[%add3A_21, %dma_start3A_462, %dma_start3A_466, %dma_start3A_467] : memref<32x3x512x512xf32, #tpu.memory_space<hbm>> -> memref<1x1x512x512xf32, #tpu.memory_space<hbm>>
    %dma_start3A_469 = tpu.memref_squeeze %dma_start3A_468 : memref<1x1x512x512xf32, #tpu.memory_space<hbm>> -> memref<512x512xf32, #tpu.memory_space<hbm>>
    tpu.enqueue_dma source(%arg6 : memref<512x512xf32, #tpu.memory_space<vmem_shared>>) target(%dma_start3A_469 : memref<512x512xf32, #tpu.memory_space<hbm>>) target_semaphore(%dma_start3A_465 : memref<!tpu.dma_semaphore, #tpu.memory_space<semaphore_mem>>)
    %dma_wait3A_470 = arith.constant 0 : i32
    %dma_wait3A_471 = arith.constant 2 : i32
    %dma_wait3A_472 = tpu.memref_slice %arg11[%dma_wait3A_471] : memref<7x!tpu.dma_semaphore, #tpu.memory_space<semaphore_mem>> -> memref<1x!tpu.dma_semaphore, #tpu.memory_space<semaphore_mem>>
    %dma_wait3A_473 = tpu.memref_squeeze %dma_wait3A_472 : memref<1x!tpu.dma_semaphore, #tpu.memory_space<semaphore_mem>> -> memref<!tpu.dma_semaphore, #tpu.memory_space<semaphore_mem>>
    %dma_wait3A_474 = arith.constant 0 : i32
    %dma_wait3A_475 = arith.constant 0 : i32
    %dma_wait3A_476 = tpu.memref_slice %arg2[%add3A_19, %dma_wait3A_470, %dma_wait3A_474, %dma_wait3A_475] : memref<32x3x512x512xf32, #tpu.memory_space<hbm>> -> memref<1x1x512x512xf32, #tpu.memory_space<hbm>>
    %dma_wait3A_477 = tpu.memref_squeeze %dma_wait3A_476 : memref<1x1x512x512xf32, #tpu.memory_space<hbm>> -> memref<512x512xf32, #tpu.memory_space<hbm>>
    tpu.wait_dma2 semaphore(%dma_wait3A_473 : memref<!tpu.dma_semaphore, #tpu.memory_space<semaphore_mem>>) src(%arg5 : memref<512x512xf32, #tpu.memory_space<vmem_shared>>) dst(%dma_wait3A_477 : memref<512x512xf32, #tpu.memory_space<hbm>>)
    %dma_start3A_478 = arith.constant 1 : i32
    %dma_start3A_479 = arith.constant 2 : i32
    %dma_start3A_480 = tpu.memref_slice %arg10[%dma_start3A_479] : memref<7x!tpu.dma_semaphore, #tpu.memory_space<semaphore_mem>> -> memref<1x!tpu.dma_semaphore, #tpu.memory_space<semaphore_mem>>
    %dma_start3A_481 = tpu.memref_squeeze %dma_start3A_480 : memref<1x!tpu.dma_semaphore, #tpu.memory_space<semaphore_mem>> -> memref<!tpu.dma_semaphore, #tpu.memory_space<semaphore_mem>>
    %dma_start3A_482 = arith.constant 0 : i32
    %dma_start3A_483 = arith.constant 0 : i32
    %dma_start3A_484 = tpu.memref_slice %arg1[%add3A_33, %dma_start3A_478, %dma_start3A_482, %dma_start3A_483] : memref<32x3x512x512xf32, #tpu.memory_space<hbm>> -> memref<1x1x512x512xf32, #tpu.memory_space<hbm>>
    %dma_start3A_485 = tpu.memref_squeeze %dma_start3A_484 : memref<1x1x512x512xf32, #tpu.memory_space<hbm>> -> memref<512x512xf32, #tpu.memory_space<hbm>>
    tpu.enqueue_dma source(%dma_start3A_485 : memref<512x512xf32, #tpu.memory_space<hbm>>) target(%arg5 : memref<512x512xf32, #tpu.memory_space<vmem_shared>>) target_semaphore(%dma_start3A_481 : memref<!tpu.dma_semaphore, #tpu.memory_space<semaphore_mem>>)
    %dma_wait3A_486 = arith.constant 0 : i32
    %dma_wait3A_487 = arith.constant 4 : i32
    %dma_wait3A_488 = tpu.memref_slice %arg10[%dma_wait3A_487] : memref<7x!tpu.dma_semaphore, #tpu.memory_space<semaphore_mem>> -> memref<1x!tpu.dma_semaphore, #tpu.memory_space<semaphore_mem>>
    %dma_wait3A_489 = tpu.memref_squeeze %dma_wait3A_488 : memref<1x!tpu.dma_semaphore, #tpu.memory_space<semaphore_mem>> -> memref<!tpu.dma_semaphore, #tpu.memory_space<semaphore_mem>>
    %dma_wait3A_490 = arith.constant 0 : i32
    %dma_wait3A_491 = arith.constant 0 : i32
    %dma_wait3A_492 = tpu.memref_slice %arg1[%add3A_23, %dma_wait3A_486, %dma_wait3A_490, %dma_wait3A_491] : memref<32x3x512x512xf32, #tpu.memory_space<hbm>> -> memref<1x1x512x512xf32, #tpu.memory_space<hbm>>
    %dma_wait3A_493 = tpu.memref_squeeze %dma_wait3A_492 : memref<1x1x512x512xf32, #tpu.memory_space<hbm>> -> memref<512x512xf32, #tpu.memory_space<hbm>>
    tpu.wait_dma2 semaphore(%dma_wait3A_489 : memref<!tpu.dma_semaphore, #tpu.memory_space<semaphore_mem>>) src(%dma_wait3A_493 : memref<512x512xf32, #tpu.memory_space<hbm>>) dst(%arg7 : memref<512x512xf32, #tpu.memory_space<vmem_shared>>)
    %dma_start3A_494 = arith.constant 2 : i32
    %dma_start3A_495 = arith.constant 4 : i32
    %dma_start3A_496 = tpu.memref_slice %arg11[%dma_start3A_495] : memref<7x!tpu.dma_semaphore, #tpu.memory_space<semaphore_mem>> -> memref<1x!tpu.dma_semaphore, #tpu.memory_space<semaphore_mem>>
    %dma_start3A_497 = tpu.memref_squeeze %dma_start3A_496 : memref<1x!tpu.dma_semaphore, #tpu.memory_space<semaphore_mem>> -> memref<!tpu.dma_semaphore, #tpu.memory_space<semaphore_mem>>
    %dma_start3A_498 = arith.constant 0 : i32
    %dma_start3A_499 = arith.constant 0 : i32
    %dma_start3A_500 = tpu.memref_slice %arg2[%add3A_23, %dma_start3A_494, %dma_start3A_498, %dma_start3A_499] : memref<32x3x512x512xf32, #tpu.memory_space<hbm>> -> memref<1x1x512x512xf32, #tpu.memory_space<hbm>>
    %dma_start3A_501 = tpu.memref_squeeze %dma_start3A_500 : memref<1x1x512x512xf32, #tpu.memory_space<hbm>> -> memref<512x512xf32, #tpu.memory_space<hbm>>
    tpu.enqueue_dma source(%arg7 : memref<512x512xf32, #tpu.memory_space<vmem_shared>>) target(%dma_start3A_501 : memref<512x512xf32, #tpu.memory_space<hbm>>) target_semaphore(%dma_start3A_497 : memref<!tpu.dma_semaphore, #tpu.memory_space<semaphore_mem>>)
    %dma_wait3A_502 = arith.constant 1 : i32
    %dma_wait3A_503 = arith.constant 3 : i32
    %dma_wait3A_504 = tpu.memref_slice %arg11[%dma_wait3A_503] : memref<7x!tpu.dma_semaphore, #tpu.memory_space<semaphore_mem>> -> memref<1x!tpu.dma_semaphore, #tpu.memory_space<semaphore_mem>>
    %dma_wait3A_505 = tpu.memref_squeeze %dma_wait3A_504 : memref<1x!tpu.dma_semaphore, #tpu.memory_space<semaphore_mem>> -> memref<!tpu.dma_semaphore, #tpu.memory_space<semaphore_mem>>
    %dma_wait3A_506 = arith.constant 0 : i32
    %dma_wait3A_507 = arith.constant 0 : i32
    %dma_wait3A_508 = tpu.memref_slice %arg2[%add3A_21, %dma_wait3A_502, %dma_wait3A_506, %dma_wait3A_507] : memref<32x3x512x512xf32, #tpu.memory_space<hbm>> -> memref<1x1x512x512xf32, #tpu.memory_space<hbm>>
    %dma_wait3A_509 = tpu.memref_squeeze %dma_wait3A_508 : memref<1x1x512x512xf32, #tpu.memory_space<hbm>> -> memref<512x512xf32, #tpu.memory_space<hbm>>
    tpu.wait_dma2 semaphore(%dma_wait3A_505 : memref<!tpu.dma_semaphore, #tpu.memory_space<semaphore_mem>>) src(%arg6 : memref<512x512xf32, #tpu.memory_space<vmem_shared>>) dst(%dma_wait3A_509 : memref<512x512xf32, #tpu.memory_space<hbm>>)
    %dma_start3A_510 = arith.constant 0 : i32
    %dma_start3A_511 = arith.constant 3 : i32
    %dma_start3A_512 = tpu.memref_slice %arg10[%dma_start3A_511] : memref<7x!tpu.dma_semaphore, #tpu.memory_space<semaphore_mem>> -> memref<1x!tpu.dma_semaphore, #tpu.memory_space<semaphore_mem>>
    %dma_start3A_513 = tpu.memref_squeeze %dma_start3A_512 : memref<1x!tpu.dma_semaphore, #tpu.memory_space<semaphore_mem>> -> memref<!tpu.dma_semaphore, #tpu.memory_space<semaphore_mem>>
    %dma_start3A_514 = arith.constant 0 : i32
    %dma_start3A_515 = arith.constant 0 : i32
    %dma_start3A_516 = tpu.memref_slice %arg1[%add3A_35, %dma_start3A_510, %dma_start3A_514, %dma_start3A_515] : memref<32x3x512x512xf32, #tpu.memory_space<hbm>> -> memref<1x1x512x512xf32, #tpu.memory_space<hbm>>
    %dma_start3A_517 = tpu.memref_squeeze %dma_start3A_516 : memref<1x1x512x512xf32, #tpu.memory_space<hbm>> -> memref<512x512xf32, #tpu.memory_space<hbm>>
    tpu.enqueue_dma source(%dma_start3A_517 : memref<512x512xf32, #tpu.memory_space<hbm>>) target(%arg6 : memref<512x512xf32, #tpu.memory_space<vmem_shared>>) target_semaphore(%dma_start3A_513 : memref<!tpu.dma_semaphore, #tpu.memory_space<semaphore_mem>>)
    %dma_wait3A_518 = arith.constant 2 : i32
    %dma_wait3A_519 = arith.constant 5 : i32
    %dma_wait3A_520 = tpu.memref_slice %arg10[%dma_wait3A_519] : memref<7x!tpu.dma_semaphore, #tpu.memory_space<semaphore_mem>> -> memref<1x!tpu.dma_semaphore, #tpu.memory_space<semaphore_mem>>
    %dma_wait3A_521 = tpu.memref_squeeze %dma_wait3A_520 : memref<1x!tpu.dma_semaphore, #tpu.memory_space<semaphore_mem>> -> memref<!tpu.dma_semaphore, #tpu.memory_space<semaphore_mem>>
    %dma_wait3A_522 = arith.constant 0 : i32
    %dma_wait3A_523 = arith.constant 0 : i32
    %dma_wait3A_524 = tpu.memref_slice %arg1[%add3A_25, %dma_wait3A_518, %dma_wait3A_522, %dma_wait3A_523] : memref<32x3x512x512xf32, #tpu.memory_space<hbm>> -> memref<1x1x512x512xf32, #tpu.memory_space<hbm>>
    %dma_wait3A_525 = tpu.memref_squeeze %dma_wait3A_524 : memref<1x1x512x512xf32, #tpu.memory_space<hbm>> -> memref<512x512xf32, #tpu.memory_space<hbm>>
    tpu.wait_dma2 semaphore(%dma_wait3A_521 : memref<!tpu.dma_semaphore, #tpu.memory_space<semaphore_mem>>) src(%dma_wait3A_525 : memref<512x512xf32, #tpu.memory_space<hbm>>) dst(%arg8 : memref<512x512xf32, #tpu.memory_space<vmem_shared>>)
    %dma_start3A_526 = arith.constant 0 : i32
    %dma_start3A_527 = arith.constant 5 : i32
    %dma_start3A_528 = tpu.memref_slice %arg11[%dma_start3A_527] : memref<7x!tpu.dma_semaphore, #tpu.memory_space<semaphore_mem>> -> memref<1x!tpu.dma_semaphore, #tpu.memory_space<semaphore_mem>>
    %dma_start3A_529 = tpu.memref_squeeze %dma_start3A_528 : memref<1x!tpu.dma_semaphore, #tpu.memory_space<semaphore_mem>> -> memref<!tpu.dma_semaphore, #tpu.memory_space<semaphore_mem>>
    %dma_start3A_530 = arith.constant 0 : i32
    %dma_start3A_531 = arith.constant 0 : i32
    %dma_start3A_532 = tpu.memref_slice %arg2[%add3A_25, %dma_start3A_526, %dma_start3A_530, %dma_start3A_531] : memref<32x3x512x512xf32, #tpu.memory_space<hbm>> -> memref<1x1x512x512xf32, #tpu.memory_space<hbm>>
    %dma_start3A_533 = tpu.memref_squeeze %dma_start3A_532 : memref<1x1x512x512xf32, #tpu.memory_space<hbm>> -> memref<512x512xf32, #tpu.memory_space<hbm>>
    tpu.enqueue_dma source(%arg8 : memref<512x512xf32, #tpu.memory_space<vmem_shared>>) target(%dma_start3A_533 : memref<512x512xf32, #tpu.memory_space<hbm>>) target_semaphore(%dma_start3A_529 : memref<!tpu.dma_semaphore, #tpu.memory_space<semaphore_mem>>)
    %dma_wait3A_534 = arith.constant 2 : i32
    %dma_wait3A_535 = arith.constant 4 : i32
    %dma_wait3A_536 = tpu.memref_slice %arg11[%dma_wait3A_535] : memref<7x!tpu.dma_semaphore, #tpu.memory_space<semaphore_mem>> -> memref<1x!tpu.dma_semaphore, #tpu.memory_space<semaphore_mem>>
    %dma_wait3A_537 = tpu.memref_squeeze %dma_wait3A_536 : memref<1x!tpu.dma_semaphore, #tpu.memory_space<semaphore_mem>> -> memref<!tpu.dma_semaphore, #tpu.memory_space<semaphore_mem>>
    %dma_wait3A_538 = arith.constant 0 : i32
    %dma_wait3A_539 = arith.constant 0 : i32
    %dma_wait3A_540 = tpu.memref_slice %arg2[%add3A_23, %dma_wait3A_534, %dma_wait3A_538, %dma_wait3A_539] : memref<32x3x512x512xf32, #tpu.memory_space<hbm>> -> memref<1x1x512x512xf32, #tpu.memory_space<hbm>>
    %dma_wait3A_541 = tpu.memref_squeeze %dma_wait3A_540 : memref<1x1x512x512xf32, #tpu.memory_space<hbm>> -> memref<512x512xf32, #tpu.memory_space<hbm>>
    tpu.wait_dma2 semaphore(%dma_wait3A_537 : memref<!tpu.dma_semaphore, #tpu.memory_space<semaphore_mem>>) src(%arg7 : memref<512x512xf32, #tpu.memory_space<vmem_shared>>) dst(%dma_wait3A_541 : memref<512x512xf32, #tpu.memory_space<hbm>>)
    %dma_start3A_542 = arith.constant 2 : i32
    %dma_start3A_543 = arith.constant 4 : i32
    %dma_start3A_544 = tpu.memref_slice %arg10[%dma_start3A_543] : memref<7x!tpu.dma_semaphore, #tpu.memory_space<semaphore_mem>> -> memref<1x!tpu.dma_semaphore, #tpu.memory_space<semaphore_mem>>
    %dma_start3A_545 = tpu.memref_squeeze %dma_start3A_544 : memref<1x!tpu.dma_semaphore, #tpu.memory_space<semaphore_mem>> -> memref<!tpu.dma_semaphore, #tpu.memory_space<semaphore_mem>>
    %dma_start3A_546 = arith.constant 0 : i32
    %dma_start3A_547 = arith.constant 0 : i32
    %dma_start3A_548 = tpu.memref_slice %arg1[%add3A_37, %dma_start3A_542, %dma_start3A_546, %dma_start3A_547] : memref<32x3x512x512xf32, #tpu.memory_space<hbm>> -> memref<1x1x512x512xf32, #tpu.memory_space<hbm>>
    %dma_start3A_549 = tpu.memref_squeeze %dma_start3A_548 : memref<1x1x512x512xf32, #tpu.memory_space<hbm>> -> memref<512x512xf32, #tpu.memory_space<hbm>>
    tpu.enqueue_dma source(%dma_start3A_549 : memref<512x512xf32, #tpu.memory_space<hbm>>) target(%arg7 : memref<512x512xf32, #tpu.memory_space<vmem_shared>>) target_semaphore(%dma_start3A_545 : memref<!tpu.dma_semaphore, #tpu.memory_space<semaphore_mem>>)
    %dma_wait3A_550 = arith.constant 1 : i32
    %dma_wait3A_551 = arith.constant 6 : i32
    %dma_wait3A_552 = tpu.memref_slice %arg10[%dma_wait3A_551] : memref<7x!tpu.dma_semaphore, #tpu.memory_space<semaphore_mem>> -> memref<1x!tpu.dma_semaphore, #tpu.memory_space<semaphore_mem>>
    %dma_wait3A_553 = tpu.memref_squeeze %dma_wait3A_552 : memref<1x!tpu.dma_semaphore, #tpu.memory_space<semaphore_mem>> -> memref<!tpu.dma_semaphore, #tpu.memory_space<semaphore_mem>>
    %dma_wait3A_554 = arith.constant 0 : i32
    %dma_wait3A_555 = arith.constant 0 : i32
    %dma_wait3A_556 = tpu.memref_slice %arg1[%add3A_27, %dma_wait3A_550, %dma_wait3A_554, %dma_wait3A_555] : memref<32x3x512x512xf32, #tpu.memory_space<hbm>> -> memref<1x1x512x512xf32, #tpu.memory_space<hbm>>
    %dma_wait3A_557 = tpu.memref_squeeze %dma_wait3A_556 : memref<1x1x512x512xf32, #tpu.memory_space<hbm>> -> memref<512x512xf32, #tpu.memory_space<hbm>>
    tpu.wait_dma2 semaphore(%dma_wait3A_553 : memref<!tpu.dma_semaphore, #tpu.memory_space<semaphore_mem>>) src(%dma_wait3A_557 : memref<512x512xf32, #tpu.memory_space<hbm>>) dst(%arg9 : memref<512x512xf32, #tpu.memory_space<vmem_shared>>)
    %dma_start3A_558 = arith.constant 1 : i32
    %dma_start3A_559 = arith.constant 6 : i32
    %dma_start3A_560 = tpu.memref_slice %arg11[%dma_start3A_559] : memref<7x!tpu.dma_semaphore, #tpu.memory_space<semaphore_mem>> -> memref<1x!tpu.dma_semaphore, #tpu.memory_space<semaphore_mem>>
    %dma_start3A_561 = tpu.memref_squeeze %dma_start3A_560 : memref<1x!tpu.dma_semaphore, #tpu.memory_space<semaphore_mem>> -> memref<!tpu.dma_semaphore, #tpu.memory_space<semaphore_mem>>
    %dma_start3A_562 = arith.constant 0 : i32
    %dma_start3A_563 = arith.constant 0 : i32
    %dma_start3A_564 = tpu.memref_slice %arg2[%add3A_27, %dma_start3A_558, %dma_start3A_562, %dma_start3A_563] : memref<32x3x512x512xf32, #tpu.memory_space<hbm>> -> memref<1x1x512x512xf32, #tpu.memory_space<hbm>>
    %dma_start3A_565 = tpu.memref_squeeze %dma_start3A_564 : memref<1x1x512x512xf32, #tpu.memory_space<hbm>> -> memref<512x512xf32, #tpu.memory_space<hbm>>
    tpu.enqueue_dma source(%arg9 : memref<512x512xf32, #tpu.memory_space<vmem_shared>>) target(%dma_start3A_565 : memref<512x512xf32, #tpu.memory_space<hbm>>) target_semaphore(%dma_start3A_561 : memref<!tpu.dma_semaphore, #tpu.memory_space<semaphore_mem>>)
    %dma_wait3A_566 = arith.constant 0 : i32
    %dma_wait3A_567 = arith.constant 5 : i32
    %dma_wait3A_568 = tpu.memref_slice %arg11[%dma_wait3A_567] : memref<7x!tpu.dma_semaphore, #tpu.memory_space<semaphore_mem>> -> memref<1x!tpu.dma_semaphore, #tpu.memory_space<semaphore_mem>>
    %dma_wait3A_569 = tpu.memref_squeeze %dma_wait3A_568 : memref<1x!tpu.dma_semaphore, #tpu.memory_space<semaphore_mem>> -> memref<!tpu.dma_semaphore, #tpu.memory_space<semaphore_mem>>
    %dma_wait3A_570 = arith.constant 0 : i32
    %dma_wait3A_571 = arith.constant 0 : i32
    %dma_wait3A_572 = tpu.memref_slice %arg2[%add3A_25, %dma_wait3A_566, %dma_wait3A_570, %dma_wait3A_571] : memref<32x3x512x512xf32, #tpu.memory_space<hbm>> -> memref<1x1x512x512xf32, #tpu.memory_space<hbm>>
    %dma_wait3A_573 = tpu.memref_squeeze %dma_wait3A_572 : memref<1x1x512x512xf32, #tpu.memory_space<hbm>> -> memref<512x512xf32, #tpu.memory_space<hbm>>
    tpu.wait_dma2 semaphore(%dma_wait3A_569 : memref<!tpu.dma_semaphore, #tpu.memory_space<semaphore_mem>>) src(%arg8 : memref<512x512xf32, #tpu.memory_space<vmem_shared>>) dst(%dma_wait3A_573 : memref<512x512xf32, #tpu.memory_space<hbm>>)
    %dma_start3A_574 = arith.constant 1 : i32
    %dma_start3A_575 = arith.constant 5 : i32
    %dma_start3A_576 = tpu.memref_slice %arg10[%dma_start3A_575] : memref<7x!tpu.dma_semaphore, #tpu.memory_space<semaphore_mem>> -> memref<1x!tpu.dma_semaphore, #tpu.memory_space<semaphore_mem>>
    %dma_start3A_577 = tpu.memref_squeeze %dma_start3A_576 : memref<1x!tpu.dma_semaphore, #tpu.memory_space<semaphore_mem>> -> memref<!tpu.dma_semaphore, #tpu.memory_space<semaphore_mem>>
    %dma_start3A_578 = arith.constant 0 : i32
    %dma_start3A_579 = arith.constant 0 : i32
    %dma_start3A_580 = tpu.memref_slice %arg1[%add3A_39, %dma_start3A_574, %dma_start3A_578, %dma_start3A_579] : memref<32x3x512x512xf32, #tpu.memory_space<hbm>> -> memref<1x1x512x512xf32, #tpu.memory_space<hbm>>
    %dma_start3A_581 = tpu.memref_squeeze %dma_start3A_580 : memref<1x1x512x512xf32, #tpu.memory_space<hbm>> -> memref<512x512xf32, #tpu.memory_space<hbm>>
    tpu.enqueue_dma source(%dma_start3A_581 : memref<512x512xf32, #tpu.memory_space<hbm>>) target(%arg8 : memref<512x512xf32, #tpu.memory_space<vmem_shared>>) target_semaphore(%dma_start3A_577 : memref<!tpu.dma_semaphore, #tpu.memory_space<semaphore_mem>>)
    %dma_wait3A_582 = arith.constant 0 : i32
    %dma_wait3A_583 = arith.constant 0 : i32
    %dma_wait3A_584 = tpu.memref_slice %arg10[%dma_wait3A_583] : memref<7x!tpu.dma_semaphore, #tpu.memory_space<semaphore_mem>> -> memref<1x!tpu.dma_semaphore, #tpu.memory_space<semaphore_mem>>
    %dma_wait3A_585 = tpu.memref_squeeze %dma_wait3A_584 : memref<1x!tpu.dma_semaphore, #tpu.memory_space<semaphore_mem>> -> memref<!tpu.dma_semaphore, #tpu.memory_space<semaphore_mem>>
    %dma_wait3A_586 = arith.constant 0 : i32
    %dma_wait3A_587 = arith.constant 0 : i32
    %dma_wait3A_588 = tpu.memref_slice %arg1[%add3A_29, %dma_wait3A_582, %dma_wait3A_586, %dma_wait3A_587] : memref<32x3x512x512xf32, #tpu.memory_space<hbm>> -> memref<1x1x512x512xf32, #tpu.memory_space<hbm>>
    %dma_wait3A_589 = tpu.memref_squeeze %dma_wait3A_588 : memref<1x1x512x512xf32, #tpu.memory_space<hbm>> -> memref<512x512xf32, #tpu.memory_space<hbm>>
    tpu.wait_dma2 semaphore(%dma_wait3A_585 : memref<!tpu.dma_semaphore, #tpu.memory_space<semaphore_mem>>) src(%dma_wait3A_589 : memref<512x512xf32, #tpu.memory_space<hbm>>) dst(%arg3 : memref<512x512xf32, #tpu.memory_space<vmem_shared>>)
    %dma_start3A_590 = arith.constant 2 : i32
    %dma_start3A_591 = arith.constant 0 : i32
    %dma_start3A_592 = tpu.memref_slice %arg11[%dma_start3A_591] : memref<7x!tpu.dma_semaphore, #tpu.memory_space<semaphore_mem>> -> memref<1x!tpu.dma_semaphore, #tpu.memory_space<semaphore_mem>>
    %dma_start3A_593 = tpu.memref_squeeze %dma_start3A_592 : memref<1x!tpu.dma_semaphore, #tpu.memory_space<semaphore_mem>> -> memref<!tpu.dma_semaphore, #tpu.memory_space<semaphore_mem>>
    %dma_start3A_594 = arith.constant 0 : i32
    %dma_start3A_595 = arith.constant 0 : i32
    %dma_start3A_596 = tpu.memref_slice %arg2[%add3A_29, %dma_start3A_590, %dma_start3A_594, %dma_start3A_595] : memref<32x3x512x512xf32, #tpu.memory_space<hbm>> -> memref<1x1x512x512xf32, #tpu.memory_space<hbm>>
    %dma_start3A_597 = tpu.memref_squeeze %dma_start3A_596 : memref<1x1x512x512xf32, #tpu.memory_space<hbm>> -> memref<512x512xf32, #tpu.memory_space<hbm>>
    tpu.enqueue_dma source(%arg3 : memref<512x512xf32, #tpu.memory_space<vmem_shared>>) target(%dma_start3A_597 : memref<512x512xf32, #tpu.memory_space<hbm>>) target_semaphore(%dma_start3A_593 : memref<!tpu.dma_semaphore, #tpu.memory_space<semaphore_mem>>)
    %dma_wait3A_598 = arith.constant 1 : i32
    %dma_wait3A_599 = arith.constant 6 : i32
    %dma_wait3A_600 = tpu.memref_slice %arg11[%dma_wait3A_599] : memref<7x!tpu.dma_semaphore, #tpu.memory_space<semaphore_mem>> -> memref<1x!tpu.dma_semaphore, #tpu.memory_space<semaphore_mem>>
    %dma_wait3A_601 = tpu.memref_squeeze %dma_wait3A_600 : memref<1x!tpu.dma_semaphore, #tpu.memory_space<semaphore_mem>> -> memref<!tpu.dma_semaphore, #tpu.memory_space<semaphore_mem>>
    %dma_wait3A_602 = arith.constant 0 : i32
    %dma_wait3A_603 = arith.constant 0 : i32
    %dma_wait3A_604 = tpu.memref_slice %arg2[%add3A_27, %dma_wait3A_598, %dma_wait3A_602, %dma_wait3A_603] : memref<32x3x512x512xf32, #tpu.memory_space<hbm>> -> memref<1x1x512x512xf32, #tpu.memory_space<hbm>>
    %dma_wait3A_605 = tpu.memref_squeeze %dma_wait3A_604 : memref<1x1x512x512xf32, #tpu.memory_space<hbm>> -> memref<512x512xf32, #tpu.memory_space<hbm>>
    tpu.wait_dma2 semaphore(%dma_wait3A_601 : memref<!tpu.dma_semaphore, #tpu.memory_space<semaphore_mem>>) src(%arg9 : memref<512x512xf32, #tpu.memory_space<vmem_shared>>) dst(%dma_wait3A_605 : memref<512x512xf32, #tpu.memory_space<hbm>>)
    %dma_start3A_606 = arith.constant 0 : i32
    %dma_start3A_607 = arith.constant 6 : i32
    %dma_start3A_608 = tpu.memref_slice %arg10[%dma_start3A_607] : memref<7x!tpu.dma_semaphore, #tpu.memory_space<semaphore_mem>> -> memref<1x!tpu.dma_semaphore, #tpu.memory_space<semaphore_mem>>
    %dma_start3A_609 = tpu.memref_squeeze %dma_start3A_608 : memref<1x!tpu.dma_semaphore, #tpu.memory_space<semaphore_mem>> -> memref<!tpu.dma_semaphore, #tpu.memory_space<semaphore_mem>>
    %dma_start3A_610 = arith.constant 0 : i32
    %dma_start3A_611 = arith.constant 0 : i32
    %dma_start3A_612 = tpu.memref_slice %arg1[%add3A_41, %dma_start3A_606, %dma_start3A_610, %dma_start3A_611] : memref<32x3x512x512xf32, #tpu.memory_space<hbm>> -> memref<1x1x512x512xf32, #tpu.memory_space<hbm>>
    %dma_start3A_613 = tpu.memref_squeeze %dma_start3A_612 : memref<1x1x512x512xf32, #tpu.memory_space<hbm>> -> memref<512x512xf32, #tpu.memory_space<hbm>>
    tpu.enqueue_dma source(%dma_start3A_613 : memref<512x512xf32, #tpu.memory_space<hbm>>) target(%arg9 : memref<512x512xf32, #tpu.memory_space<vmem_shared>>) target_semaphore(%dma_start3A_609 : memref<!tpu.dma_semaphore, #tpu.memory_space<semaphore_mem>>)
    %dma_wait3A_614 = arith.constant 2 : i32
    %dma_wait3A_615 = arith.constant 1 : i32
    %dma_wait3A_616 = tpu.memref_slice %arg10[%dma_wait3A_615] : memref<7x!tpu.dma_semaphore, #tpu.memory_space<semaphore_mem>> -> memref<1x!tpu.dma_semaphore, #tpu.memory_space<semaphore_mem>>
    %dma_wait3A_617 = tpu.memref_squeeze %dma_wait3A_616 : memref<1x!tpu.dma_semaphore, #tpu.memory_space<semaphore_mem>> -> memref<!tpu.dma_semaphore, #tpu.memory_space<semaphore_mem>>
    %dma_wait3A_618 = arith.constant 0 : i32
    %dma_wait3A_619 = arith.constant 0 : i32
    %dma_wait3A_620 = tpu.memref_slice %arg1[%add3A_31, %dma_wait3A_614, %dma_wait3A_618, %dma_wait3A_619] : memref<32x3x512x512xf32, #tpu.memory_space<hbm>> -> memref<1x1x512x512xf32, #tpu.memory_space<hbm>>
    %dma_wait3A_621 = tpu.memref_squeeze %dma_wait3A_620 : memref<1x1x512x512xf32, #tpu.memory_space<hbm>> -> memref<512x512xf32, #tpu.memory_space<hbm>>
    tpu.wait_dma2 semaphore(%dma_wait3A_617 : memref<!tpu.dma_semaphore, #tpu.memory_space<semaphore_mem>>) src(%dma_wait3A_621 : memref<512x512xf32, #tpu.memory_space<hbm>>) dst(%arg4 : memref<512x512xf32, #tpu.memory_space<vmem_shared>>)
    %dma_start3A_622 = arith.constant 0 : i32
    %dma_start3A_623 = arith.constant 1 : i32
    %dma_start3A_624 = tpu.memref_slice %arg11[%dma_start3A_623] : memref<7x!tpu.dma_semaphore, #tpu.memory_space<semaphore_mem>> -> memref<1x!tpu.dma_semaphore, #tpu.memory_space<semaphore_mem>>
    %dma_start3A_625 = tpu.memref_squeeze %dma_start3A_624 : memref<1x!tpu.dma_semaphore, #tpu.memory_space<semaphore_mem>> -> memref<!tpu.dma_semaphore, #tpu.memory_space<semaphore_mem>>
    %dma_start3A_626 = arith.constant 0 : i32
    %dma_start3A_627 = arith.constant 0 : i32
    %dma_start3A_628 = tpu.memref_slice %arg2[%add3A_31, %dma_start3A_622, %dma_start3A_626, %dma_start3A_627] : memref<32x3x512x512xf32, #tpu.memory_space<hbm>> -> memref<1x1x512x512xf32, #tpu.memory_space<hbm>>
    %dma_start3A_629 = tpu.memref_squeeze %dma_start3A_628 : memref<1x1x512x512xf32, #tpu.memory_space<hbm>> -> memref<512x512xf32, #tpu.memory_space<hbm>>
    tpu.enqueue_dma source(%arg4 : memref<512x512xf32, #tpu.memory_space<vmem_shared>>) target(%dma_start3A_629 : memref<512x512xf32, #tpu.memory_space<hbm>>) target_semaphore(%dma_start3A_625 : memref<!tpu.dma_semaphore, #tpu.memory_space<semaphore_mem>>)
    %dma_wait3A_630 = arith.constant 2 : i32
    %dma_wait3A_631 = arith.constant 0 : i32
    %dma_wait3A_632 = tpu.memref_slice %arg11[%dma_wait3A_631] : memref<7x!tpu.dma_semaphore, #tpu.memory_space<semaphore_mem>> -> memref<1x!tpu.dma_semaphore, #tpu.memory_space<semaphore_mem>>
    %dma_wait3A_633 = tpu.memref_squeeze %dma_wait3A_632 : memref<1x!tpu.dma_semaphore, #tpu.memory_space<semaphore_mem>> -> memref<!tpu.dma_semaphore, #tpu.memory_space<semaphore_mem>>
    %dma_wait3A_634 = arith.constant 0 : i32
    %dma_wait3A_635 = arith.constant 0 : i32
    %dma_wait3A_636 = tpu.memref_slice %arg2[%add3A_29, %dma_wait3A_630, %dma_wait3A_634, %dma_wait3A_635] : memref<32x3x512x512xf32, #tpu.memory_space<hbm>> -> memref<1x1x512x512xf32, #tpu.memory_space<hbm>>
    %dma_wait3A_637 = tpu.memref_squeeze %dma_wait3A_636 : memref<1x1x512x512xf32, #tpu.memory_space<hbm>> -> memref<512x512xf32, #tpu.memory_space<hbm>>
    tpu.wait_dma2 semaphore(%dma_wait3A_633 : memref<!tpu.dma_semaphore, #tpu.memory_space<semaphore_mem>>) src(%arg3 : memref<512x512xf32, #tpu.memory_space<vmem_shared>>) dst(%dma_wait3A_637 : memref<512x512xf32, #tpu.memory_space<hbm>>)
    %dma_start3A_638 = arith.constant 2 : i32
    %dma_start3A_639 = arith.constant 0 : i32
    %dma_start3A_640 = tpu.memref_slice %arg10[%dma_start3A_639] : memref<7x!tpu.dma_semaphore, #tpu.memory_space<semaphore_mem>> -> memref<1x!tpu.dma_semaphore, #tpu.memory_space<semaphore_mem>>
    %dma_start3A_641 = tpu.memref_squeeze %dma_start3A_640 : memref<1x!tpu.dma_semaphore, #tpu.memory_space<semaphore_mem>> -> memref<!tpu.dma_semaphore, #tpu.memory_space<semaphore_mem>>
    %dma_start3A_642 = arith.constant 0 : i32
    %dma_start3A_643 = arith.constant 0 : i32
    %dma_start3A_644 = tpu.memref_slice %arg1[%add3A_43, %dma_start3A_638, %dma_start3A_642, %dma_start3A_643] : memref<32x3x512x512xf32, #tpu.memory_space<hbm>> -> memref<1x1x512x512xf32, #tpu.memory_space<hbm>>
    %dma_start3A_645 = tpu.memref_squeeze %dma_start3A_644 : memref<1x1x512x512xf32, #tpu.memory_space<hbm>> -> memref<512x512xf32, #tpu.memory_space<hbm>>
    tpu.enqueue_dma source(%dma_start3A_645 : memref<512x512xf32, #tpu.memory_space<hbm>>) target(%arg3 : memref<512x512xf32, #tpu.memory_space<vmem_shared>>) target_semaphore(%dma_start3A_641 : memref<!tpu.dma_semaphore, #tpu.memory_space<semaphore_mem>>)
    %dma_wait3A_646 = arith.constant 1 : i32
    %dma_wait3A_647 = arith.constant 2 : i32
    %dma_wait3A_648 = tpu.memref_slice %arg10[%dma_wait3A_647] : memref<7x!tpu.dma_semaphore, #tpu.memory_space<semaphore_mem>> -> memref<1x!tpu.dma_semaphore, #tpu.memory_space<semaphore_mem>>
    %dma_wait3A_649 = tpu.memref_squeeze %dma_wait3A_648 : memref<1x!tpu.dma_semaphore, #tpu.memory_space<semaphore_mem>> -> memref<!tpu.dma_semaphore, #tpu.memory_space<semaphore_mem>>
    %dma_wait3A_650 = arith.constant 0 : i32
    %dma_wait3A_651 = arith.constant 0 : i32
    %dma_wait3A_652 = tpu.memref_slice %arg1[%add3A_33, %dma_wait3A_646, %dma_wait3A_650, %dma_wait3A_651] : memref<32x3x512x512xf32, #tpu.memory_space<hbm>> -> memref<1x1x512x512xf32, #tpu.memory_space<hbm>>
    %dma_wait3A_653 = tpu.memref_squeeze %dma_wait3A_652 : memref<1x1x512x512xf32, #tpu.memory_space<hbm>> -> memref<512x512xf32, #tpu.memory_space<hbm>>
    tpu.wait_dma2 semaphore(%dma_wait3A_649 : memref<!tpu.dma_semaphore, #tpu.memory_space<semaphore_mem>>) src(%dma_wait3A_653 : memref<512x512xf32, #tpu.memory_space<hbm>>) dst(%arg5 : memref<512x512xf32, #tpu.memory_space<vmem_shared>>)
    %dma_start3A_654 = arith.constant 1 : i32
    %dma_start3A_655 = arith.constant 2 : i32
    %dma_start3A_656 = tpu.memref_slice %arg11[%dma_start3A_655] : memref<7x!tpu.dma_semaphore, #tpu.memory_space<semaphore_mem>> -> memref<1x!tpu.dma_semaphore, #tpu.memory_space<semaphore_mem>>
    %dma_start3A_657 = tpu.memref_squeeze %dma_start3A_656 : memref<1x!tpu.dma_semaphore, #tpu.memory_space<semaphore_mem>> -> memref<!tpu.dma_semaphore, #tpu.memory_space<semaphore_mem>>
    %dma_start3A_658 = arith.constant 0 : i32
    %dma_start3A_659 = arith.constant 0 : i32
    %dma_start3A_660 = tpu.memref_slice %arg2[%add3A_33, %dma_start3A_654, %dma_start3A_658, %dma_start3A_659] : memref<32x3x512x512xf32, #tpu.memory_space<hbm>> -> memref<1x1x512x512xf32, #tpu.memory_space<hbm>>
    %dma_start3A_661 = tpu.memref_squeeze %dma_start3A_660 : memref<1x1x512x512xf32, #tpu.memory_space<hbm>> -> memref<512x512xf32, #tpu.memory_space<hbm>>
    tpu.enqueue_dma source(%arg5 : memref<512x512xf32, #tpu.memory_space<vmem_shared>>) target(%dma_start3A_661 : memref<512x512xf32, #tpu.memory_space<hbm>>) target_semaphore(%dma_start3A_657 : memref<!tpu.dma_semaphore, #tpu.memory_space<semaphore_mem>>)
    %dma_wait3A_662 = arith.constant 0 : i32
    %dma_wait3A_663 = arith.constant 1 : i32
    %dma_wait3A_664 = tpu.memref_slice %arg11[%dma_wait3A_663] : memref<7x!tpu.dma_semaphore, #tpu.memory_space<semaphore_mem>> -> memref<1x!tpu.dma_semaphore, #tpu.memory_space<semaphore_mem>>
    %dma_wait3A_665 = tpu.memref_squeeze %dma_wait3A_664 : memref<1x!tpu.dma_semaphore, #tpu.memory_space<semaphore_mem>> -> memref<!tpu.dma_semaphore, #tpu.memory_space<semaphore_mem>>
    %dma_wait3A_666 = arith.constant 0 : i32
    %dma_wait3A_667 = arith.constant 0 : i32
    %dma_wait3A_668 = tpu.memref_slice %arg2[%add3A_31, %dma_wait3A_662, %dma_wait3A_666, %dma_wait3A_667] : memref<32x3x512x512xf32, #tpu.memory_space<hbm>> -> memref<1x1x512x512xf32, #tpu.memory_space<hbm>>
    %dma_wait3A_669 = tpu.memref_squeeze %dma_wait3A_668 : memref<1x1x512x512xf32, #tpu.memory_space<hbm>> -> memref<512x512xf32, #tpu.memory_space<hbm>>
    tpu.wait_dma2 semaphore(%dma_wait3A_665 : memref<!tpu.dma_semaphore, #tpu.memory_space<semaphore_mem>>) src(%arg4 : memref<512x512xf32, #tpu.memory_space<vmem_shared>>) dst(%dma_wait3A_669 : memref<512x512xf32, #tpu.memory_space<hbm>>)
    %dma_start3A_670 = arith.constant 1 : i32
    %dma_start3A_671 = arith.constant 1 : i32
    %dma_start3A_672 = tpu.memref_slice %arg10[%dma_start3A_671] : memref<7x!tpu.dma_semaphore, #tpu.memory_space<semaphore_mem>> -> memref<1x!tpu.dma_semaphore, #tpu.memory_space<semaphore_mem>>
    %dma_start3A_673 = tpu.memref_squeeze %dma_start3A_672 : memref<1x!tpu.dma_semaphore, #tpu.memory_space<semaphore_mem>> -> memref<!tpu.dma_semaphore, #tpu.memory_space<semaphore_mem>>
    %dma_start3A_674 = arith.constant 0 : i32
    %dma_start3A_675 = arith.constant 0 : i32
    %dma_start3A_676 = tpu.memref_slice %arg1[%add3A_45, %dma_start3A_670, %dma_start3A_674, %dma_start3A_675] : memref<32x3x512x512xf32, #tpu.memory_space<hbm>> -> memref<1x1x512x512xf32, #tpu.memory_space<hbm>>
    %dma_start3A_677 = tpu.memref_squeeze %dma_start3A_676 : memref<1x1x512x512xf32, #tpu.memory_space<hbm>> -> memref<512x512xf32, #tpu.memory_space<hbm>>
    tpu.enqueue_dma source(%dma_start3A_677 : memref<512x512xf32, #tpu.memory_space<hbm>>) target(%arg4 : memref<512x512xf32, #tpu.memory_space<vmem_shared>>) target_semaphore(%dma_start3A_673 : memref<!tpu.dma_semaphore, #tpu.memory_space<semaphore_mem>>)
    %dma_wait3A_678 = arith.constant 0 : i32
    %dma_wait3A_679 = arith.constant 3 : i32
    %dma_wait3A_680 = tpu.memref_slice %arg10[%dma_wait3A_679] : memref<7x!tpu.dma_semaphore, #tpu.memory_space<semaphore_mem>> -> memref<1x!tpu.dma_semaphore, #tpu.memory_space<semaphore_mem>>
    %dma_wait3A_681 = tpu.memref_squeeze %dma_wait3A_680 : memref<1x!tpu.dma_semaphore, #tpu.memory_space<semaphore_mem>> -> memref<!tpu.dma_semaphore, #tpu.memory_space<semaphore_mem>>
    %dma_wait3A_682 = arith.constant 0 : i32
    %dma_wait3A_683 = arith.constant 0 : i32
    %dma_wait3A_684 = tpu.memref_slice %arg1[%add3A_35, %dma_wait3A_678, %dma_wait3A_682, %dma_wait3A_683] : memref<32x3x512x512xf32, #tpu.memory_space<hbm>> -> memref<1x1x512x512xf32, #tpu.memory_space<hbm>>
    %dma_wait3A_685 = tpu.memref_squeeze %dma_wait3A_684 : memref<1x1x512x512xf32, #tpu.memory_space<hbm>> -> memref<512x512xf32, #tpu.memory_space<hbm>>
    tpu.wait_dma2 semaphore(%dma_wait3A_681 : memref<!tpu.dma_semaphore, #tpu.memory_space<semaphore_mem>>) src(%dma_wait3A_685 : memref<512x512xf32, #tpu.memory_space<hbm>>) dst(%arg6 : memref<512x512xf32, #tpu.memory_space<vmem_shared>>)
    %dma_start3A_686 = arith.constant 2 : i32
    %dma_start3A_687 = arith.constant 3 : i32
    %dma_start3A_688 = tpu.memref_slice %arg11[%dma_start3A_687] : memref<7x!tpu.dma_semaphore, #tpu.memory_space<semaphore_mem>> -> memref<1x!tpu.dma_semaphore, #tpu.memory_space<semaphore_mem>>
    %dma_start3A_689 = tpu.memref_squeeze %dma_start3A_688 : memref<1x!tpu.dma_semaphore, #tpu.memory_space<semaphore_mem>> -> memref<!tpu.dma_semaphore, #tpu.memory_space<semaphore_mem>>
    %dma_start3A_690 = arith.constant 0 : i32
    %dma_start3A_691 = arith.constant 0 : i32
    %dma_start3A_692 = tpu.memref_slice %arg2[%add3A_35, %dma_start3A_686, %dma_start3A_690, %dma_start3A_691] : memref<32x3x512x512xf32, #tpu.memory_space<hbm>> -> memref<1x1x512x512xf32, #tpu.memory_space<hbm>>
    %dma_start3A_693 = tpu.memref_squeeze %dma_start3A_692 : memref<1x1x512x512xf32, #tpu.memory_space<hbm>> -> memref<512x512xf32, #tpu.memory_space<hbm>>
    tpu.enqueue_dma source(%arg6 : memref<512x512xf32, #tpu.memory_space<vmem_shared>>) target(%dma_start3A_693 : memref<512x512xf32, #tpu.memory_space<hbm>>) target_semaphore(%dma_start3A_689 : memref<!tpu.dma_semaphore, #tpu.memory_space<semaphore_mem>>)
    %dma_wait3A_694 = arith.constant 1 : i32
    %dma_wait3A_695 = arith.constant 2 : i32
    %dma_wait3A_696 = tpu.memref_slice %arg11[%dma_wait3A_695] : memref<7x!tpu.dma_semaphore, #tpu.memory_space<semaphore_mem>> -> memref<1x!tpu.dma_semaphore, #tpu.memory_space<semaphore_mem>>
    %dma_wait3A_697 = tpu.memref_squeeze %dma_wait3A_696 : memref<1x!tpu.dma_semaphore, #tpu.memory_space<semaphore_mem>> -> memref<!tpu.dma_semaphore, #tpu.memory_space<semaphore_mem>>
    %dma_wait3A_698 = arith.constant 0 : i32
    %dma_wait3A_699 = arith.constant 0 : i32
    %dma_wait3A_700 = tpu.memref_slice %arg2[%add3A_33, %dma_wait3A_694, %dma_wait3A_698, %dma_wait3A_699] : memref<32x3x512x512xf32, #tpu.memory_space<hbm>> -> memref<1x1x512x512xf32, #tpu.memory_space<hbm>>
    %dma_wait3A_701 = tpu.memref_squeeze %dma_wait3A_700 : memref<1x1x512x512xf32, #tpu.memory_space<hbm>> -> memref<512x512xf32, #tpu.memory_space<hbm>>
    tpu.wait_dma2 semaphore(%dma_wait3A_697 : memref<!tpu.dma_semaphore, #tpu.memory_space<semaphore_mem>>) src(%arg5 : memref<512x512xf32, #tpu.memory_space<vmem_shared>>) dst(%dma_wait3A_701 : memref<512x512xf32, #tpu.memory_space<hbm>>)
    %dma_start3A_702 = arith.constant 0 : i32
    %dma_start3A_703 = arith.constant 2 : i32
    %dma_start3A_704 = tpu.memref_slice %arg10[%dma_start3A_703] : memref<7x!tpu.dma_semaphore, #tpu.memory_space<semaphore_mem>> -> memref<1x!tpu.dma_semaphore, #tpu.memory_space<semaphore_mem>>
    %dma_start3A_705 = tpu.memref_squeeze %dma_start3A_704 : memref<1x!tpu.dma_semaphore, #tpu.memory_space<semaphore_mem>> -> memref<!tpu.dma_semaphore, #tpu.memory_space<semaphore_mem>>
    %dma_start3A_706 = arith.constant 0 : i32
    %dma_start3A_707 = arith.constant 0 : i32
    %dma_start3A_708 = tpu.memref_slice %arg1[%add3A_47, %dma_start3A_702, %dma_start3A_706, %dma_start3A_707] : memref<32x3x512x512xf32, #tpu.memory_space<hbm>> -> memref<1x1x512x512xf32, #tpu.memory_space<hbm>>
    %dma_start3A_709 = tpu.memref_squeeze %dma_start3A_708 : memref<1x1x512x512xf32, #tpu.memory_space<hbm>> -> memref<512x512xf32, #tpu.memory_space<hbm>>
    tpu.enqueue_dma source(%dma_start3A_709 : memref<512x512xf32, #tpu.memory_space<hbm>>) target(%arg5 : memref<512x512xf32, #tpu.memory_space<vmem_shared>>) target_semaphore(%dma_start3A_705 : memref<!tpu.dma_semaphore, #tpu.memory_space<semaphore_mem>>)
    %dma_wait3A_710 = arith.constant 2 : i32
    %dma_wait3A_711 = arith.constant 4 : i32
    %dma_wait3A_712 = tpu.memref_slice %arg10[%dma_wait3A_711] : memref<7x!tpu.dma_semaphore, #tpu.memory_space<semaphore_mem>> -> memref<1x!tpu.dma_semaphore, #tpu.memory_space<semaphore_mem>>
    %dma_wait3A_713 = tpu.memref_squeeze %dma_wait3A_712 : memref<1x!tpu.dma_semaphore, #tpu.memory_space<semaphore_mem>> -> memref<!tpu.dma_semaphore, #tpu.memory_space<semaphore_mem>>
    %dma_wait3A_714 = arith.constant 0 : i32
    %dma_wait3A_715 = arith.constant 0 : i32
    %dma_wait3A_716 = tpu.memref_slice %arg1[%add3A_37, %dma_wait3A_710, %dma_wait3A_714, %dma_wait3A_715] : memref<32x3x512x512xf32, #tpu.memory_space<hbm>> -> memref<1x1x512x512xf32, #tpu.memory_space<hbm>>
    %dma_wait3A_717 = tpu.memref_squeeze %dma_wait3A_716 : memref<1x1x512x512xf32, #tpu.memory_space<hbm>> -> memref<512x512xf32, #tpu.memory_space<hbm>>
    tpu.wait_dma2 semaphore(%dma_wait3A_713 : memref<!tpu.dma_semaphore, #tpu.memory_space<semaphore_mem>>) src(%dma_wait3A_717 : memref<512x512xf32, #tpu.memory_space<hbm>>) dst(%arg7 : memref<512x512xf32, #tpu.memory_space<vmem_shared>>)
    %dma_start3A_718 = arith.constant 0 : i32
    %dma_start3A_719 = arith.constant 4 : i32
    %dma_start3A_720 = tpu.memref_slice %arg11[%dma_start3A_719] : memref<7x!tpu.dma_semaphore, #tpu.memory_space<semaphore_mem>> -> memref<1x!tpu.dma_semaphore, #tpu.memory_space<semaphore_mem>>
    %dma_start3A_721 = tpu.memref_squeeze %dma_start3A_720 : memref<1x!tpu.dma_semaphore, #tpu.memory_space<semaphore_mem>> -> memref<!tpu.dma_semaphore, #tpu.memory_space<semaphore_mem>>
    %dma_start3A_722 = arith.constant 0 : i32
    %dma_start3A_723 = arith.constant 0 : i32
    %dma_start3A_724 = tpu.memref_slice %arg2[%add3A_37, %dma_start3A_718, %dma_start3A_722, %dma_start3A_723] : memref<32x3x512x512xf32, #tpu.memory_space<hbm>> -> memref<1x1x512x512xf32, #tpu.memory_space<hbm>>
    %dma_start3A_725 = tpu.memref_squeeze %dma_start3A_724 : memref<1x1x512x512xf32, #tpu.memory_space<hbm>> -> memref<512x512xf32, #tpu.memory_space<hbm>>
    tpu.enqueue_dma source(%arg7 : memref<512x512xf32, #tpu.memory_space<vmem_shared>>) target(%dma_start3A_725 : memref<512x512xf32, #tpu.memory_space<hbm>>) target_semaphore(%dma_start3A_721 : memref<!tpu.dma_semaphore, #tpu.memory_space<semaphore_mem>>)
    %dma_wait3A_726 = arith.constant 2 : i32
    %dma_wait3A_727 = arith.constant 3 : i32
    %dma_wait3A_728 = tpu.memref_slice %arg11[%dma_wait3A_727] : memref<7x!tpu.dma_semaphore, #tpu.memory_space<semaphore_mem>> -> memref<1x!tpu.dma_semaphore, #tpu.memory_space<semaphore_mem>>
    %dma_wait3A_729 = tpu.memref_squeeze %dma_wait3A_728 : memref<1x!tpu.dma_semaphore, #tpu.memory_space<semaphore_mem>> -> memref<!tpu.dma_semaphore, #tpu.memory_space<semaphore_mem>>
    %dma_wait3A_730 = arith.constant 0 : i32
    %dma_wait3A_731 = arith.constant 0 : i32
    %dma_wait3A_732 = tpu.memref_slice %arg2[%add3A_35, %dma_wait3A_726, %dma_wait3A_730, %dma_wait3A_731] : memref<32x3x512x512xf32, #tpu.memory_space<hbm>> -> memref<1x1x512x512xf32, #tpu.memory_space<hbm>>
    %dma_wait3A_733 = tpu.memref_squeeze %dma_wait3A_732 : memref<1x1x512x512xf32, #tpu.memory_space<hbm>> -> memref<512x512xf32, #tpu.memory_space<hbm>>
    tpu.wait_dma2 semaphore(%dma_wait3A_729 : memref<!tpu.dma_semaphore, #tpu.memory_space<semaphore_mem>>) src(%arg6 : memref<512x512xf32, #tpu.memory_space<vmem_shared>>) dst(%dma_wait3A_733 : memref<512x512xf32, #tpu.memory_space<hbm>>)
    %dma_start3A_734 = arith.constant 2 : i32
    %dma_start3A_735 = arith.constant 3 : i32
    %dma_start3A_736 = tpu.memref_slice %arg10[%dma_start3A_735] : memref<7x!tpu.dma_semaphore, #tpu.memory_space<semaphore_mem>> -> memref<1x!tpu.dma_semaphore, #tpu.memory_space<semaphore_mem>>
    %dma_start3A_737 = tpu.memref_squeeze %dma_start3A_736 : memref<1x!tpu.dma_semaphore, #tpu.memory_space<semaphore_mem>> -> memref<!tpu.dma_semaphore, #tpu.memory_space<semaphore_mem>>
    %dma_start3A_738 = arith.constant 0 : i32
    %dma_start3A_739 = arith.constant 0 : i32
    %dma_start3A_740 = tpu.memref_slice %arg1[%add3A_49, %dma_start3A_734, %dma_start3A_738, %dma_start3A_739] : memref<32x3x512x512xf32, #tpu.memory_space<hbm>> -> memref<1x1x512x512xf32, #tpu.memory_space<hbm>>
    %dma_start3A_741 = tpu.memref_squeeze %dma_start3A_740 : memref<1x1x512x512xf32, #tpu.memory_space<hbm>> -> memref<512x512xf32, #tpu.memory_space<hbm>>
    tpu.enqueue_dma source(%dma_start3A_741 : memref<512x512xf32, #tpu.memory_space<hbm>>) target(%arg6 : memref<512x512xf32, #tpu.memory_space<vmem_shared>>) target_semaphore(%dma_start3A_737 : memref<!tpu.dma_semaphore, #tpu.memory_space<semaphore_mem>>)
    %dma_wait3A_742 = arith.constant 1 : i32
    %dma_wait3A_743 = arith.constant 5 : i32
    %dma_wait3A_744 = tpu.memref_slice %arg10[%dma_wait3A_743] : memref<7x!tpu.dma_semaphore, #tpu.memory_space<semaphore_mem>> -> memref<1x!tpu.dma_semaphore, #tpu.memory_space<semaphore_mem>>
    %dma_wait3A_745 = tpu.memref_squeeze %dma_wait3A_744 : memref<1x!tpu.dma_semaphore, #tpu.memory_space<semaphore_mem>> -> memref<!tpu.dma_semaphore, #tpu.memory_space<semaphore_mem>>
    %dma_wait3A_746 = arith.constant 0 : i32
    %dma_wait3A_747 = arith.constant 0 : i32
    %dma_wait3A_748 = tpu.memref_slice %arg1[%add3A_39, %dma_wait3A_742, %dma_wait3A_746, %dma_wait3A_747] : memref<32x3x512x512xf32, #tpu.memory_space<hbm>> -> memref<1x1x512x512xf32, #tpu.memory_space<hbm>>
    %dma_wait3A_749 = tpu.memref_squeeze %dma_wait3A_748 : memref<1x1x512x512xf32, #tpu.memory_space<hbm>> -> memref<512x512xf32, #tpu.memory_space<hbm>>
    tpu.wait_dma2 semaphore(%dma_wait3A_745 : memref<!tpu.dma_semaphore, #tpu.memory_space<semaphore_mem>>) src(%dma_wait3A_749 : memref<512x512xf32, #tpu.memory_space<hbm>>) dst(%arg8 : memref<512x512xf32, #tpu.memory_space<vmem_shared>>)
    %dma_start3A_750 = arith.constant 1 : i32
    %dma_start3A_751 = arith.constant 5 : i32
    %dma_start3A_752 = tpu.memref_slice %arg11[%dma_start3A_751] : memref<7x!tpu.dma_semaphore, #tpu.memory_space<semaphore_mem>> -> memref<1x!tpu.dma_semaphore, #tpu.memory_space<semaphore_mem>>
    %dma_start3A_753 = tpu.memref_squeeze %dma_start3A_752 : memref<1x!tpu.dma_semaphore, #tpu.memory_space<semaphore_mem>> -> memref<!tpu.dma_semaphore, #tpu.memory_space<semaphore_mem>>
    %dma_start3A_754 = arith.constant 0 : i32
    %dma_start3A_755 = arith.constant 0 : i32
    %dma_start3A_756 = tpu.memref_slice %arg2[%add3A_39, %dma_start3A_750, %dma_start3A_754, %dma_start3A_755] : memref<32x3x512x512xf32, #tpu.memory_space<hbm>> -> memref<1x1x512x512xf32, #tpu.memory_space<hbm>>
    %dma_start3A_757 = tpu.memref_squeeze %dma_start3A_756 : memref<1x1x512x512xf32, #tpu.memory_space<hbm>> -> memref<512x512xf32, #tpu.memory_space<hbm>>
    tpu.enqueue_dma source(%arg8 : memref<512x512xf32, #tpu.memory_space<vmem_shared>>) target(%dma_start3A_757 : memref<512x512xf32, #tpu.memory_space<hbm>>) target_semaphore(%dma_start3A_753 : memref<!tpu.dma_semaphore, #tpu.memory_space<semaphore_mem>>)
    %dma_wait3A_758 = arith.constant 0 : i32
    %dma_wait3A_759 = arith.constant 4 : i32
    %dma_wait3A_760 = tpu.memref_slice %arg11[%dma_wait3A_759] : memref<7x!tpu.dma_semaphore, #tpu.memory_space<semaphore_mem>> -> memref<1x!tpu.dma_semaphore, #tpu.memory_space<semaphore_mem>>
    %dma_wait3A_761 = tpu.memref_squeeze %dma_wait3A_760 : memref<1x!tpu.dma_semaphore, #tpu.memory_space<semaphore_mem>> -> memref<!tpu.dma_semaphore, #tpu.memory_space<semaphore_mem>>
    %dma_wait3A_762 = arith.constant 0 : i32
    %dma_wait3A_763 = arith.constant 0 : i32
    %dma_wait3A_764 = tpu.memref_slice %arg2[%add3A_37, %dma_wait3A_758, %dma_wait3A_762, %dma_wait3A_763] : memref<32x3x512x512xf32, #tpu.memory_space<hbm>> -> memref<1x1x512x512xf32, #tpu.memory_space<hbm>>
    %dma_wait3A_765 = tpu.memref_squeeze %dma_wait3A_764 : memref<1x1x512x512xf32, #tpu.memory_space<hbm>> -> memref<512x512xf32, #tpu.memory_space<hbm>>
    tpu.wait_dma2 semaphore(%dma_wait3A_761 : memref<!tpu.dma_semaphore, #tpu.memory_space<semaphore_mem>>) src(%arg7 : memref<512x512xf32, #tpu.memory_space<vmem_shared>>) dst(%dma_wait3A_765 : memref<512x512xf32, #tpu.memory_space<hbm>>)
    %dma_start3A_766 = arith.constant 1 : i32
    %dma_start3A_767 = arith.constant 4 : i32
    %dma_start3A_768 = tpu.memref_slice %arg10[%dma_start3A_767] : memref<7x!tpu.dma_semaphore, #tpu.memory_space<semaphore_mem>> -> memref<1x!tpu.dma_semaphore, #tpu.memory_space<semaphore_mem>>
    %dma_start3A_769 = tpu.memref_squeeze %dma_start3A_768 : memref<1x!tpu.dma_semaphore, #tpu.memory_space<semaphore_mem>> -> memref<!tpu.dma_semaphore, #tpu.memory_space<semaphore_mem>>
    %dma_start3A_770 = arith.constant 0 : i32
    %dma_start3A_771 = arith.constant 0 : i32
    %dma_start3A_772 = tpu.memref_slice %arg1[%add3A_51, %dma_start3A_766, %dma_start3A_770, %dma_start3A_771] : memref<32x3x512x512xf32, #tpu.memory_space<hbm>> -> memref<1x1x512x512xf32, #tpu.memory_space<hbm>>
    %dma_start3A_773 = tpu.memref_squeeze %dma_start3A_772 : memref<1x1x512x512xf32, #tpu.memory_space<hbm>> -> memref<512x512xf32, #tpu.memory_space<hbm>>
    tpu.enqueue_dma source(%dma_start3A_773 : memref<512x512xf32, #tpu.memory_space<hbm>>) target(%arg7 : memref<512x512xf32, #tpu.memory_space<vmem_shared>>) target_semaphore(%dma_start3A_769 : memref<!tpu.dma_semaphore, #tpu.memory_space<semaphore_mem>>)
    %dma_wait3A_774 = arith.constant 0 : i32
    %dma_wait3A_775 = arith.constant 6 : i32
    %dma_wait3A_776 = tpu.memref_slice %arg10[%dma_wait3A_775] : memref<7x!tpu.dma_semaphore, #tpu.memory_space<semaphore_mem>> -> memref<1x!tpu.dma_semaphore, #tpu.memory_space<semaphore_mem>>
    %dma_wait3A_777 = tpu.memref_squeeze %dma_wait3A_776 : memref<1x!tpu.dma_semaphore, #tpu.memory_space<semaphore_mem>> -> memref<!tpu.dma_semaphore, #tpu.memory_space<semaphore_mem>>
    %dma_wait3A_778 = arith.constant 0 : i32
    %dma_wait3A_779 = arith.constant 0 : i32
    %dma_wait3A_780 = tpu.memref_slice %arg1[%add3A_41, %dma_wait3A_774, %dma_wait3A_778, %dma_wait3A_779] : memref<32x3x512x512xf32, #tpu.memory_space<hbm>> -> memref<1x1x512x512xf32, #tpu.memory_space<hbm>>
    %dma_wait3A_781 = tpu.memref_squeeze %dma_wait3A_780 : memref<1x1x512x512xf32, #tpu.memory_space<hbm>> -> memref<512x512xf32, #tpu.memory_space<hbm>>
    tpu.wait_dma2 semaphore(%dma_wait3A_777 : memref<!tpu.dma_semaphore, #tpu.memory_space<semaphore_mem>>) src(%dma_wait3A_781 : memref<512x512xf32, #tpu.memory_space<hbm>>) dst(%arg9 : memref<512x512xf32, #tpu.memory_space<vmem_shared>>)
    %dma_start3A_782 = arith.constant 2 : i32
    %dma_start3A_783 = arith.constant 6 : i32
    %dma_start3A_784 = tpu.memref_slice %arg11[%dma_start3A_783] : memref<7x!tpu.dma_semaphore, #tpu.memory_space<semaphore_mem>> -> memref<1x!tpu.dma_semaphore, #tpu.memory_space<semaphore_mem>>
    %dma_start3A_785 = tpu.memref_squeeze %dma_start3A_784 : memref<1x!tpu.dma_semaphore, #tpu.memory_space<semaphore_mem>> -> memref<!tpu.dma_semaphore, #tpu.memory_space<semaphore_mem>>
    %dma_start3A_786 = arith.constant 0 : i32
    %dma_start3A_787 = arith.constant 0 : i32
    %dma_start3A_788 = tpu.memref_slice %arg2[%add3A_41, %dma_start3A_782, %dma_start3A_786, %dma_start3A_787] : memref<32x3x512x512xf32, #tpu.memory_space<hbm>> -> memref<1x1x512x512xf32, #tpu.memory_space<hbm>>
    %dma_start3A_789 = tpu.memref_squeeze %dma_start3A_788 : memref<1x1x512x512xf32, #tpu.memory_space<hbm>> -> memref<512x512xf32, #tpu.memory_space<hbm>>
    tpu.enqueue_dma source(%arg9 : memref<512x512xf32, #tpu.memory_space<vmem_shared>>) target(%dma_start3A_789 : memref<512x512xf32, #tpu.memory_space<hbm>>) target_semaphore(%dma_start3A_785 : memref<!tpu.dma_semaphore, #tpu.memory_space<semaphore_mem>>)
    %dma_wait3A_790 = arith.constant 1 : i32
    %dma_wait3A_791 = arith.constant 5 : i32
    %dma_wait3A_792 = tpu.memref_slice %arg11[%dma_wait3A_791] : memref<7x!tpu.dma_semaphore, #tpu.memory_space<semaphore_mem>> -> memref<1x!tpu.dma_semaphore, #tpu.memory_space<semaphore_mem>>
    %dma_wait3A_793 = tpu.memref_squeeze %dma_wait3A_792 : memref<1x!tpu.dma_semaphore, #tpu.memory_space<semaphore_mem>> -> memref<!tpu.dma_semaphore, #tpu.memory_space<semaphore_mem>>
    %dma_wait3A_794 = arith.constant 0 : i32
    %dma_wait3A_795 = arith.constant 0 : i32
    %dma_wait3A_796 = tpu.memref_slice %arg2[%add3A_39, %dma_wait3A_790, %dma_wait3A_794, %dma_wait3A_795] : memref<32x3x512x512xf32, #tpu.memory_space<hbm>> -> memref<1x1x512x512xf32, #tpu.memory_space<hbm>>
    %dma_wait3A_797 = tpu.memref_squeeze %dma_wait3A_796 : memref<1x1x512x512xf32, #tpu.memory_space<hbm>> -> memref<512x512xf32, #tpu.memory_space<hbm>>
    tpu.wait_dma2 semaphore(%dma_wait3A_793 : memref<!tpu.dma_semaphore, #tpu.memory_space<semaphore_mem>>) src(%arg8 : memref<512x512xf32, #tpu.memory_space<vmem_shared>>) dst(%dma_wait3A_797 : memref<512x512xf32, #tpu.memory_space<hbm>>)
    %dma_start3A_798 = arith.constant 0 : i32
    %dma_start3A_799 = arith.constant 5 : i32
    %dma_start3A_800 = tpu.memref_slice %arg10[%dma_start3A_799] : memref<7x!tpu.dma_semaphore, #tpu.memory_space<semaphore_mem>> -> memref<1x!tpu.dma_semaphore, #tpu.memory_space<semaphore_mem>>
    %dma_start3A_801 = tpu.memref_squeeze %dma_start3A_800 : memref<1x!tpu.dma_semaphore, #tpu.memory_space<semaphore_mem>> -> memref<!tpu.dma_semaphore, #tpu.memory_space<semaphore_mem>>
    %dma_start3A_802 = arith.constant 0 : i32
    %dma_start3A_803 = arith.constant 0 : i32
    %dma_start3A_804 = tpu.memref_slice %arg1[%add3A_53, %dma_start3A_798, %dma_start3A_802, %dma_start3A_803] : memref<32x3x512x512xf32, #tpu.memory_space<hbm>> -> memref<1x1x512x512xf32, #tpu.memory_space<hbm>>
    %dma_start3A_805 = tpu.memref_squeeze %dma_start3A_804 : memref<1x1x512x512xf32, #tpu.memory_space<hbm>> -> memref<512x512xf32, #tpu.memory_space<hbm>>
    tpu.enqueue_dma source(%dma_start3A_805 : memref<512x512xf32, #tpu.memory_space<hbm>>) target(%arg8 : memref<512x512xf32, #tpu.memory_space<vmem_shared>>) target_semaphore(%dma_start3A_801 : memref<!tpu.dma_semaphore, #tpu.memory_space<semaphore_mem>>)
    %dma_wait3A_806 = arith.constant 2 : i32
    %dma_wait3A_807 = arith.constant 0 : i32
    %dma_wait3A_808 = tpu.memref_slice %arg10[%dma_wait3A_807] : memref<7x!tpu.dma_semaphore, #tpu.memory_space<semaphore_mem>> -> memref<1x!tpu.dma_semaphore, #tpu.memory_space<semaphore_mem>>
    %dma_wait3A_809 = tpu.memref_squeeze %dma_wait3A_808 : memref<1x!tpu.dma_semaphore, #tpu.memory_space<semaphore_mem>> -> memref<!tpu.dma_semaphore, #tpu.memory_space<semaphore_mem>>
    %dma_wait3A_810 = arith.constant 0 : i32
    %dma_wait3A_811 = arith.constant 0 : i32
    %dma_wait3A_812 = tpu.memref_slice %arg1[%add3A_43, %dma_wait3A_806, %dma_wait3A_810, %dma_wait3A_811] : memref<32x3x512x512xf32, #tpu.memory_space<hbm>> -> memref<1x1x512x512xf32, #tpu.memory_space<hbm>>
    %dma_wait3A_813 = tpu.memref_squeeze %dma_wait3A_812 : memref<1x1x512x512xf32, #tpu.memory_space<hbm>> -> memref<512x512xf32, #tpu.memory_space<hbm>>
    tpu.wait_dma2 semaphore(%dma_wait3A_809 : memref<!tpu.dma_semaphore, #tpu.memory_space<semaphore_mem>>) src(%dma_wait3A_813 : memref<512x512xf32, #tpu.memory_space<hbm>>) dst(%arg3 : memref<512x512xf32, #tpu.memory_space<vmem_shared>>)
    %dma_start3A_814 = arith.constant 0 : i32
    %dma_start3A_815 = arith.constant 0 : i32
    %dma_start3A_816 = tpu.memref_slice %arg11[%dma_start3A_815] : memref<7x!tpu.dma_semaphore, #tpu.memory_space<semaphore_mem>> -> memref<1x!tpu.dma_semaphore, #tpu.memory_space<semaphore_mem>>
    %dma_start3A_817 = tpu.memref_squeeze %dma_start3A_816 : memref<1x!tpu.dma_semaphore, #tpu.memory_space<semaphore_mem>> -> memref<!tpu.dma_semaphore, #tpu.memory_space<semaphore_mem>>
    %dma_start3A_818 = arith.constant 0 : i32
    %dma_start3A_819 = arith.constant 0 : i32
    %dma_start3A_820 = tpu.memref_slice %arg2[%add3A_43, %dma_start3A_814, %dma_start3A_818, %dma_start3A_819] : memref<32x3x512x512xf32, #tpu.memory_space<hbm>> -> memref<1x1x512x512xf32, #tpu.memory_space<hbm>>
    %dma_start3A_821 = tpu.memref_squeeze %dma_start3A_820 : memref<1x1x512x512xf32, #tpu.memory_space<hbm>> -> memref<512x512xf32, #tpu.memory_space<hbm>>
    tpu.enqueue_dma source(%arg3 : memref<512x512xf32, #tpu.memory_space<vmem_shared>>) target(%dma_start3A_821 : memref<512x512xf32, #tpu.memory_space<hbm>>) target_semaphore(%dma_start3A_817 : memref<!tpu.dma_semaphore, #tpu.memory_space<semaphore_mem>>)
    %dma_wait3A_822 = arith.constant 2 : i32
    %dma_wait3A_823 = arith.constant 6 : i32
    %dma_wait3A_824 = tpu.memref_slice %arg11[%dma_wait3A_823] : memref<7x!tpu.dma_semaphore, #tpu.memory_space<semaphore_mem>> -> memref<1x!tpu.dma_semaphore, #tpu.memory_space<semaphore_mem>>
    %dma_wait3A_825 = tpu.memref_squeeze %dma_wait3A_824 : memref<1x!tpu.dma_semaphore, #tpu.memory_space<semaphore_mem>> -> memref<!tpu.dma_semaphore, #tpu.memory_space<semaphore_mem>>
    %dma_wait3A_826 = arith.constant 0 : i32
    %dma_wait3A_827 = arith.constant 0 : i32
    %dma_wait3A_828 = tpu.memref_slice %arg2[%add3A_41, %dma_wait3A_822, %dma_wait3A_826, %dma_wait3A_827] : memref<32x3x512x512xf32, #tpu.memory_space<hbm>> -> memref<1x1x512x512xf32, #tpu.memory_space<hbm>>
    %dma_wait3A_829 = tpu.memref_squeeze %dma_wait3A_828 : memref<1x1x512x512xf32, #tpu.memory_space<hbm>> -> memref<512x512xf32, #tpu.memory_space<hbm>>
    tpu.wait_dma2 semaphore(%dma_wait3A_825 : memref<!tpu.dma_semaphore, #tpu.memory_space<semaphore_mem>>) src(%arg9 : memref<512x512xf32, #tpu.memory_space<vmem_shared>>) dst(%dma_wait3A_829 : memref<512x512xf32, #tpu.memory_space<hbm>>)
    %dma_start3A_830 = arith.constant 2 : i32
    %dma_start3A_831 = arith.constant 6 : i32
    %dma_start3A_832 = tpu.memref_slice %arg10[%dma_start3A_831] : memref<7x!tpu.dma_semaphore, #tpu.memory_space<semaphore_mem>> -> memref<1x!tpu.dma_semaphore, #tpu.memory_space<semaphore_mem>>
    %dma_start3A_833 = tpu.memref_squeeze %dma_start3A_832 : memref<1x!tpu.dma_semaphore, #tpu.memory_space<semaphore_mem>> -> memref<!tpu.dma_semaphore, #tpu.memory_space<semaphore_mem>>
    %dma_start3A_834 = arith.constant 0 : i32
    %dma_start3A_835 = arith.constant 0 : i32
    %dma_start3A_836 = tpu.memref_slice %arg1[%add3A_55, %dma_start3A_830, %dma_start3A_834, %dma_start3A_835] : memref<32x3x512x512xf32, #tpu.memory_space<hbm>> -> memref<1x1x512x512xf32, #tpu.memory_space<hbm>>
    %dma_start3A_837 = tpu.memref_squeeze %dma_start3A_836 : memref<1x1x512x512xf32, #tpu.memory_space<hbm>> -> memref<512x512xf32, #tpu.memory_space<hbm>>
    tpu.enqueue_dma source(%dma_start3A_837 : memref<512x512xf32, #tpu.memory_space<hbm>>) target(%arg9 : memref<512x512xf32, #tpu.memory_space<vmem_shared>>) target_semaphore(%dma_start3A_833 : memref<!tpu.dma_semaphore, #tpu.memory_space<semaphore_mem>>)
    %dma_wait3A_838 = arith.constant 1 : i32
    %dma_wait3A_839 = arith.constant 1 : i32
    %dma_wait3A_840 = tpu.memref_slice %arg10[%dma_wait3A_839] : memref<7x!tpu.dma_semaphore, #tpu.memory_space<semaphore_mem>> -> memref<1x!tpu.dma_semaphore, #tpu.memory_space<semaphore_mem>>
    %dma_wait3A_841 = tpu.memref_squeeze %dma_wait3A_840 : memref<1x!tpu.dma_semaphore, #tpu.memory_space<semaphore_mem>> -> memref<!tpu.dma_semaphore, #tpu.memory_space<semaphore_mem>>
    %dma_wait3A_842 = arith.constant 0 : i32
    %dma_wait3A_843 = arith.constant 0 : i32
    %dma_wait3A_844 = tpu.memref_slice %arg1[%add3A_45, %dma_wait3A_838, %dma_wait3A_842, %dma_wait3A_843] : memref<32x3x512x512xf32, #tpu.memory_space<hbm>> -> memref<1x1x512x512xf32, #tpu.memory_space<hbm>>
    %dma_wait3A_845 = tpu.memref_squeeze %dma_wait3A_844 : memref<1x1x512x512xf32, #tpu.memory_space<hbm>> -> memref<512x512xf32, #tpu.memory_space<hbm>>
    tpu.wait_dma2 semaphore(%dma_wait3A_841 : memref<!tpu.dma_semaphore, #tpu.memory_space<semaphore_mem>>) src(%dma_wait3A_845 : memref<512x512xf32, #tpu.memory_space<hbm>>) dst(%arg4 : memref<512x512xf32, #tpu.memory_space<vmem_shared>>)
    %dma_start3A_846 = arith.constant 1 : i32
    %dma_start3A_847 = arith.constant 1 : i32
    %dma_start3A_848 = tpu.memref_slice %arg11[%dma_start3A_847] : memref<7x!tpu.dma_semaphore, #tpu.memory_space<semaphore_mem>> -> memref<1x!tpu.dma_semaphore, #tpu.memory_space<semaphore_mem>>
    %dma_start3A_849 = tpu.memref_squeeze %dma_start3A_848 : memref<1x!tpu.dma_semaphore, #tpu.memory_space<semaphore_mem>> -> memref<!tpu.dma_semaphore, #tpu.memory_space<semaphore_mem>>
    %dma_start3A_850 = arith.constant 0 : i32
    %dma_start3A_851 = arith.constant 0 : i32
    %dma_start3A_852 = tpu.memref_slice %arg2[%add3A_45, %dma_start3A_846, %dma_start3A_850, %dma_start3A_851] : memref<32x3x512x512xf32, #tpu.memory_space<hbm>> -> memref<1x1x512x512xf32, #tpu.memory_space<hbm>>
    %dma_start3A_853 = tpu.memref_squeeze %dma_start3A_852 : memref<1x1x512x512xf32, #tpu.memory_space<hbm>> -> memref<512x512xf32, #tpu.memory_space<hbm>>
    tpu.enqueue_dma source(%arg4 : memref<512x512xf32, #tpu.memory_space<vmem_shared>>) target(%dma_start3A_853 : memref<512x512xf32, #tpu.memory_space<hbm>>) target_semaphore(%dma_start3A_849 : memref<!tpu.dma_semaphore, #tpu.memory_space<semaphore_mem>>)
    %dma_wait3A_854 = arith.constant 0 : i32
    %dma_wait3A_855 = arith.constant 0 : i32
    %dma_wait3A_856 = tpu.memref_slice %arg11[%dma_wait3A_855] : memref<7x!tpu.dma_semaphore, #tpu.memory_space<semaphore_mem>> -> memref<1x!tpu.dma_semaphore, #tpu.memory_space<semaphore_mem>>
    %dma_wait3A_857 = tpu.memref_squeeze %dma_wait3A_856 : memref<1x!tpu.dma_semaphore, #tpu.memory_space<semaphore_mem>> -> memref<!tpu.dma_semaphore, #tpu.memory_space<semaphore_mem>>
    %dma_wait3A_858 = arith.constant 0 : i32
    %dma_wait3A_859 = arith.constant 0 : i32
    %dma_wait3A_860 = tpu.memref_slice %arg2[%add3A_43, %dma_wait3A_854, %dma_wait3A_858, %dma_wait3A_859] : memref<32x3x512x512xf32, #tpu.memory_space<hbm>> -> memref<1x1x512x512xf32, #tpu.memory_space<hbm>>
    %dma_wait3A_861 = tpu.memref_squeeze %dma_wait3A_860 : memref<1x1x512x512xf32, #tpu.memory_space<hbm>> -> memref<512x512xf32, #tpu.memory_space<hbm>>
    tpu.wait_dma2 semaphore(%dma_wait3A_857 : memref<!tpu.dma_semaphore, #tpu.memory_space<semaphore_mem>>) src(%arg3 : memref<512x512xf32, #tpu.memory_space<vmem_shared>>) dst(%dma_wait3A_861 : memref<512x512xf32, #tpu.memory_space<hbm>>)
    %dma_start3A_862 = arith.constant 1 : i32
    %dma_start3A_863 = arith.constant 0 : i32
    %dma_start3A_864 = tpu.memref_slice %arg10[%dma_start3A_863] : memref<7x!tpu.dma_semaphore, #tpu.memory_space<semaphore_mem>> -> memref<1x!tpu.dma_semaphore, #tpu.memory_space<semaphore_mem>>
    %dma_start3A_865 = tpu.memref_squeeze %dma_start3A_864 : memref<1x!tpu.dma_semaphore, #tpu.memory_space<semaphore_mem>> -> memref<!tpu.dma_semaphore, #tpu.memory_space<semaphore_mem>>
    %dma_start3A_866 = arith.constant 0 : i32
    %dma_start3A_867 = arith.constant 0 : i32
    %dma_start3A_868 = tpu.memref_slice %arg1[%add3A_57, %dma_start3A_862, %dma_start3A_866, %dma_start3A_867] : memref<32x3x512x512xf32, #tpu.memory_space<hbm>> -> memref<1x1x512x512xf32, #tpu.memory_space<hbm>>
    %dma_start3A_869 = tpu.memref_squeeze %dma_start3A_868 : memref<1x1x512x512xf32, #tpu.memory_space<hbm>> -> memref<512x512xf32, #tpu.memory_space<hbm>>
    tpu.enqueue_dma source(%dma_start3A_869 : memref<512x512xf32, #tpu.memory_space<hbm>>) target(%arg3 : memref<512x512xf32, #tpu.memory_space<vmem_shared>>) target_semaphore(%dma_start3A_865 : memref<!tpu.dma_semaphore, #tpu.memory_space<semaphore_mem>>)
    %dma_wait3A_870 = arith.constant 0 : i32
    %dma_wait3A_871 = arith.constant 2 : i32
    %dma_wait3A_872 = tpu.memref_slice %arg10[%dma_wait3A_871] : memref<7x!tpu.dma_semaphore, #tpu.memory_space<semaphore_mem>> -> memref<1x!tpu.dma_semaphore, #tpu.memory_space<semaphore_mem>>
    %dma_wait3A_873 = tpu.memref_squeeze %dma_wait3A_872 : memref<1x!tpu.dma_semaphore, #tpu.memory_space<semaphore_mem>> -> memref<!tpu.dma_semaphore, #tpu.memory_space<semaphore_mem>>
    %dma_wait3A_874 = arith.constant 0 : i32
    %dma_wait3A_875 = arith.constant 0 : i32
    %dma_wait3A_876 = tpu.memref_slice %arg1[%add3A_47, %dma_wait3A_870, %dma_wait3A_874, %dma_wait3A_875] : memref<32x3x512x512xf32, #tpu.memory_space<hbm>> -> memref<1x1x512x512xf32, #tpu.memory_space<hbm>>
    %dma_wait3A_877 = tpu.memref_squeeze %dma_wait3A_876 : memref<1x1x512x512xf32, #tpu.memory_space<hbm>> -> memref<512x512xf32, #tpu.memory_space<hbm>>
    tpu.wait_dma2 semaphore(%dma_wait3A_873 : memref<!tpu.dma_semaphore, #tpu.memory_space<semaphore_mem>>) src(%dma_wait3A_877 : memref<512x512xf32, #tpu.memory_space<hbm>>) dst(%arg5 : memref<512x512xf32, #tpu.memory_space<vmem_shared>>)
    %dma_start3A_878 = arith.constant 2 : i32
    %dma_start3A_879 = arith.constant 2 : i32
    %dma_start3A_880 = tpu.memref_slice %arg11[%dma_start3A_879] : memref<7x!tpu.dma_semaphore, #tpu.memory_space<semaphore_mem>> -> memref<1x!tpu.dma_semaphore, #tpu.memory_space<semaphore_mem>>
    %dma_start3A_881 = tpu.memref_squeeze %dma_start3A_880 : memref<1x!tpu.dma_semaphore, #tpu.memory_space<semaphore_mem>> -> memref<!tpu.dma_semaphore, #tpu.memory_space<semaphore_mem>>
    %dma_start3A_882 = arith.constant 0 : i32
    %dma_start3A_883 = arith.constant 0 : i32
    %dma_start3A_884 = tpu.memref_slice %arg2[%add3A_47, %dma_start3A_878, %dma_start3A_882, %dma_start3A_883] : memref<32x3x512x512xf32, #tpu.memory_space<hbm>> -> memref<1x1x512x512xf32, #tpu.memory_space<hbm>>
    %dma_start3A_885 = tpu.memref_squeeze %dma_start3A_884 : memref<1x1x512x512xf32, #tpu.memory_space<hbm>> -> memref<512x512xf32, #tpu.memory_space<hbm>>
    tpu.enqueue_dma source(%arg5 : memref<512x512xf32, #tpu.memory_space<vmem_shared>>) target(%dma_start3A_885 : memref<512x512xf32, #tpu.memory_space<hbm>>) target_semaphore(%dma_start3A_881 : memref<!tpu.dma_semaphore, #tpu.memory_space<semaphore_mem>>)
    %dma_wait3A_886 = arith.constant 1 : i32
    %dma_wait3A_887 = arith.constant 1 : i32
    %dma_wait3A_888 = tpu.memref_slice %arg11[%dma_wait3A_887] : memref<7x!tpu.dma_semaphore, #tpu.memory_space<semaphore_mem>> -> memref<1x!tpu.dma_semaphore, #tpu.memory_space<semaphore_mem>>
    %dma_wait3A_889 = tpu.memref_squeeze %dma_wait3A_888 : memref<1x!tpu.dma_semaphore, #tpu.memory_space<semaphore_mem>> -> memref<!tpu.dma_semaphore, #tpu.memory_space<semaphore_mem>>
    %dma_wait3A_890 = arith.constant 0 : i32
    %dma_wait3A_891 = arith.constant 0 : i32
    %dma_wait3A_892 = tpu.memref_slice %arg2[%add3A_45, %dma_wait3A_886, %dma_wait3A_890, %dma_wait3A_891] : memref<32x3x512x512xf32, #tpu.memory_space<hbm>> -> memref<1x1x512x512xf32, #tpu.memory_space<hbm>>
    %dma_wait3A_893 = tpu.memref_squeeze %dma_wait3A_892 : memref<1x1x512x512xf32, #tpu.memory_space<hbm>> -> memref<512x512xf32, #tpu.memory_space<hbm>>
    tpu.wait_dma2 semaphore(%dma_wait3A_889 : memref<!tpu.dma_semaphore, #tpu.memory_space<semaphore_mem>>) src(%arg4 : memref<512x512xf32, #tpu.memory_space<vmem_shared>>) dst(%dma_wait3A_893 : memref<512x512xf32, #tpu.memory_space<hbm>>)
    %dma_start3A_894 = arith.constant 0 : i32
    %dma_start3A_895 = arith.constant 1 : i32
    %dma_start3A_896 = tpu.memref_slice %arg10[%dma_start3A_895] : memref<7x!tpu.dma_semaphore, #tpu.memory_space<semaphore_mem>> -> memref<1x!tpu.dma_semaphore, #tpu.memory_space<semaphore_mem>>
    %dma_start3A_897 = tpu.memref_squeeze %dma_start3A_896 : memref<1x!tpu.dma_semaphore, #tpu.memory_space<semaphore_mem>> -> memref<!tpu.dma_semaphore, #tpu.memory_space<semaphore_mem>>
    %dma_start3A_898 = arith.constant 0 : i32
    %dma_start3A_899 = arith.constant 0 : i32
    %dma_start3A_900 = tpu.memref_slice %arg1[%add3A_59, %dma_start3A_894, %dma_start3A_898, %dma_start3A_899] : memref<32x3x512x512xf32, #tpu.memory_space<hbm>> -> memref<1x1x512x512xf32, #tpu.memory_space<hbm>>
    %dma_start3A_901 = tpu.memref_squeeze %dma_start3A_900 : memref<1x1x512x512xf32, #tpu.memory_space<hbm>> -> memref<512x512xf32, #tpu.memory_space<hbm>>
    tpu.enqueue_dma source(%dma_start3A_901 : memref<512x512xf32, #tpu.memory_space<hbm>>) target(%arg4 : memref<512x512xf32, #tpu.memory_space<vmem_shared>>) target_semaphore(%dma_start3A_897 : memref<!tpu.dma_semaphore, #tpu.memory_space<semaphore_mem>>)
    %dma_wait3A_902 = arith.constant 2 : i32
    %dma_wait3A_903 = arith.constant 3 : i32
    %dma_wait3A_904 = tpu.memref_slice %arg10[%dma_wait3A_903] : memref<7x!tpu.dma_semaphore, #tpu.memory_space<semaphore_mem>> -> memref<1x!tpu.dma_semaphore, #tpu.memory_space<semaphore_mem>>
    %dma_wait3A_905 = tpu.memref_squeeze %dma_wait3A_904 : memref<1x!tpu.dma_semaphore, #tpu.memory_space<semaphore_mem>> -> memref<!tpu.dma_semaphore, #tpu.memory_space<semaphore_mem>>
    %dma_wait3A_906 = arith.constant 0 : i32
    %dma_wait3A_907 = arith.constant 0 : i32
    %dma_wait3A_908 = tpu.memref_slice %arg1[%add3A_49, %dma_wait3A_902, %dma_wait3A_906, %dma_wait3A_907] : memref<32x3x512x512xf32, #tpu.memory_space<hbm>> -> memref<1x1x512x512xf32, #tpu.memory_space<hbm>>
    %dma_wait3A_909 = tpu.memref_squeeze %dma_wait3A_908 : memref<1x1x512x512xf32, #tpu.memory_space<hbm>> -> memref<512x512xf32, #tpu.memory_space<hbm>>
    tpu.wait_dma2 semaphore(%dma_wait3A_905 : memref<!tpu.dma_semaphore, #tpu.memory_space<semaphore_mem>>) src(%dma_wait3A_909 : memref<512x512xf32, #tpu.memory_space<hbm>>) dst(%arg6 : memref<512x512xf32, #tpu.memory_space<vmem_shared>>)
    %dma_start3A_910 = arith.constant 0 : i32
    %dma_start3A_911 = arith.constant 3 : i32
    %dma_start3A_912 = tpu.memref_slice %arg11[%dma_start3A_911] : memref<7x!tpu.dma_semaphore, #tpu.memory_space<semaphore_mem>> -> memref<1x!tpu.dma_semaphore, #tpu.memory_space<semaphore_mem>>
    %dma_start3A_913 = tpu.memref_squeeze %dma_start3A_912 : memref<1x!tpu.dma_semaphore, #tpu.memory_space<semaphore_mem>> -> memref<!tpu.dma_semaphore, #tpu.memory_space<semaphore_mem>>
    %dma_start3A_914 = arith.constant 0 : i32
    %dma_start3A_915 = arith.constant 0 : i32
    %dma_start3A_916 = tpu.memref_slice %arg2[%add3A_49, %dma_start3A_910, %dma_start3A_914, %dma_start3A_915] : memref<32x3x512x512xf32, #tpu.memory_space<hbm>> -> memref<1x1x512x512xf32, #tpu.memory_space<hbm>>
    %dma_start3A_917 = tpu.memref_squeeze %dma_start3A_916 : memref<1x1x512x512xf32, #tpu.memory_space<hbm>> -> memref<512x512xf32, #tpu.memory_space<hbm>>
    tpu.enqueue_dma source(%arg6 : memref<512x512xf32, #tpu.memory_space<vmem_shared>>) target(%dma_start3A_917 : memref<512x512xf32, #tpu.memory_space<hbm>>) target_semaphore(%dma_start3A_913 : memref<!tpu.dma_semaphore, #tpu.memory_space<semaphore_mem>>)
    %dma_wait3A_918 = arith.constant 2 : i32
    %dma_wait3A_919 = arith.constant 2 : i32
    %dma_wait3A_920 = tpu.memref_slice %arg11[%dma_wait3A_919] : memref<7x!tpu.dma_semaphore, #tpu.memory_space<semaphore_mem>> -> memref<1x!tpu.dma_semaphore, #tpu.memory_space<semaphore_mem>>
    %dma_wait3A_921 = tpu.memref_squeeze %dma_wait3A_920 : memref<1x!tpu.dma_semaphore, #tpu.memory_space<semaphore_mem>> -> memref<!tpu.dma_semaphore, #tpu.memory_space<semaphore_mem>>
    %dma_wait3A_922 = arith.constant 0 : i32
    %dma_wait3A_923 = arith.constant 0 : i32
    %dma_wait3A_924 = tpu.memref_slice %arg2[%add3A_47, %dma_wait3A_918, %dma_wait3A_922, %dma_wait3A_923] : memref<32x3x512x512xf32, #tpu.memory_space<hbm>> -> memref<1x1x512x512xf32, #tpu.memory_space<hbm>>
    %dma_wait3A_925 = tpu.memref_squeeze %dma_wait3A_924 : memref<1x1x512x512xf32, #tpu.memory_space<hbm>> -> memref<512x512xf32, #tpu.memory_space<hbm>>
    tpu.wait_dma2 semaphore(%dma_wait3A_921 : memref<!tpu.dma_semaphore, #tpu.memory_space<semaphore_mem>>) src(%arg5 : memref<512x512xf32, #tpu.memory_space<vmem_shared>>) dst(%dma_wait3A_925 : memref<512x512xf32, #tpu.memory_space<hbm>>)
    %dma_start3A_926 = arith.constant 2 : i32
    %dma_start3A_927 = arith.constant 2 : i32
    %dma_start3A_928 = tpu.memref_slice %arg10[%dma_start3A_927] : memref<7x!tpu.dma_semaphore, #tpu.memory_space<semaphore_mem>> -> memref<1x!tpu.dma_semaphore, #tpu.memory_space<semaphore_mem>>
    %dma_start3A_929 = tpu.memref_squeeze %dma_start3A_928 : memref<1x!tpu.dma_semaphore, #tpu.memory_space<semaphore_mem>> -> memref<!tpu.dma_semaphore, #tpu.memory_space<semaphore_mem>>
    %dma_start3A_930 = arith.constant 0 : i32
    %dma_start3A_931 = arith.constant 0 : i32
    %dma_start3A_932 = tpu.memref_slice %arg1[%add3A_61, %dma_start3A_926, %dma_start3A_930, %dma_start3A_931] : memref<32x3x512x512xf32, #tpu.memory_space<hbm>> -> memref<1x1x512x512xf32, #tpu.memory_space<hbm>>
    %dma_start3A_933 = tpu.memref_squeeze %dma_start3A_932 : memref<1x1x512x512xf32, #tpu.memory_space<hbm>> -> memref<512x512xf32, #tpu.memory_space<hbm>>
    tpu.enqueue_dma source(%dma_start3A_933 : memref<512x512xf32, #tpu.memory_space<hbm>>) target(%arg5 : memref<512x512xf32, #tpu.memory_space<vmem_shared>>) target_semaphore(%dma_start3A_929 : memref<!tpu.dma_semaphore, #tpu.memory_space<semaphore_mem>>)
    %dma_wait3A_934 = arith.constant 1 : i32
    %dma_wait3A_935 = arith.constant 4 : i32
    %dma_wait3A_936 = tpu.memref_slice %arg10[%dma_wait3A_935] : memref<7x!tpu.dma_semaphore, #tpu.memory_space<semaphore_mem>> -> memref<1x!tpu.dma_semaphore, #tpu.memory_space<semaphore_mem>>
    %dma_wait3A_937 = tpu.memref_squeeze %dma_wait3A_936 : memref<1x!tpu.dma_semaphore, #tpu.memory_space<semaphore_mem>> -> memref<!tpu.dma_semaphore, #tpu.memory_space<semaphore_mem>>
    %dma_wait3A_938 = arith.constant 0 : i32
    %dma_wait3A_939 = arith.constant 0 : i32
    %dma_wait3A_940 = tpu.memref_slice %arg1[%add3A_51, %dma_wait3A_934, %dma_wait3A_938, %dma_wait3A_939] : memref<32x3x512x512xf32, #tpu.memory_space<hbm>> -> memref<1x1x512x512xf32, #tpu.memory_space<hbm>>
    %dma_wait3A_941 = tpu.memref_squeeze %dma_wait3A_940 : memref<1x1x512x512xf32, #tpu.memory_space<hbm>> -> memref<512x512xf32, #tpu.memory_space<hbm>>
    tpu.wait_dma2 semaphore(%dma_wait3A_937 : memref<!tpu.dma_semaphore, #tpu.memory_space<semaphore_mem>>) src(%dma_wait3A_941 : memref<512x512xf32, #tpu.memory_space<hbm>>) dst(%arg7 : memref<512x512xf32, #tpu.memory_space<vmem_shared>>)
    %dma_start3A_942 = arith.constant 1 : i32
    %dma_start3A_943 = arith.constant 4 : i32
    %dma_start3A_944 = tpu.memref_slice %arg11[%dma_start3A_943] : memref<7x!tpu.dma_semaphore, #tpu.memory_space<semaphore_mem>> -> memref<1x!tpu.dma_semaphore, #tpu.memory_space<semaphore_mem>>
    %dma_start3A_945 = tpu.memref_squeeze %dma_start3A_944 : memref<1x!tpu.dma_semaphore, #tpu.memory_space<semaphore_mem>> -> memref<!tpu.dma_semaphore, #tpu.memory_space<semaphore_mem>>
    %dma_start3A_946 = arith.constant 0 : i32
    %dma_start3A_947 = arith.constant 0 : i32
    %dma_start3A_948 = tpu.memref_slice %arg2[%add3A_51, %dma_start3A_942, %dma_start3A_946, %dma_start3A_947] : memref<32x3x512x512xf32, #tpu.memory_space<hbm>> -> memref<1x1x512x512xf32, #tpu.memory_space<hbm>>
    %dma_start3A_949 = tpu.memref_squeeze %dma_start3A_948 : memref<1x1x512x512xf32, #tpu.memory_space<hbm>> -> memref<512x512xf32, #tpu.memory_space<hbm>>
    tpu.enqueue_dma source(%arg7 : memref<512x512xf32, #tpu.memory_space<vmem_shared>>) target(%dma_start3A_949 : memref<512x512xf32, #tpu.memory_space<hbm>>) target_semaphore(%dma_start3A_945 : memref<!tpu.dma_semaphore, #tpu.memory_space<semaphore_mem>>)
    %dma_wait3A_950 = arith.constant 0 : i32
    %dma_wait3A_951 = arith.constant 3 : i32
    %dma_wait3A_952 = tpu.memref_slice %arg11[%dma_wait3A_951] : memref<7x!tpu.dma_semaphore, #tpu.memory_space<semaphore_mem>> -> memref<1x!tpu.dma_semaphore, #tpu.memory_space<semaphore_mem>>
    %dma_wait3A_953 = tpu.memref_squeeze %dma_wait3A_952 : memref<1x!tpu.dma_semaphore, #tpu.memory_space<semaphore_mem>> -> memref<!tpu.dma_semaphore, #tpu.memory_space<semaphore_mem>>
    %dma_wait3A_954 = arith.constant 0 : i32
    %dma_wait3A_955 = arith.constant 0 : i32
    %dma_wait3A_956 = tpu.memref_slice %arg2[%add3A_49, %dma_wait3A_950, %dma_wait3A_954, %dma_wait3A_955] : memref<32x3x512x512xf32, #tpu.memory_space<hbm>> -> memref<1x1x512x512xf32, #tpu.memory_space<hbm>>
    %dma_wait3A_957 = tpu.memref_squeeze %dma_wait3A_956 : memref<1x1x512x512xf32, #tpu.memory_space<hbm>> -> memref<512x512xf32, #tpu.memory_space<hbm>>
    tpu.wait_dma2 semaphore(%dma_wait3A_953 : memref<!tpu.dma_semaphore, #tpu.memory_space<semaphore_mem>>) src(%arg6 : memref<512x512xf32, #tpu.memory_space<vmem_shared>>) dst(%dma_wait3A_957 : memref<512x512xf32, #tpu.memory_space<hbm>>)
    %dma_start3A_958 = arith.constant 1 : i32
    %dma_start3A_959 = arith.constant 3 : i32
    %dma_start3A_960 = tpu.memref_slice %arg10[%dma_start3A_959] : memref<7x!tpu.dma_semaphore, #tpu.memory_space<semaphore_mem>> -> memref<1x!tpu.dma_semaphore, #tpu.memory_space<semaphore_mem>>
    %dma_start3A_961 = tpu.memref_squeeze %dma_start3A_960 : memref<1x!tpu.dma_semaphore, #tpu.memory_space<semaphore_mem>> -> memref<!tpu.dma_semaphore, #tpu.memory_space<semaphore_mem>>
    %dma_start3A_962 = arith.constant 0 : i32
    %dma_start3A_963 = arith.constant 0 : i32
    %dma_start3A_964 = tpu.memref_slice %arg1[%add3A_63, %dma_start3A_958, %dma_start3A_962, %dma_start3A_963] : memref<32x3x512x512xf32, #tpu.memory_space<hbm>> -> memref<1x1x512x512xf32, #tpu.memory_space<hbm>>
    %dma_start3A_965 = tpu.memref_squeeze %dma_start3A_964 : memref<1x1x512x512xf32, #tpu.memory_space<hbm>> -> memref<512x512xf32, #tpu.memory_space<hbm>>
    tpu.enqueue_dma source(%dma_start3A_965 : memref<512x512xf32, #tpu.memory_space<hbm>>) target(%arg6 : memref<512x512xf32, #tpu.memory_space<vmem_shared>>) target_semaphore(%dma_start3A_961 : memref<!tpu.dma_semaphore, #tpu.memory_space<semaphore_mem>>)
    %dma_wait3A_966 = arith.constant 0 : i32
    %dma_wait3A_967 = arith.constant 5 : i32
    %dma_wait3A_968 = tpu.memref_slice %arg10[%dma_wait3A_967] : memref<7x!tpu.dma_semaphore, #tpu.memory_space<semaphore_mem>> -> memref<1x!tpu.dma_semaphore, #tpu.memory_space<semaphore_mem>>
    %dma_wait3A_969 = tpu.memref_squeeze %dma_wait3A_968 : memref<1x!tpu.dma_semaphore, #tpu.memory_space<semaphore_mem>> -> memref<!tpu.dma_semaphore, #tpu.memory_space<semaphore_mem>>
    %dma_wait3A_970 = arith.constant 0 : i32
    %dma_wait3A_971 = arith.constant 0 : i32
    %dma_wait3A_972 = tpu.memref_slice %arg1[%add3A_53, %dma_wait3A_966, %dma_wait3A_970, %dma_wait3A_971] : memref<32x3x512x512xf32, #tpu.memory_space<hbm>> -> memref<1x1x512x512xf32, #tpu.memory_space<hbm>>
    %dma_wait3A_973 = tpu.memref_squeeze %dma_wait3A_972 : memref<1x1x512x512xf32, #tpu.memory_space<hbm>> -> memref<512x512xf32, #tpu.memory_space<hbm>>
    tpu.wait_dma2 semaphore(%dma_wait3A_969 : memref<!tpu.dma_semaphore, #tpu.memory_space<semaphore_mem>>) src(%dma_wait3A_973 : memref<512x512xf32, #tpu.memory_space<hbm>>) dst(%arg8 : memref<512x512xf32, #tpu.memory_space<vmem_shared>>)
    %dma_start3A_974 = arith.constant 2 : i32
    %dma_start3A_975 = arith.constant 5 : i32
    %dma_start3A_976 = tpu.memref_slice %arg11[%dma_start3A_975] : memref<7x!tpu.dma_semaphore, #tpu.memory_space<semaphore_mem>> -> memref<1x!tpu.dma_semaphore, #tpu.memory_space<semaphore_mem>>
    %dma_start3A_977 = tpu.memref_squeeze %dma_start3A_976 : memref<1x!tpu.dma_semaphore, #tpu.memory_space<semaphore_mem>> -> memref<!tpu.dma_semaphore, #tpu.memory_space<semaphore_mem>>
    %dma_start3A_978 = arith.constant 0 : i32
    %dma_start3A_979 = arith.constant 0 : i32
    %dma_start3A_980 = tpu.memref_slice %arg2[%add3A_53, %dma_start3A_974, %dma_start3A_978, %dma_start3A_979] : memref<32x3x512x512xf32, #tpu.memory_space<hbm>> -> memref<1x1x512x512xf32, #tpu.memory_space<hbm>>
    %dma_start3A_981 = tpu.memref_squeeze %dma_start3A_980 : memref<1x1x512x512xf32, #tpu.memory_space<hbm>> -> memref<512x512xf32, #tpu.memory_space<hbm>>
    tpu.enqueue_dma source(%arg8 : memref<512x512xf32, #tpu.memory_space<vmem_shared>>) target(%dma_start3A_981 : memref<512x512xf32, #tpu.memory_space<hbm>>) target_semaphore(%dma_start3A_977 : memref<!tpu.dma_semaphore, #tpu.memory_space<semaphore_mem>>)
    %dma_wait3A_982 = arith.constant 1 : i32
    %dma_wait3A_983 = arith.constant 4 : i32
    %dma_wait3A_984 = tpu.memref_slice %arg11[%dma_wait3A_983] : memref<7x!tpu.dma_semaphore, #tpu.memory_space<semaphore_mem>> -> memref<1x!tpu.dma_semaphore, #tpu.memory_space<semaphore_mem>>
    %dma_wait3A_985 = tpu.memref_squeeze %dma_wait3A_984 : memref<1x!tpu.dma_semaphore, #tpu.memory_space<semaphore_mem>> -> memref<!tpu.dma_semaphore, #tpu.memory_space<semaphore_mem>>
    %dma_wait3A_986 = arith.constant 0 : i32
    %dma_wait3A_987 = arith.constant 0 : i32
    %dma_wait3A_988 = tpu.memref_slice %arg2[%add3A_51, %dma_wait3A_982, %dma_wait3A_986, %dma_wait3A_987] : memref<32x3x512x512xf32, #tpu.memory_space<hbm>> -> memref<1x1x512x512xf32, #tpu.memory_space<hbm>>
    %dma_wait3A_989 = tpu.memref_squeeze %dma_wait3A_988 : memref<1x1x512x512xf32, #tpu.memory_space<hbm>> -> memref<512x512xf32, #tpu.memory_space<hbm>>
    tpu.wait_dma2 semaphore(%dma_wait3A_985 : memref<!tpu.dma_semaphore, #tpu.memory_space<semaphore_mem>>) src(%arg7 : memref<512x512xf32, #tpu.memory_space<vmem_shared>>) dst(%dma_wait3A_989 : memref<512x512xf32, #tpu.memory_space<hbm>>)
    %dma_start3A_990 = arith.constant 0 : i32
    %dma_start3A_991 = arith.constant 4 : i32
    %dma_start3A_992 = tpu.memref_slice %arg10[%dma_start3A_991] : memref<7x!tpu.dma_semaphore, #tpu.memory_space<semaphore_mem>> -> memref<1x!tpu.dma_semaphore, #tpu.memory_space<semaphore_mem>>
    %dma_start3A_993 = tpu.memref_squeeze %dma_start3A_992 : memref<1x!tpu.dma_semaphore, #tpu.memory_space<semaphore_mem>> -> memref<!tpu.dma_semaphore, #tpu.memory_space<semaphore_mem>>
    %dma_start3A_994 = arith.constant 0 : i32
    %dma_start3A_995 = arith.constant 0 : i32
    %dma_start3A_996 = tpu.memref_slice %arg1[%add3A_65, %dma_start3A_990, %dma_start3A_994, %dma_start3A_995] : memref<32x3x512x512xf32, #tpu.memory_space<hbm>> -> memref<1x1x512x512xf32, #tpu.memory_space<hbm>>
    %dma_start3A_997 = tpu.memref_squeeze %dma_start3A_996 : memref<1x1x512x512xf32, #tpu.memory_space<hbm>> -> memref<512x512xf32, #tpu.memory_space<hbm>>
    tpu.enqueue_dma source(%dma_start3A_997 : memref<512x512xf32, #tpu.memory_space<hbm>>) target(%arg7 : memref<512x512xf32, #tpu.memory_space<vmem_shared>>) target_semaphore(%dma_start3A_993 : memref<!tpu.dma_semaphore, #tpu.memory_space<semaphore_mem>>)
    %dma_wait3A_998 = arith.constant 2 : i32
    %dma_wait3A_999 = arith.constant 6 : i32
    %dma_wait3A_1000 = tpu.memref_slice %arg10[%dma_wait3A_999] : memref<7x!tpu.dma_semaphore, #tpu.memory_space<semaphore_mem>> -> memref<1x!tpu.dma_semaphore, #tpu.memory_space<semaphore_mem>>
    %dma_wait3A_1001 = tpu.memref_squeeze %dma_wait3A_1000 : memref<1x!tpu.dma_semaphore, #tpu.memory_space<semaphore_mem>> -> memref<!tpu.dma_semaphore, #tpu.memory_space<semaphore_mem>>
    %dma_wait3A_1002 = arith.constant 0 : i32
    %dma_wait3A_1003 = arith.constant 0 : i32
    %dma_wait3A_1004 = tpu.memref_slice %arg1[%add3A_55, %dma_wait3A_998, %dma_wait3A_1002, %dma_wait3A_1003] : memref<32x3x512x512xf32, #tpu.memory_space<hbm>> -> memref<1x1x512x512xf32, #tpu.memory_space<hbm>>
    %dma_wait3A_1005 = tpu.memref_squeeze %dma_wait3A_1004 : memref<1x1x512x512xf32, #tpu.memory_space<hbm>> -> memref<512x512xf32, #tpu.memory_space<hbm>>
    tpu.wait_dma2 semaphore(%dma_wait3A_1001 : memref<!tpu.dma_semaphore, #tpu.memory_space<semaphore_mem>>) src(%dma_wait3A_1005 : memref<512x512xf32, #tpu.memory_space<hbm>>) dst(%arg9 : memref<512x512xf32, #tpu.memory_space<vmem_shared>>)
    %dma_start3A_1006 = arith.constant 0 : i32
    %dma_start3A_1007 = arith.constant 6 : i32
    %dma_start3A_1008 = tpu.memref_slice %arg11[%dma_start3A_1007] : memref<7x!tpu.dma_semaphore, #tpu.memory_space<semaphore_mem>> -> memref<1x!tpu.dma_semaphore, #tpu.memory_space<semaphore_mem>>
    %dma_start3A_1009 = tpu.memref_squeeze %dma_start3A_1008 : memref<1x!tpu.dma_semaphore, #tpu.memory_space<semaphore_mem>> -> memref<!tpu.dma_semaphore, #tpu.memory_space<semaphore_mem>>
    %dma_start3A_1010 = arith.constant 0 : i32
    %dma_start3A_1011 = arith.constant 0 : i32
    %dma_start3A_1012 = tpu.memref_slice %arg2[%add3A_55, %dma_start3A_1006, %dma_start3A_1010, %dma_start3A_1011] : memref<32x3x512x512xf32, #tpu.memory_space<hbm>> -> memref<1x1x512x512xf32, #tpu.memory_space<hbm>>
    %dma_start3A_1013 = tpu.memref_squeeze %dma_start3A_1012 : memref<1x1x512x512xf32, #tpu.memory_space<hbm>> -> memref<512x512xf32, #tpu.memory_space<hbm>>
    tpu.enqueue_dma source(%arg9 : memref<512x512xf32, #tpu.memory_space<vmem_shared>>) target(%dma_start3A_1013 : memref<512x512xf32, #tpu.memory_space<hbm>>) target_semaphore(%dma_start3A_1009 : memref<!tpu.dma_semaphore, #tpu.memory_space<semaphore_mem>>)
    %dma_wait3A_1014 = arith.constant 2 : i32
    %dma_wait3A_1015 = arith.constant 5 : i32
    %dma_wait3A_1016 = tpu.memref_slice %arg11[%dma_wait3A_1015] : memref<7x!tpu.dma_semaphore, #tpu.memory_space<semaphore_mem>> -> memref<1x!tpu.dma_semaphore, #tpu.memory_space<semaphore_mem>>
    %dma_wait3A_1017 = tpu.memref_squeeze %dma_wait3A_1016 : memref<1x!tpu.dma_semaphore, #tpu.memory_space<semaphore_mem>> -> memref<!tpu.dma_semaphore, #tpu.memory_space<semaphore_mem>>
    %dma_wait3A_1018 = arith.constant 0 : i32
    %dma_wait3A_1019 = arith.constant 0 : i32
    %dma_wait3A_1020 = tpu.memref_slice %arg2[%add3A_53, %dma_wait3A_1014, %dma_wait3A_1018, %dma_wait3A_1019] : memref<32x3x512x512xf32, #tpu.memory_space<hbm>> -> memref<1x1x512x512xf32, #tpu.memory_space<hbm>>
    %dma_wait3A_1021 = tpu.memref_squeeze %dma_wait3A_1020 : memref<1x1x512x512xf32, #tpu.memory_space<hbm>> -> memref<512x512xf32, #tpu.memory_space<hbm>>
    tpu.wait_dma2 semaphore(%dma_wait3A_1017 : memref<!tpu.dma_semaphore, #tpu.memory_space<semaphore_mem>>) src(%arg8 : memref<512x512xf32, #tpu.memory_space<vmem_shared>>) dst(%dma_wait3A_1021 : memref<512x512xf32, #tpu.memory_space<hbm>>)
    %dma_start3A_1022 = arith.constant 2 : i32
    %dma_start3A_1023 = arith.constant 5 : i32
    %dma_start3A_1024 = tpu.memref_slice %arg10[%dma_start3A_1023] : memref<7x!tpu.dma_semaphore, #tpu.memory_space<semaphore_mem>> -> memref<1x!tpu.dma_semaphore, #tpu.memory_space<semaphore_mem>>
    %dma_start3A_1025 = tpu.memref_squeeze %dma_start3A_1024 : memref<1x!tpu.dma_semaphore, #tpu.memory_space<semaphore_mem>> -> memref<!tpu.dma_semaphore, #tpu.memory_space<semaphore_mem>>
    %dma_start3A_1026 = arith.constant 0 : i32
    %dma_start3A_1027 = arith.constant 0 : i32
    %dma_start3A_1028 = tpu.memref_slice %arg1[%add3A_67, %dma_start3A_1022, %dma_start3A_1026, %dma_start3A_1027] : memref<32x3x512x512xf32, #tpu.memory_space<hbm>> -> memref<1x1x512x512xf32, #tpu.memory_space<hbm>>
    %dma_start3A_1029 = tpu.memref_squeeze %dma_start3A_1028 : memref<1x1x512x512xf32, #tpu.memory_space<hbm>> -> memref<512x512xf32, #tpu.memory_space<hbm>>
    tpu.enqueue_dma source(%dma_start3A_1029 : memref<512x512xf32, #tpu.memory_space<hbm>>) target(%arg8 : memref<512x512xf32, #tpu.memory_space<vmem_shared>>) target_semaphore(%dma_start3A_1025 : memref<!tpu.dma_semaphore, #tpu.memory_space<semaphore_mem>>)
    %dma_wait3A_1030 = arith.constant 1 : i32
    %dma_wait3A_1031 = arith.constant 0 : i32
    %dma_wait3A_1032 = tpu.memref_slice %arg10[%dma_wait3A_1031] : memref<7x!tpu.dma_semaphore, #tpu.memory_space<semaphore_mem>> -> memref<1x!tpu.dma_semaphore, #tpu.memory_space<semaphore_mem>>
    %dma_wait3A_1033 = tpu.memref_squeeze %dma_wait3A_1032 : memref<1x!tpu.dma_semaphore, #tpu.memory_space<semaphore_mem>> -> memref<!tpu.dma_semaphore, #tpu.memory_space<semaphore_mem>>
    %dma_wait3A_1034 = arith.constant 0 : i32
    %dma_wait3A_1035 = arith.constant 0 : i32
    %dma_wait3A_1036 = tpu.memref_slice %arg1[%add3A_57, %dma_wait3A_1030, %dma_wait3A_1034, %dma_wait3A_1035] : memref<32x3x512x512xf32, #tpu.memory_space<hbm>> -> memref<1x1x512x512xf32, #tpu.memory_space<hbm>>
    %dma_wait3A_1037 = tpu.memref_squeeze %dma_wait3A_1036 : memref<1x1x512x512xf32, #tpu.memory_space<hbm>> -> memref<512x512xf32, #tpu.memory_space<hbm>>
    tpu.wait_dma2 semaphore(%dma_wait3A_1033 : memref<!tpu.dma_semaphore, #tpu.memory_space<semaphore_mem>>) src(%dma_wait3A_1037 : memref<512x512xf32, #tpu.memory_space<hbm>>) dst(%arg3 : memref<512x512xf32, #tpu.memory_space<vmem_shared>>)
    %dma_start3A_1038 = arith.constant 1 : i32
    %dma_start3A_1039 = arith.constant 0 : i32
    %dma_start3A_1040 = tpu.memref_slice %arg11[%dma_start3A_1039] : memref<7x!tpu.dma_semaphore, #tpu.memory_space<semaphore_mem>> -> memref<1x!tpu.dma_semaphore, #tpu.memory_space<semaphore_mem>>
    %dma_start3A_1041 = tpu.memref_squeeze %dma_start3A_1040 : memref<1x!tpu.dma_semaphore, #tpu.memory_space<semaphore_mem>> -> memref<!tpu.dma_semaphore, #tpu.memory_space<semaphore_mem>>
    %dma_start3A_1042 = arith.constant 0 : i32
    %dma_start3A_1043 = arith.constant 0 : i32
    %dma_start3A_1044 = tpu.memref_slice %arg2[%add3A_57, %dma_start3A_1038, %dma_start3A_1042, %dma_start3A_1043] : memref<32x3x512x512xf32, #tpu.memory_space<hbm>> -> memref<1x1x512x512xf32, #tpu.memory_space<hbm>>
    %dma_start3A_1045 = tpu.memref_squeeze %dma_start3A_1044 : memref<1x1x512x512xf32, #tpu.memory_space<hbm>> -> memref<512x512xf32, #tpu.memory_space<hbm>>
    tpu.enqueue_dma source(%arg3 : memref<512x512xf32, #tpu.memory_space<vmem_shared>>) target(%dma_start3A_1045 : memref<512x512xf32, #tpu.memory_space<hbm>>) target_semaphore(%dma_start3A_1041 : memref<!tpu.dma_semaphore, #tpu.memory_space<semaphore_mem>>)
    %dma_wait3A_1046 = arith.constant 0 : i32
    %dma_wait3A_1047 = arith.constant 6 : i32
    %dma_wait3A_1048 = tpu.memref_slice %arg11[%dma_wait3A_1047] : memref<7x!tpu.dma_semaphore, #tpu.memory_space<semaphore_mem>> -> memref<1x!tpu.dma_semaphore, #tpu.memory_space<semaphore_mem>>
    %dma_wait3A_1049 = tpu.memref_squeeze %dma_wait3A_1048 : memref<1x!tpu.dma_semaphore, #tpu.memory_space<semaphore_mem>> -> memref<!tpu.dma_semaphore, #tpu.memory_space<semaphore_mem>>
    %dma_wait3A_1050 = arith.constant 0 : i32
    %dma_wait3A_1051 = arith.constant 0 : i32
    %dma_wait3A_1052 = tpu.memref_slice %arg2[%add3A_55, %dma_wait3A_1046, %dma_wait3A_1050, %dma_wait3A_1051] : memref<32x3x512x512xf32, #tpu.memory_space<hbm>> -> memref<1x1x512x512xf32, #tpu.memory_space<hbm>>
    %dma_wait3A_1053 = tpu.memref_squeeze %dma_wait3A_1052 : memref<1x1x512x512xf32, #tpu.memory_space<hbm>> -> memref<512x512xf32, #tpu.memory_space<hbm>>
    tpu.wait_dma2 semaphore(%dma_wait3A_1049 : memref<!tpu.dma_semaphore, #tpu.memory_space<semaphore_mem>>) src(%arg9 : memref<512x512xf32, #tpu.memory_space<vmem_shared>>) dst(%dma_wait3A_1053 : memref<512x512xf32, #tpu.memory_space<hbm>>)
    %dma_start3A_1054 = arith.constant 1 : i32
    %dma_start3A_1055 = arith.constant 6 : i32
    %dma_start3A_1056 = tpu.memref_slice %arg10[%dma_start3A_1055] : memref<7x!tpu.dma_semaphore, #tpu.memory_space<semaphore_mem>> -> memref<1x!tpu.dma_semaphore, #tpu.memory_space<semaphore_mem>>
    %dma_start3A_1057 = tpu.memref_squeeze %dma_start3A_1056 : memref<1x!tpu.dma_semaphore, #tpu.memory_space<semaphore_mem>> -> memref<!tpu.dma_semaphore, #tpu.memory_space<semaphore_mem>>
    %dma_start3A_1058 = arith.constant 0 : i32
    %dma_start3A_1059 = arith.constant 0 : i32
    %dma_start3A_1060 = tpu.memref_slice %arg1[%add3A_69, %dma_start3A_1054, %dma_start3A_1058, %dma_start3A_1059] : memref<32x3x512x512xf32, #tpu.memory_space<hbm>> -> memref<1x1x512x512xf32, #tpu.memory_space<hbm>>
    %dma_start3A_1061 = tpu.memref_squeeze %dma_start3A_1060 : memref<1x1x512x512xf32, #tpu.memory_space<hbm>> -> memref<512x512xf32, #tpu.memory_space<hbm>>
    tpu.enqueue_dma source(%dma_start3A_1061 : memref<512x512xf32, #tpu.memory_space<hbm>>) target(%arg9 : memref<512x512xf32, #tpu.memory_space<vmem_shared>>) target_semaphore(%dma_start3A_1057 : memref<!tpu.dma_semaphore, #tpu.memory_space<semaphore_mem>>)
    %dma_wait3A_1062 = arith.constant 0 : i32
    %dma_wait3A_1063 = arith.constant 1 : i32
    %dma_wait3A_1064 = tpu.memref_slice %arg10[%dma_wait3A_1063] : memref<7x!tpu.dma_semaphore, #tpu.memory_space<semaphore_mem>> -> memref<1x!tpu.dma_semaphore, #tpu.memory_space<semaphore_mem>>
    %dma_wait3A_1065 = tpu.memref_squeeze %dma_wait3A_1064 : memref<1x!tpu.dma_semaphore, #tpu.memory_space<semaphore_mem>> -> memref<!tpu.dma_semaphore, #tpu.memory_space<semaphore_mem>>
    %dma_wait3A_1066 = arith.constant 0 : i32
    %dma_wait3A_1067 = arith.constant 0 : i32
    %dma_wait3A_1068 = tpu.memref_slice %arg1[%add3A_59, %dma_wait3A_1062, %dma_wait3A_1066, %dma_wait3A_1067] : memref<32x3x512x512xf32, #tpu.memory_space<hbm>> -> memref<1x1x512x512xf32, #tpu.memory_space<hbm>>
    %dma_wait3A_1069 = tpu.memref_squeeze %dma_wait3A_1068 : memref<1x1x512x512xf32, #tpu.memory_space<hbm>> -> memref<512x512xf32, #tpu.memory_space<hbm>>
    tpu.wait_dma2 semaphore(%dma_wait3A_1065 : memref<!tpu.dma_semaphore, #tpu.memory_space<semaphore_mem>>) src(%dma_wait3A_1069 : memref<512x512xf32, #tpu.memory_space<hbm>>) dst(%arg4 : memref<512x512xf32, #tpu.memory_space<vmem_shared>>)
    %dma_start3A_1070 = arith.constant 2 : i32
    %dma_start3A_1071 = arith.constant 1 : i32
    %dma_start3A_1072 = tpu.memref_slice %arg11[%dma_start3A_1071] : memref<7x!tpu.dma_semaphore, #tpu.memory_space<semaphore_mem>> -> memref<1x!tpu.dma_semaphore, #tpu.memory_space<semaphore_mem>>
    %dma_start3A_1073 = tpu.memref_squeeze %dma_start3A_1072 : memref<1x!tpu.dma_semaphore, #tpu.memory_space<semaphore_mem>> -> memref<!tpu.dma_semaphore, #tpu.memory_space<semaphore_mem>>
    %dma_start3A_1074 = arith.constant 0 : i32
    %dma_start3A_1075 = arith.constant 0 : i32
    %dma_start3A_1076 = tpu.memref_slice %arg2[%add3A_59, %dma_start3A_1070, %dma_start3A_1074, %dma_start3A_1075] : memref<32x3x512x512xf32, #tpu.memory_space<hbm>> -> memref<1x1x512x512xf32, #tpu.memory_space<hbm>>
    %dma_start3A_1077 = tpu.memref_squeeze %dma_start3A_1076 : memref<1x1x512x512xf32, #tpu.memory_space<hbm>> -> memref<512x512xf32, #tpu.memory_space<hbm>>
    tpu.enqueue_dma source(%arg4 : memref<512x512xf32, #tpu.memory_space<vmem_shared>>) target(%dma_start3A_1077 : memref<512x512xf32, #tpu.memory_space<hbm>>) target_semaphore(%dma_start3A_1073 : memref<!tpu.dma_semaphore, #tpu.memory_space<semaphore_mem>>)
    %dma_wait3A_1078 = arith.constant 1 : i32
    %dma_wait3A_1079 = arith.constant 0 : i32
    %dma_wait3A_1080 = tpu.memref_slice %arg11[%dma_wait3A_1079] : memref<7x!tpu.dma_semaphore, #tpu.memory_space<semaphore_mem>> -> memref<1x!tpu.dma_semaphore, #tpu.memory_space<semaphore_mem>>
    %dma_wait3A_1081 = tpu.memref_squeeze %dma_wait3A_1080 : memref<1x!tpu.dma_semaphore, #tpu.memory_space<semaphore_mem>> -> memref<!tpu.dma_semaphore, #tpu.memory_space<semaphore_mem>>
    %dma_wait3A_1082 = arith.constant 0 : i32
    %dma_wait3A_1083 = arith.constant 0 : i32
    %dma_wait3A_1084 = tpu.memref_slice %arg2[%add3A_57, %dma_wait3A_1078, %dma_wait3A_1082, %dma_wait3A_1083] : memref<32x3x512x512xf32, #tpu.memory_space<hbm>> -> memref<1x1x512x512xf32, #tpu.memory_space<hbm>>
    %dma_wait3A_1085 = tpu.memref_squeeze %dma_wait3A_1084 : memref<1x1x512x512xf32, #tpu.memory_space<hbm>> -> memref<512x512xf32, #tpu.memory_space<hbm>>
    tpu.wait_dma2 semaphore(%dma_wait3A_1081 : memref<!tpu.dma_semaphore, #tpu.memory_space<semaphore_mem>>) src(%arg3 : memref<512x512xf32, #tpu.memory_space<vmem_shared>>) dst(%dma_wait3A_1085 : memref<512x512xf32, #tpu.memory_space<hbm>>)
    %dma_start3A_1086 = arith.constant 0 : i32
    %dma_start3A_1087 = arith.constant 0 : i32
    %dma_start3A_1088 = tpu.memref_slice %arg10[%dma_start3A_1087] : memref<7x!tpu.dma_semaphore, #tpu.memory_space<semaphore_mem>> -> memref<1x!tpu.dma_semaphore, #tpu.memory_space<semaphore_mem>>
    %dma_start3A_1089 = tpu.memref_squeeze %dma_start3A_1088 : memref<1x!tpu.dma_semaphore, #tpu.memory_space<semaphore_mem>> -> memref<!tpu.dma_semaphore, #tpu.memory_space<semaphore_mem>>
    %dma_start3A_1090 = arith.constant 0 : i32
    %dma_start3A_1091 = arith.constant 0 : i32
    %dma_start3A_1092 = tpu.memref_slice %arg1[%add3A_71, %dma_start3A_1086, %dma_start3A_1090, %dma_start3A_1091] : memref<32x3x512x512xf32, #tpu.memory_space<hbm>> -> memref<1x1x512x512xf32, #tpu.memory_space<hbm>>
    %dma_start3A_1093 = tpu.memref_squeeze %dma_start3A_1092 : memref<1x1x512x512xf32, #tpu.memory_space<hbm>> -> memref<512x512xf32, #tpu.memory_space<hbm>>
    tpu.enqueue_dma source(%dma_start3A_1093 : memref<512x512xf32, #tpu.memory_space<hbm>>) target(%arg3 : memref<512x512xf32, #tpu.memory_space<vmem_shared>>) target_semaphore(%dma_start3A_1089 : memref<!tpu.dma_semaphore, #tpu.memory_space<semaphore_mem>>)
    %dma_wait3A_1094 = arith.constant 2 : i32
    %dma_wait3A_1095 = arith.constant 2 : i32
    %dma_wait3A_1096 = tpu.memref_slice %arg10[%dma_wait3A_1095] : memref<7x!tpu.dma_semaphore, #tpu.memory_space<semaphore_mem>> -> memref<1x!tpu.dma_semaphore, #tpu.memory_space<semaphore_mem>>
    %dma_wait3A_1097 = tpu.memref_squeeze %dma_wait3A_1096 : memref<1x!tpu.dma_semaphore, #tpu.memory_space<semaphore_mem>> -> memref<!tpu.dma_semaphore, #tpu.memory_space<semaphore_mem>>
    %dma_wait3A_1098 = arith.constant 0 : i32
    %dma_wait3A_1099 = arith.constant 0 : i32
    %dma_wait3A_1100 = tpu.memref_slice %arg1[%add3A_61, %dma_wait3A_1094, %dma_wait3A_1098, %dma_wait3A_1099] : memref<32x3x512x512xf32, #tpu.memory_space<hbm>> -> memref<1x1x512x512xf32, #tpu.memory_space<hbm>>
    %dma_wait3A_1101 = tpu.memref_squeeze %dma_wait3A_1100 : memref<1x1x512x512xf32, #tpu.memory_space<hbm>> -> memref<512x512xf32, #tpu.memory_space<hbm>>
    tpu.wait_dma2 semaphore(%dma_wait3A_1097 : memref<!tpu.dma_semaphore, #tpu.memory_space<semaphore_mem>>) src(%dma_wait3A_1101 : memref<512x512xf32, #tpu.memory_space<hbm>>) dst(%arg5 : memref<512x512xf32, #tpu.memory_space<vmem_shared>>)
    %dma_start3A_1102 = arith.constant 0 : i32
    %dma_start3A_1103 = arith.constant 2 : i32
    %dma_start3A_1104 = tpu.memref_slice %arg11[%dma_start3A_1103] : memref<7x!tpu.dma_semaphore, #tpu.memory_space<semaphore_mem>> -> memref<1x!tpu.dma_semaphore, #tpu.memory_space<semaphore_mem>>
    %dma_start3A_1105 = tpu.memref_squeeze %dma_start3A_1104 : memref<1x!tpu.dma_semaphore, #tpu.memory_space<semaphore_mem>> -> memref<!tpu.dma_semaphore, #tpu.memory_space<semaphore_mem>>
    %dma_start3A_1106 = arith.constant 0 : i32
    %dma_start3A_1107 = arith.constant 0 : i32
    %dma_start3A_1108 = tpu.memref_slice %arg2[%add3A_61, %dma_start3A_1102, %dma_start3A_1106, %dma_start3A_1107] : memref<32x3x512x512xf32, #tpu.memory_space<hbm>> -> memref<1x1x512x512xf32, #tpu.memory_space<hbm>>
    %dma_start3A_1109 = tpu.memref_squeeze %dma_start3A_1108 : memref<1x1x512x512xf32, #tpu.memory_space<hbm>> -> memref<512x512xf32, #tpu.memory_space<hbm>>
    tpu.enqueue_dma source(%arg5 : memref<512x512xf32, #tpu.memory_space<vmem_shared>>) target(%dma_start3A_1109 : memref<512x512xf32, #tpu.memory_space<hbm>>) target_semaphore(%dma_start3A_1105 : memref<!tpu.dma_semaphore, #tpu.memory_space<semaphore_mem>>)
    %dma_wait3A_1110 = arith.constant 2 : i32
    %dma_wait3A_1111 = arith.constant 1 : i32
    %dma_wait3A_1112 = tpu.memref_slice %arg11[%dma_wait3A_1111] : memref<7x!tpu.dma_semaphore, #tpu.memory_space<semaphore_mem>> -> memref<1x!tpu.dma_semaphore, #tpu.memory_space<semaphore_mem>>
    %dma_wait3A_1113 = tpu.memref_squeeze %dma_wait3A_1112 : memref<1x!tpu.dma_semaphore, #tpu.memory_space<semaphore_mem>> -> memref<!tpu.dma_semaphore, #tpu.memory_space<semaphore_mem>>
    %dma_wait3A_1114 = arith.constant 0 : i32
    %dma_wait3A_1115 = arith.constant 0 : i32
    %dma_wait3A_1116 = tpu.memref_slice %arg2[%add3A_59, %dma_wait3A_1110, %dma_wait3A_1114, %dma_wait3A_1115] : memref<32x3x512x512xf32, #tpu.memory_space<hbm>> -> memref<1x1x512x512xf32, #tpu.memory_space<hbm>>
    %dma_wait3A_1117 = tpu.memref_squeeze %dma_wait3A_1116 : memref<1x1x512x512xf32, #tpu.memory_space<hbm>> -> memref<512x512xf32, #tpu.memory_space<hbm>>
    tpu.wait_dma2 semaphore(%dma_wait3A_1113 : memref<!tpu.dma_semaphore, #tpu.memory_space<semaphore_mem>>) src(%arg4 : memref<512x512xf32, #tpu.memory_space<vmem_shared>>) dst(%dma_wait3A_1117 : memref<512x512xf32, #tpu.memory_space<hbm>>)
    %dma_start3A_1118 = arith.constant 2 : i32
    %dma_start3A_1119 = arith.constant 1 : i32
    %dma_start3A_1120 = tpu.memref_slice %arg10[%dma_start3A_1119] : memref<7x!tpu.dma_semaphore, #tpu.memory_space<semaphore_mem>> -> memref<1x!tpu.dma_semaphore, #tpu.memory_space<semaphore_mem>>
    %dma_start3A_1121 = tpu.memref_squeeze %dma_start3A_1120 : memref<1x!tpu.dma_semaphore, #tpu.memory_space<semaphore_mem>> -> memref<!tpu.dma_semaphore, #tpu.memory_space<semaphore_mem>>
    %dma_start3A_1122 = arith.constant 0 : i32
    %dma_start3A_1123 = arith.constant 0 : i32
    %dma_start3A_1124 = tpu.memref_slice %arg1[%add3A_73, %dma_start3A_1118, %dma_start3A_1122, %dma_start3A_1123] : memref<32x3x512x512xf32, #tpu.memory_space<hbm>> -> memref<1x1x512x512xf32, #tpu.memory_space<hbm>>
    %dma_start3A_1125 = tpu.memref_squeeze %dma_start3A_1124 : memref<1x1x512x512xf32, #tpu.memory_space<hbm>> -> memref<512x512xf32, #tpu.memory_space<hbm>>
    tpu.enqueue_dma source(%dma_start3A_1125 : memref<512x512xf32, #tpu.memory_space<hbm>>) target(%arg4 : memref<512x512xf32, #tpu.memory_space<vmem_shared>>) target_semaphore(%dma_start3A_1121 : memref<!tpu.dma_semaphore, #tpu.memory_space<semaphore_mem>>)
    %dma_wait3A_1126 = arith.constant 1 : i32
    %dma_wait3A_1127 = arith.constant 3 : i32
    %dma_wait3A_1128 = tpu.memref_slice %arg10[%dma_wait3A_1127] : memref<7x!tpu.dma_semaphore, #tpu.memory_space<semaphore_mem>> -> memref<1x!tpu.dma_semaphore, #tpu.memory_space<semaphore_mem>>
    %dma_wait3A_1129 = tpu.memref_squeeze %dma_wait3A_1128 : memref<1x!tpu.dma_semaphore, #tpu.memory_space<semaphore_mem>> -> memref<!tpu.dma_semaphore, #tpu.memory_space<semaphore_mem>>
    %dma_wait3A_1130 = arith.constant 0 : i32
    %dma_wait3A_1131 = arith.constant 0 : i32
    %dma_wait3A_1132 = tpu.memref_slice %arg1[%add3A_63, %dma_wait3A_1126, %dma_wait3A_1130, %dma_wait3A_1131] : memref<32x3x512x512xf32, #tpu.memory_space<hbm>> -> memref<1x1x512x512xf32, #tpu.memory_space<hbm>>
    %dma_wait3A_1133 = tpu.memref_squeeze %dma_wait3A_1132 : memref<1x1x512x512xf32, #tpu.memory_space<hbm>> -> memref<512x512xf32, #tpu.memory_space<hbm>>
    tpu.wait_dma2 semaphore(%dma_wait3A_1129 : memref<!tpu.dma_semaphore, #tpu.memory_space<semaphore_mem>>) src(%dma_wait3A_1133 : memref<512x512xf32, #tpu.memory_space<hbm>>) dst(%arg6 : memref<512x512xf32, #tpu.memory_space<vmem_shared>>)
    %dma_start3A_1134 = arith.constant 1 : i32
    %dma_start3A_1135 = arith.constant 3 : i32
    %dma_start3A_1136 = tpu.memref_slice %arg11[%dma_start3A_1135] : memref<7x!tpu.dma_semaphore, #tpu.memory_space<semaphore_mem>> -> memref<1x!tpu.dma_semaphore, #tpu.memory_space<semaphore_mem>>
    %dma_start3A_1137 = tpu.memref_squeeze %dma_start3A_1136 : memref<1x!tpu.dma_semaphore, #tpu.memory_space<semaphore_mem>> -> memref<!tpu.dma_semaphore, #tpu.memory_space<semaphore_mem>>
    %dma_start3A_1138 = arith.constant 0 : i32
    %dma_start3A_1139 = arith.constant 0 : i32
    %dma_start3A_1140 = tpu.memref_slice %arg2[%add3A_63, %dma_start3A_1134, %dma_start3A_1138, %dma_start3A_1139] : memref<32x3x512x512xf32, #tpu.memory_space<hbm>> -> memref<1x1x512x512xf32, #tpu.memory_space<hbm>>
    %dma_start3A_1141 = tpu.memref_squeeze %dma_start3A_1140 : memref<1x1x512x512xf32, #tpu.memory_space<hbm>> -> memref<512x512xf32, #tpu.memory_space<hbm>>
    tpu.enqueue_dma source(%arg6 : memref<512x512xf32, #tpu.memory_space<vmem_shared>>) target(%dma_start3A_1141 : memref<512x512xf32, #tpu.memory_space<hbm>>) target_semaphore(%dma_start3A_1137 : memref<!tpu.dma_semaphore, #tpu.memory_space<semaphore_mem>>)
    %dma_wait3A_1142 = arith.constant 0 : i32
    %dma_wait3A_1143 = arith.constant 2 : i32
    %dma_wait3A_1144 = tpu.memref_slice %arg11[%dma_wait3A_1143] : memref<7x!tpu.dma_semaphore, #tpu.memory_space<semaphore_mem>> -> memref<1x!tpu.dma_semaphore, #tpu.memory_space<semaphore_mem>>
    %dma_wait3A_1145 = tpu.memref_squeeze %dma_wait3A_1144 : memref<1x!tpu.dma_semaphore, #tpu.memory_space<semaphore_mem>> -> memref<!tpu.dma_semaphore, #tpu.memory_space<semaphore_mem>>
    %dma_wait3A_1146 = arith.constant 0 : i32
    %dma_wait3A_1147 = arith.constant 0 : i32
    %dma_wait3A_1148 = tpu.memref_slice %arg2[%add3A_61, %dma_wait3A_1142, %dma_wait3A_1146, %dma_wait3A_1147] : memref<32x3x512x512xf32, #tpu.memory_space<hbm>> -> memref<1x1x512x512xf32, #tpu.memory_space<hbm>>
    %dma_wait3A_1149 = tpu.memref_squeeze %dma_wait3A_1148 : memref<1x1x512x512xf32, #tpu.memory_space<hbm>> -> memref<512x512xf32, #tpu.memory_space<hbm>>
    tpu.wait_dma2 semaphore(%dma_wait3A_1145 : memref<!tpu.dma_semaphore, #tpu.memory_space<semaphore_mem>>) src(%arg5 : memref<512x512xf32, #tpu.memory_space<vmem_shared>>) dst(%dma_wait3A_1149 : memref<512x512xf32, #tpu.memory_space<hbm>>)
    %dma_start3A_1150 = arith.constant 1 : i32
    %dma_start3A_1151 = arith.constant 2 : i32
    %dma_start3A_1152 = tpu.memref_slice %arg10[%dma_start3A_1151] : memref<7x!tpu.dma_semaphore, #tpu.memory_space<semaphore_mem>> -> memref<1x!tpu.dma_semaphore, #tpu.memory_space<semaphore_mem>>
    %dma_start3A_1153 = tpu.memref_squeeze %dma_start3A_1152 : memref<1x!tpu.dma_semaphore, #tpu.memory_space<semaphore_mem>> -> memref<!tpu.dma_semaphore, #tpu.memory_space<semaphore_mem>>
    %dma_start3A_1154 = arith.constant 0 : i32
    %dma_start3A_1155 = arith.constant 0 : i32
    %dma_start3A_1156 = tpu.memref_slice %arg1[%add3A_75, %dma_start3A_1150, %dma_start3A_1154, %dma_start3A_1155] : memref<32x3x512x512xf32, #tpu.memory_space<hbm>> -> memref<1x1x512x512xf32, #tpu.memory_space<hbm>>
    %dma_start3A_1157 = tpu.memref_squeeze %dma_start3A_1156 : memref<1x1x512x512xf32, #tpu.memory_space<hbm>> -> memref<512x512xf32, #tpu.memory_space<hbm>>
    tpu.enqueue_dma source(%dma_start3A_1157 : memref<512x512xf32, #tpu.memory_space<hbm>>) target(%arg5 : memref<512x512xf32, #tpu.memory_space<vmem_shared>>) target_semaphore(%dma_start3A_1153 : memref<!tpu.dma_semaphore, #tpu.memory_space<semaphore_mem>>)
    %dma_wait3A_1158 = arith.constant 0 : i32
    %dma_wait3A_1159 = arith.constant 4 : i32
    %dma_wait3A_1160 = tpu.memref_slice %arg10[%dma_wait3A_1159] : memref<7x!tpu.dma_semaphore, #tpu.memory_space<semaphore_mem>> -> memref<1x!tpu.dma_semaphore, #tpu.memory_space<semaphore_mem>>
    %dma_wait3A_1161 = tpu.memref_squeeze %dma_wait3A_1160 : memref<1x!tpu.dma_semaphore, #tpu.memory_space<semaphore_mem>> -> memref<!tpu.dma_semaphore, #tpu.memory_space<semaphore_mem>>
    %dma_wait3A_1162 = arith.constant 0 : i32
    %dma_wait3A_1163 = arith.constant 0 : i32
    %dma_wait3A_1164 = tpu.memref_slice %arg1[%add3A_65, %dma_wait3A_1158, %dma_wait3A_1162, %dma_wait3A_1163] : memref<32x3x512x512xf32, #tpu.memory_space<hbm>> -> memref<1x1x512x512xf32, #tpu.memory_space<hbm>>
    %dma_wait3A_1165 = tpu.memref_squeeze %dma_wait3A_1164 : memref<1x1x512x512xf32, #tpu.memory_space<hbm>> -> memref<512x512xf32, #tpu.memory_space<hbm>>
    tpu.wait_dma2 semaphore(%dma_wait3A_1161 : memref<!tpu.dma_semaphore, #tpu.memory_space<semaphore_mem>>) src(%dma_wait3A_1165 : memref<512x512xf32, #tpu.memory_space<hbm>>) dst(%arg7 : memref<512x512xf32, #tpu.memory_space<vmem_shared>>)
    %dma_start3A_1166 = arith.constant 2 : i32
    %dma_start3A_1167 = arith.constant 4 : i32
    %dma_start3A_1168 = tpu.memref_slice %arg11[%dma_start3A_1167] : memref<7x!tpu.dma_semaphore, #tpu.memory_space<semaphore_mem>> -> memref<1x!tpu.dma_semaphore, #tpu.memory_space<semaphore_mem>>
    %dma_start3A_1169 = tpu.memref_squeeze %dma_start3A_1168 : memref<1x!tpu.dma_semaphore, #tpu.memory_space<semaphore_mem>> -> memref<!tpu.dma_semaphore, #tpu.memory_space<semaphore_mem>>
    %dma_start3A_1170 = arith.constant 0 : i32
    %dma_start3A_1171 = arith.constant 0 : i32
    %dma_start3A_1172 = tpu.memref_slice %arg2[%add3A_65, %dma_start3A_1166, %dma_start3A_1170, %dma_start3A_1171] : memref<32x3x512x512xf32, #tpu.memory_space<hbm>> -> memref<1x1x512x512xf32, #tpu.memory_space<hbm>>
    %dma_start3A_1173 = tpu.memref_squeeze %dma_start3A_1172 : memref<1x1x512x512xf32, #tpu.memory_space<hbm>> -> memref<512x512xf32, #tpu.memory_space<hbm>>
    tpu.enqueue_dma source(%arg7 : memref<512x512xf32, #tpu.memory_space<vmem_shared>>) target(%dma_start3A_1173 : memref<512x512xf32, #tpu.memory_space<hbm>>) target_semaphore(%dma_start3A_1169 : memref<!tpu.dma_semaphore, #tpu.memory_space<semaphore_mem>>)
    %dma_wait3A_1174 = arith.constant 1 : i32
    %dma_wait3A_1175 = arith.constant 3 : i32
    %dma_wait3A_1176 = tpu.memref_slice %arg11[%dma_wait3A_1175] : memref<7x!tpu.dma_semaphore, #tpu.memory_space<semaphore_mem>> -> memref<1x!tpu.dma_semaphore, #tpu.memory_space<semaphore_mem>>
    %dma_wait3A_1177 = tpu.memref_squeeze %dma_wait3A_1176 : memref<1x!tpu.dma_semaphore, #tpu.memory_space<semaphore_mem>> -> memref<!tpu.dma_semaphore, #tpu.memory_space<semaphore_mem>>
    %dma_wait3A_1178 = arith.constant 0 : i32
    %dma_wait3A_1179 = arith.constant 0 : i32
    %dma_wait3A_1180 = tpu.memref_slice %arg2[%add3A_63, %dma_wait3A_1174, %dma_wait3A_1178, %dma_wait3A_1179] : memref<32x3x512x512xf32, #tpu.memory_space<hbm>> -> memref<1x1x512x512xf32, #tpu.memory_space<hbm>>
    %dma_wait3A_1181 = tpu.memref_squeeze %dma_wait3A_1180 : memref<1x1x512x512xf32, #tpu.memory_space<hbm>> -> memref<512x512xf32, #tpu.memory_space<hbm>>
    tpu.wait_dma2 semaphore(%dma_wait3A_1177 : memref<!tpu.dma_semaphore, #tpu.memory_space<semaphore_mem>>) src(%arg6 : memref<512x512xf32, #tpu.memory_space<vmem_shared>>) dst(%dma_wait3A_1181 : memref<512x512xf32, #tpu.memory_space<hbm>>)
    %dma_start3A_1182 = arith.constant 0 : i32
    %dma_start3A_1183 = arith.constant 3 : i32
    %dma_start3A_1184 = tpu.memref_slice %arg10[%dma_start3A_1183] : memref<7x!tpu.dma_semaphore, #tpu.memory_space<semaphore_mem>> -> memref<1x!tpu.dma_semaphore, #tpu.memory_space<semaphore_mem>>
    %dma_start3A_1185 = tpu.memref_squeeze %dma_start3A_1184 : memref<1x!tpu.dma_semaphore, #tpu.memory_space<semaphore_mem>> -> memref<!tpu.dma_semaphore, #tpu.memory_space<semaphore_mem>>
    %dma_start3A_1186 = arith.constant 0 : i32
    %dma_start3A_1187 = arith.constant 0 : i32
    %dma_start3A_1188 = tpu.memref_slice %arg1[%add3A_77, %dma_start3A_1182, %dma_start3A_1186, %dma_start3A_1187] : memref<32x3x512x512xf32, #tpu.memory_space<hbm>> -> memref<1x1x512x512xf32, #tpu.memory_space<hbm>>
    %dma_start3A_1189 = tpu.memref_squeeze %dma_start3A_1188 : memref<1x1x512x512xf32, #tpu.memory_space<hbm>> -> memref<512x512xf32, #tpu.memory_space<hbm>>
    tpu.enqueue_dma source(%dma_start3A_1189 : memref<512x512xf32, #tpu.memory_space<hbm>>) target(%arg6 : memref<512x512xf32, #tpu.memory_space<vmem_shared>>) target_semaphore(%dma_start3A_1185 : memref<!tpu.dma_semaphore, #tpu.memory_space<semaphore_mem>>)
    %dma_wait3A_1190 = arith.constant 2 : i32
    %dma_wait3A_1191 = arith.constant 5 : i32
    %dma_wait3A_1192 = tpu.memref_slice %arg10[%dma_wait3A_1191] : memref<7x!tpu.dma_semaphore, #tpu.memory_space<semaphore_mem>> -> memref<1x!tpu.dma_semaphore, #tpu.memory_space<semaphore_mem>>
    %dma_wait3A_1193 = tpu.memref_squeeze %dma_wait3A_1192 : memref<1x!tpu.dma_semaphore, #tpu.memory_space<semaphore_mem>> -> memref<!tpu.dma_semaphore, #tpu.memory_space<semaphore_mem>>
    %dma_wait3A_1194 = arith.constant 0 : i32
    %dma_wait3A_1195 = arith.constant 0 : i32
    %dma_wait3A_1196 = tpu.memref_slice %arg1[%add3A_67, %dma_wait3A_1190, %dma_wait3A_1194, %dma_wait3A_1195] : memref<32x3x512x512xf32, #tpu.memory_space<hbm>> -> memref<1x1x512x512xf32, #tpu.memory_space<hbm>>
    %dma_wait3A_1197 = tpu.memref_squeeze %dma_wait3A_1196 : memref<1x1x512x512xf32, #tpu.memory_space<hbm>> -> memref<512x512xf32, #tpu.memory_space<hbm>>
    tpu.wait_dma2 semaphore(%dma_wait3A_1193 : memref<!tpu.dma_semaphore, #tpu.memory_space<semaphore_mem>>) src(%dma_wait3A_1197 : memref<512x512xf32, #tpu.memory_space<hbm>>) dst(%arg8 : memref<512x512xf32, #tpu.memory_space<vmem_shared>>)
    %dma_start3A_1198 = arith.constant 0 : i32
    %dma_start3A_1199 = arith.constant 5 : i32
    %dma_start3A_1200 = tpu.memref_slice %arg11[%dma_start3A_1199] : memref<7x!tpu.dma_semaphore, #tpu.memory_space<semaphore_mem>> -> memref<1x!tpu.dma_semaphore, #tpu.memory_space<semaphore_mem>>
    %dma_start3A_1201 = tpu.memref_squeeze %dma_start3A_1200 : memref<1x!tpu.dma_semaphore, #tpu.memory_space<semaphore_mem>> -> memref<!tpu.dma_semaphore, #tpu.memory_space<semaphore_mem>>
    %dma_start3A_1202 = arith.constant 0 : i32
    %dma_start3A_1203 = arith.constant 0 : i32
    %dma_start3A_1204 = tpu.memref_slice %arg2[%add3A_67, %dma_start3A_1198, %dma_start3A_1202, %dma_start3A_1203] : memref<32x3x512x512xf32, #tpu.memory_space<hbm>> -> memref<1x1x512x512xf32, #tpu.memory_space<hbm>>
    %dma_start3A_1205 = tpu.memref_squeeze %dma_start3A_1204 : memref<1x1x512x512xf32, #tpu.memory_space<hbm>> -> memref<512x512xf32, #tpu.memory_space<hbm>>
    tpu.enqueue_dma source(%arg8 : memref<512x512xf32, #tpu.memory_space<vmem_shared>>) target(%dma_start3A_1205 : memref<512x512xf32, #tpu.memory_space<hbm>>) target_semaphore(%dma_start3A_1201 : memref<!tpu.dma_semaphore, #tpu.memory_space<semaphore_mem>>)
    %dma_wait3A_1206 = arith.constant 2 : i32
    %dma_wait3A_1207 = arith.constant 4 : i32
    %dma_wait3A_1208 = tpu.memref_slice %arg11[%dma_wait3A_1207] : memref<7x!tpu.dma_semaphore, #tpu.memory_space<semaphore_mem>> -> memref<1x!tpu.dma_semaphore, #tpu.memory_space<semaphore_mem>>
    %dma_wait3A_1209 = tpu.memref_squeeze %dma_wait3A_1208 : memref<1x!tpu.dma_semaphore, #tpu.memory_space<semaphore_mem>> -> memref<!tpu.dma_semaphore, #tpu.memory_space<semaphore_mem>>
    %dma_wait3A_1210 = arith.constant 0 : i32
    %dma_wait3A_1211 = arith.constant 0 : i32
    %dma_wait3A_1212 = tpu.memref_slice %arg2[%add3A_65, %dma_wait3A_1206, %dma_wait3A_1210, %dma_wait3A_1211] : memref<32x3x512x512xf32, #tpu.memory_space<hbm>> -> memref<1x1x512x512xf32, #tpu.memory_space<hbm>>
    %dma_wait3A_1213 = tpu.memref_squeeze %dma_wait3A_1212 : memref<1x1x512x512xf32, #tpu.memory_space<hbm>> -> memref<512x512xf32, #tpu.memory_space<hbm>>
    tpu.wait_dma2 semaphore(%dma_wait3A_1209 : memref<!tpu.dma_semaphore, #tpu.memory_space<semaphore_mem>>) src(%arg7 : memref<512x512xf32, #tpu.memory_space<vmem_shared>>) dst(%dma_wait3A_1213 : memref<512x512xf32, #tpu.memory_space<hbm>>)
    %dma_start3A_1214 = arith.constant 2 : i32
    %dma_start3A_1215 = arith.constant 4 : i32
    %dma_start3A_1216 = tpu.memref_slice %arg10[%dma_start3A_1215] : memref<7x!tpu.dma_semaphore, #tpu.memory_space<semaphore_mem>> -> memref<1x!tpu.dma_semaphore, #tpu.memory_space<semaphore_mem>>
    %dma_start3A_1217 = tpu.memref_squeeze %dma_start3A_1216 : memref<1x!tpu.dma_semaphore, #tpu.memory_space<semaphore_mem>> -> memref<!tpu.dma_semaphore, #tpu.memory_space<semaphore_mem>>
    %dma_start3A_1218 = arith.constant 0 : i32
    %dma_start3A_1219 = arith.constant 0 : i32
    %dma_start3A_1220 = tpu.memref_slice %arg1[%add3A_79, %dma_start3A_1214, %dma_start3A_1218, %dma_start3A_1219] : memref<32x3x512x512xf32, #tpu.memory_space<hbm>> -> memref<1x1x512x512xf32, #tpu.memory_space<hbm>>
    %dma_start3A_1221 = tpu.memref_squeeze %dma_start3A_1220 : memref<1x1x512x512xf32, #tpu.memory_space<hbm>> -> memref<512x512xf32, #tpu.memory_space<hbm>>
    tpu.enqueue_dma source(%dma_start3A_1221 : memref<512x512xf32, #tpu.memory_space<hbm>>) target(%arg7 : memref<512x512xf32, #tpu.memory_space<vmem_shared>>) target_semaphore(%dma_start3A_1217 : memref<!tpu.dma_semaphore, #tpu.memory_space<semaphore_mem>>)
    %dma_wait3A_1222 = arith.constant 1 : i32
    %dma_wait3A_1223 = arith.constant 6 : i32
    %dma_wait3A_1224 = tpu.memref_slice %arg10[%dma_wait3A_1223] : memref<7x!tpu.dma_semaphore, #tpu.memory_space<semaphore_mem>> -> memref<1x!tpu.dma_semaphore, #tpu.memory_space<semaphore_mem>>
    %dma_wait3A_1225 = tpu.memref_squeeze %dma_wait3A_1224 : memref<1x!tpu.dma_semaphore, #tpu.memory_space<semaphore_mem>> -> memref<!tpu.dma_semaphore, #tpu.memory_space<semaphore_mem>>
    %dma_wait3A_1226 = arith.constant 0 : i32
    %dma_wait3A_1227 = arith.constant 0 : i32
    %dma_wait3A_1228 = tpu.memref_slice %arg1[%add3A_69, %dma_wait3A_1222, %dma_wait3A_1226, %dma_wait3A_1227] : memref<32x3x512x512xf32, #tpu.memory_space<hbm>> -> memref<1x1x512x512xf32, #tpu.memory_space<hbm>>
    %dma_wait3A_1229 = tpu.memref_squeeze %dma_wait3A_1228 : memref<1x1x512x512xf32, #tpu.memory_space<hbm>> -> memref<512x512xf32, #tpu.memory_space<hbm>>
    tpu.wait_dma2 semaphore(%dma_wait3A_1225 : memref<!tpu.dma_semaphore, #tpu.memory_space<semaphore_mem>>) src(%dma_wait3A_1229 : memref<512x512xf32, #tpu.memory_space<hbm>>) dst(%arg9 : memref<512x512xf32, #tpu.memory_space<vmem_shared>>)
    %dma_start3A_1230 = arith.constant 1 : i32
    %dma_start3A_1231 = arith.constant 6 : i32
    %dma_start3A_1232 = tpu.memref_slice %arg11[%dma_start3A_1231] : memref<7x!tpu.dma_semaphore, #tpu.memory_space<semaphore_mem>> -> memref<1x!tpu.dma_semaphore, #tpu.memory_space<semaphore_mem>>
    %dma_start3A_1233 = tpu.memref_squeeze %dma_start3A_1232 : memref<1x!tpu.dma_semaphore, #tpu.memory_space<semaphore_mem>> -> memref<!tpu.dma_semaphore, #tpu.memory_space<semaphore_mem>>
    %dma_start3A_1234 = arith.constant 0 : i32
    %dma_start3A_1235 = arith.constant 0 : i32
    %dma_start3A_1236 = tpu.memref_slice %arg2[%add3A_69, %dma_start3A_1230, %dma_start3A_1234, %dma_start3A_1235] : memref<32x3x512x512xf32, #tpu.memory_space<hbm>> -> memref<1x1x512x512xf32, #tpu.memory_space<hbm>>
    %dma_start3A_1237 = tpu.memref_squeeze %dma_start3A_1236 : memref<1x1x512x512xf32, #tpu.memory_space<hbm>> -> memref<512x512xf32, #tpu.memory_space<hbm>>
    tpu.enqueue_dma source(%arg9 : memref<512x512xf32, #tpu.memory_space<vmem_shared>>) target(%dma_start3A_1237 : memref<512x512xf32, #tpu.memory_space<hbm>>) target_semaphore(%dma_start3A_1233 : memref<!tpu.dma_semaphore, #tpu.memory_space<semaphore_mem>>)
    %dma_wait3A_1238 = arith.constant 0 : i32
    %dma_wait3A_1239 = arith.constant 5 : i32
    %dma_wait3A_1240 = tpu.memref_slice %arg11[%dma_wait3A_1239] : memref<7x!tpu.dma_semaphore, #tpu.memory_space<semaphore_mem>> -> memref<1x!tpu.dma_semaphore, #tpu.memory_space<semaphore_mem>>
    %dma_wait3A_1241 = tpu.memref_squeeze %dma_wait3A_1240 : memref<1x!tpu.dma_semaphore, #tpu.memory_space<semaphore_mem>> -> memref<!tpu.dma_semaphore, #tpu.memory_space<semaphore_mem>>
    %dma_wait3A_1242 = arith.constant 0 : i32
    %dma_wait3A_1243 = arith.constant 0 : i32
    %dma_wait3A_1244 = tpu.memref_slice %arg2[%add3A_67, %dma_wait3A_1238, %dma_wait3A_1242, %dma_wait3A_1243] : memref<32x3x512x512xf32, #tpu.memory_space<hbm>> -> memref<1x1x512x512xf32, #tpu.memory_space<hbm>>
    %dma_wait3A_1245 = tpu.memref_squeeze %dma_wait3A_1244 : memref<1x1x512x512xf32, #tpu.memory_space<hbm>> -> memref<512x512xf32, #tpu.memory_space<hbm>>
    tpu.wait_dma2 semaphore(%dma_wait3A_1241 : memref<!tpu.dma_semaphore, #tpu.memory_space<semaphore_mem>>) src(%arg8 : memref<512x512xf32, #tpu.memory_space<vmem_shared>>) dst(%dma_wait3A_1245 : memref<512x512xf32, #tpu.memory_space<hbm>>)
    %dma_start3A_1246 = arith.constant 1 : i32
    %dma_start3A_1247 = arith.constant 5 : i32
    %dma_start3A_1248 = tpu.memref_slice %arg10[%dma_start3A_1247] : memref<7x!tpu.dma_semaphore, #tpu.memory_space<semaphore_mem>> -> memref<1x!tpu.dma_semaphore, #tpu.memory_space<semaphore_mem>>
    %dma_start3A_1249 = tpu.memref_squeeze %dma_start3A_1248 : memref<1x!tpu.dma_semaphore, #tpu.memory_space<semaphore_mem>> -> memref<!tpu.dma_semaphore, #tpu.memory_space<semaphore_mem>>
    %dma_start3A_1250 = arith.constant 0 : i32
    %dma_start3A_1251 = arith.constant 0 : i32
    %dma_start3A_1252 = tpu.memref_slice %arg1[%add3A_81, %dma_start3A_1246, %dma_start3A_1250, %dma_start3A_1251] : memref<32x3x512x512xf32, #tpu.memory_space<hbm>> -> memref<1x1x512x512xf32, #tpu.memory_space<hbm>>
    %dma_start3A_1253 = tpu.memref_squeeze %dma_start3A_1252 : memref<1x1x512x512xf32, #tpu.memory_space<hbm>> -> memref<512x512xf32, #tpu.memory_space<hbm>>
    tpu.enqueue_dma source(%dma_start3A_1253 : memref<512x512xf32, #tpu.memory_space<hbm>>) target(%arg8 : memref<512x512xf32, #tpu.memory_space<vmem_shared>>) target_semaphore(%dma_start3A_1249 : memref<!tpu.dma_semaphore, #tpu.memory_space<semaphore_mem>>)
    %dma_wait3A_1254 = arith.constant 0 : i32
    %dma_wait3A_1255 = arith.constant 0 : i32
    %dma_wait3A_1256 = tpu.memref_slice %arg10[%dma_wait3A_1255] : memref<7x!tpu.dma_semaphore, #tpu.memory_space<semaphore_mem>> -> memref<1x!tpu.dma_semaphore, #tpu.memory_space<semaphore_mem>>
    %dma_wait3A_1257 = tpu.memref_squeeze %dma_wait3A_1256 : memref<1x!tpu.dma_semaphore, #tpu.memory_space<semaphore_mem>> -> memref<!tpu.dma_semaphore, #tpu.memory_space<semaphore_mem>>
    %dma_wait3A_1258 = arith.constant 0 : i32
    %dma_wait3A_1259 = arith.constant 0 : i32
    %dma_wait3A_1260 = tpu.memref_slice %arg1[%add3A_71, %dma_wait3A_1254, %dma_wait3A_1258, %dma_wait3A_1259] : memref<32x3x512x512xf32, #tpu.memory_space<hbm>> -> memref<1x1x512x512xf32, #tpu.memory_space<hbm>>
    %dma_wait3A_1261 = tpu.memref_squeeze %dma_wait3A_1260 : memref<1x1x512x512xf32, #tpu.memory_space<hbm>> -> memref<512x512xf32, #tpu.memory_space<hbm>>
    tpu.wait_dma2 semaphore(%dma_wait3A_1257 : memref<!tpu.dma_semaphore, #tpu.memory_space<semaphore_mem>>) src(%dma_wait3A_1261 : memref<512x512xf32, #tpu.memory_space<hbm>>) dst(%arg3 : memref<512x512xf32, #tpu.memory_space<vmem_shared>>)
    %dma_start3A_1262 = arith.constant 2 : i32
    %dma_start3A_1263 = arith.constant 0 : i32
    %dma_start3A_1264 = tpu.memref_slice %arg11[%dma_start3A_1263] : memref<7x!tpu.dma_semaphore, #tpu.memory_space<semaphore_mem>> -> memref<1x!tpu.dma_semaphore, #tpu.memory_space<semaphore_mem>>
    %dma_start3A_1265 = tpu.memref_squeeze %dma_start3A_1264 : memref<1x!tpu.dma_semaphore, #tpu.memory_space<semaphore_mem>> -> memref<!tpu.dma_semaphore, #tpu.memory_space<semaphore_mem>>
    %dma_start3A_1266 = arith.constant 0 : i32
    %dma_start3A_1267 = arith.constant 0 : i32
    %dma_start3A_1268 = tpu.memref_slice %arg2[%add3A_71, %dma_start3A_1262, %dma_start3A_1266, %dma_start3A_1267] : memref<32x3x512x512xf32, #tpu.memory_space<hbm>> -> memref<1x1x512x512xf32, #tpu.memory_space<hbm>>
    %dma_start3A_1269 = tpu.memref_squeeze %dma_start3A_1268 : memref<1x1x512x512xf32, #tpu.memory_space<hbm>> -> memref<512x512xf32, #tpu.memory_space<hbm>>
    tpu.enqueue_dma source(%arg3 : memref<512x512xf32, #tpu.memory_space<vmem_shared>>) target(%dma_start3A_1269 : memref<512x512xf32, #tpu.memory_space<hbm>>) target_semaphore(%dma_start3A_1265 : memref<!tpu.dma_semaphore, #tpu.memory_space<semaphore_mem>>)
    %dma_wait3A_1270 = arith.constant 1 : i32
    %dma_wait3A_1271 = arith.constant 6 : i32
    %dma_wait3A_1272 = tpu.memref_slice %arg11[%dma_wait3A_1271] : memref<7x!tpu.dma_semaphore, #tpu.memory_space<semaphore_mem>> -> memref<1x!tpu.dma_semaphore, #tpu.memory_space<semaphore_mem>>
    %dma_wait3A_1273 = tpu.memref_squeeze %dma_wait3A_1272 : memref<1x!tpu.dma_semaphore, #tpu.memory_space<semaphore_mem>> -> memref<!tpu.dma_semaphore, #tpu.memory_space<semaphore_mem>>
    %dma_wait3A_1274 = arith.constant 0 : i32
    %dma_wait3A_1275 = arith.constant 0 : i32
    %dma_wait3A_1276 = tpu.memref_slice %arg2[%add3A_69, %dma_wait3A_1270, %dma_wait3A_1274, %dma_wait3A_1275] : memref<32x3x512x512xf32, #tpu.memory_space<hbm>> -> memref<1x1x512x512xf32, #tpu.memory_space<hbm>>
    %dma_wait3A_1277 = tpu.memref_squeeze %dma_wait3A_1276 : memref<1x1x512x512xf32, #tpu.memory_space<hbm>> -> memref<512x512xf32, #tpu.memory_space<hbm>>
    tpu.wait_dma2 semaphore(%dma_wait3A_1273 : memref<!tpu.dma_semaphore, #tpu.memory_space<semaphore_mem>>) src(%arg9 : memref<512x512xf32, #tpu.memory_space<vmem_shared>>) dst(%dma_wait3A_1277 : memref<512x512xf32, #tpu.memory_space<hbm>>)
    %dma_start3A_1278 = arith.constant 0 : i32
    %dma_start3A_1279 = arith.constant 6 : i32
    %dma_start3A_1280 = tpu.memref_slice %arg10[%dma_start3A_1279] : memref<7x!tpu.dma_semaphore, #tpu.memory_space<semaphore_mem>> -> memref<1x!tpu.dma_semaphore, #tpu.memory_space<semaphore_mem>>
    %dma_start3A_1281 = tpu.memref_squeeze %dma_start3A_1280 : memref<1x!tpu.dma_semaphore, #tpu.memory_space<semaphore_mem>> -> memref<!tpu.dma_semaphore, #tpu.memory_space<semaphore_mem>>
    %dma_start3A_1282 = arith.constant 0 : i32
    %dma_start3A_1283 = arith.constant 0 : i32
    %dma_start3A_1284 = tpu.memref_slice %arg1[%add3A_83, %dma_start3A_1278, %dma_start3A_1282, %dma_start3A_1283] : memref<32x3x512x512xf32, #tpu.memory_space<hbm>> -> memref<1x1x512x512xf32, #tpu.memory_space<hbm>>
    %dma_start3A_1285 = tpu.memref_squeeze %dma_start3A_1284 : memref<1x1x512x512xf32, #tpu.memory_space<hbm>> -> memref<512x512xf32, #tpu.memory_space<hbm>>
    tpu.enqueue_dma source(%dma_start3A_1285 : memref<512x512xf32, #tpu.memory_space<hbm>>) target(%arg9 : memref<512x512xf32, #tpu.memory_space<vmem_shared>>) target_semaphore(%dma_start3A_1281 : memref<!tpu.dma_semaphore, #tpu.memory_space<semaphore_mem>>)
    %dma_wait3A_1286 = arith.constant 2 : i32
    %dma_wait3A_1287 = arith.constant 1 : i32
    %dma_wait3A_1288 = tpu.memref_slice %arg10[%dma_wait3A_1287] : memref<7x!tpu.dma_semaphore, #tpu.memory_space<semaphore_mem>> -> memref<1x!tpu.dma_semaphore, #tpu.memory_space<semaphore_mem>>
    %dma_wait3A_1289 = tpu.memref_squeeze %dma_wait3A_1288 : memref<1x!tpu.dma_semaphore, #tpu.memory_space<semaphore_mem>> -> memref<!tpu.dma_semaphore, #tpu.memory_space<semaphore_mem>>
    %dma_wait3A_1290 = arith.constant 0 : i32
    %dma_wait3A_1291 = arith.constant 0 : i32
    %dma_wait3A_1292 = tpu.memref_slice %arg1[%add3A_73, %dma_wait3A_1286, %dma_wait3A_1290, %dma_wait3A_1291] : memref<32x3x512x512xf32, #tpu.memory_space<hbm>> -> memref<1x1x512x512xf32, #tpu.memory_space<hbm>>
    %dma_wait3A_1293 = tpu.memref_squeeze %dma_wait3A_1292 : memref<1x1x512x512xf32, #tpu.memory_space<hbm>> -> memref<512x512xf32, #tpu.memory_space<hbm>>
    tpu.wait_dma2 semaphore(%dma_wait3A_1289 : memref<!tpu.dma_semaphore, #tpu.memory_space<semaphore_mem>>) src(%dma_wait3A_1293 : memref<512x512xf32, #tpu.memory_space<hbm>>) dst(%arg4 : memref<512x512xf32, #tpu.memory_space<vmem_shared>>)
    %dma_start3A_1294 = arith.constant 0 : i32
    %dma_start3A_1295 = arith.constant 1 : i32
    %dma_start3A_1296 = tpu.memref_slice %arg11[%dma_start3A_1295] : memref<7x!tpu.dma_semaphore, #tpu.memory_space<semaphore_mem>> -> memref<1x!tpu.dma_semaphore, #tpu.memory_space<semaphore_mem>>
    %dma_start3A_1297 = tpu.memref_squeeze %dma_start3A_1296 : memref<1x!tpu.dma_semaphore, #tpu.memory_space<semaphore_mem>> -> memref<!tpu.dma_semaphore, #tpu.memory_space<semaphore_mem>>
    %dma_start3A_1298 = arith.constant 0 : i32
    %dma_start3A_1299 = arith.constant 0 : i32
    %dma_start3A_1300 = tpu.memref_slice %arg2[%add3A_73, %dma_start3A_1294, %dma_start3A_1298, %dma_start3A_1299] : memref<32x3x512x512xf32, #tpu.memory_space<hbm>> -> memref<1x1x512x512xf32, #tpu.memory_space<hbm>>
    %dma_start3A_1301 = tpu.memref_squeeze %dma_start3A_1300 : memref<1x1x512x512xf32, #tpu.memory_space<hbm>> -> memref<512x512xf32, #tpu.memory_space<hbm>>
    tpu.enqueue_dma source(%arg4 : memref<512x512xf32, #tpu.memory_space<vmem_shared>>) target(%dma_start3A_1301 : memref<512x512xf32, #tpu.memory_space<hbm>>) target_semaphore(%dma_start3A_1297 : memref<!tpu.dma_semaphore, #tpu.memory_space<semaphore_mem>>)
    %dma_wait3A_1302 = arith.constant 2 : i32
    %dma_wait3A_1303 = arith.constant 0 : i32
    %dma_wait3A_1304 = tpu.memref_slice %arg11[%dma_wait3A_1303] : memref<7x!tpu.dma_semaphore, #tpu.memory_space<semaphore_mem>> -> memref<1x!tpu.dma_semaphore, #tpu.memory_space<semaphore_mem>>
    %dma_wait3A_1305 = tpu.memref_squeeze %dma_wait3A_1304 : memref<1x!tpu.dma_semaphore, #tpu.memory_space<semaphore_mem>> -> memref<!tpu.dma_semaphore, #tpu.memory_space<semaphore_mem>>
    %dma_wait3A_1306 = arith.constant 0 : i32
    %dma_wait3A_1307 = arith.constant 0 : i32
    %dma_wait3A_1308 = tpu.memref_slice %arg2[%add3A_71, %dma_wait3A_1302, %dma_wait3A_1306, %dma_wait3A_1307] : memref<32x3x512x512xf32, #tpu.memory_space<hbm>> -> memref<1x1x512x512xf32, #tpu.memory_space<hbm>>
    %dma_wait3A_1309 = tpu.memref_squeeze %dma_wait3A_1308 : memref<1x1x512x512xf32, #tpu.memory_space<hbm>> -> memref<512x512xf32, #tpu.memory_space<hbm>>
    tpu.wait_dma2 semaphore(%dma_wait3A_1305 : memref<!tpu.dma_semaphore, #tpu.memory_space<semaphore_mem>>) src(%arg3 : memref<512x512xf32, #tpu.memory_space<vmem_shared>>) dst(%dma_wait3A_1309 : memref<512x512xf32, #tpu.memory_space<hbm>>)
    %dma_start3A_1310 = arith.constant 2 : i32
    %dma_start3A_1311 = arith.constant 0 : i32
    %dma_start3A_1312 = tpu.memref_slice %arg10[%dma_start3A_1311] : memref<7x!tpu.dma_semaphore, #tpu.memory_space<semaphore_mem>> -> memref<1x!tpu.dma_semaphore, #tpu.memory_space<semaphore_mem>>
    %dma_start3A_1313 = tpu.memref_squeeze %dma_start3A_1312 : memref<1x!tpu.dma_semaphore, #tpu.memory_space<semaphore_mem>> -> memref<!tpu.dma_semaphore, #tpu.memory_space<semaphore_mem>>
    %dma_start3A_1314 = arith.constant 0 : i32
    %dma_start3A_1315 = arith.constant 0 : i32
    %dma_start3A_1316 = tpu.memref_slice %arg1[%add3A_85, %dma_start3A_1310, %dma_start3A_1314, %dma_start3A_1315] : memref<32x3x512x512xf32, #tpu.memory_space<hbm>> -> memref<1x1x512x512xf32, #tpu.memory_space<hbm>>
    %dma_start3A_1317 = tpu.memref_squeeze %dma_start3A_1316 : memref<1x1x512x512xf32, #tpu.memory_space<hbm>> -> memref<512x512xf32, #tpu.memory_space<hbm>>
    tpu.enqueue_dma source(%dma_start3A_1317 : memref<512x512xf32, #tpu.memory_space<hbm>>) target(%arg3 : memref<512x512xf32, #tpu.memory_space<vmem_shared>>) target_semaphore(%dma_start3A_1313 : memref<!tpu.dma_semaphore, #tpu.memory_space<semaphore_mem>>)
    %dma_wait3A_1318 = arith.constant 1 : i32
    %dma_wait3A_1319 = arith.constant 2 : i32
    %dma_wait3A_1320 = tpu.memref_slice %arg10[%dma_wait3A_1319] : memref<7x!tpu.dma_semaphore, #tpu.memory_space<semaphore_mem>> -> memref<1x!tpu.dma_semaphore, #tpu.memory_space<semaphore_mem>>
    %dma_wait3A_1321 = tpu.memref_squeeze %dma_wait3A_1320 : memref<1x!tpu.dma_semaphore, #tpu.memory_space<semaphore_mem>> -> memref<!tpu.dma_semaphore, #tpu.memory_space<semaphore_mem>>
    %dma_wait3A_1322 = arith.constant 0 : i32
    %dma_wait3A_1323 = arith.constant 0 : i32
    %dma_wait3A_1324 = tpu.memref_slice %arg1[%add3A_75, %dma_wait3A_1318, %dma_wait3A_1322, %dma_wait3A_1323] : memref<32x3x512x512xf32, #tpu.memory_space<hbm>> -> memref<1x1x512x512xf32, #tpu.memory_space<hbm>>
    %dma_wait3A_1325 = tpu.memref_squeeze %dma_wait3A_1324 : memref<1x1x512x512xf32, #tpu.memory_space<hbm>> -> memref<512x512xf32, #tpu.memory_space<hbm>>
    tpu.wait_dma2 semaphore(%dma_wait3A_1321 : memref<!tpu.dma_semaphore, #tpu.memory_space<semaphore_mem>>) src(%dma_wait3A_1325 : memref<512x512xf32, #tpu.memory_space<hbm>>) dst(%arg5 : memref<512x512xf32, #tpu.memory_space<vmem_shared>>)
    %dma_start3A_1326 = arith.constant 1 : i32
    %dma_start3A_1327 = arith.constant 2 : i32
    %dma_start3A_1328 = tpu.memref_slice %arg11[%dma_start3A_1327] : memref<7x!tpu.dma_semaphore, #tpu.memory_space<semaphore_mem>> -> memref<1x!tpu.dma_semaphore, #tpu.memory_space<semaphore_mem>>
    %dma_start3A_1329 = tpu.memref_squeeze %dma_start3A_1328 : memref<1x!tpu.dma_semaphore, #tpu.memory_space<semaphore_mem>> -> memref<!tpu.dma_semaphore, #tpu.memory_space<semaphore_mem>>
    %dma_start3A_1330 = arith.constant 0 : i32
    %dma_start3A_1331 = arith.constant 0 : i32
    %dma_start3A_1332 = tpu.memref_slice %arg2[%add3A_75, %dma_start3A_1326, %dma_start3A_1330, %dma_start3A_1331] : memref<32x3x512x512xf32, #tpu.memory_space<hbm>> -> memref<1x1x512x512xf32, #tpu.memory_space<hbm>>
    %dma_start3A_1333 = tpu.memref_squeeze %dma_start3A_1332 : memref<1x1x512x512xf32, #tpu.memory_space<hbm>> -> memref<512x512xf32, #tpu.memory_space<hbm>>
    tpu.enqueue_dma source(%arg5 : memref<512x512xf32, #tpu.memory_space<vmem_shared>>) target(%dma_start3A_1333 : memref<512x512xf32, #tpu.memory_space<hbm>>) target_semaphore(%dma_start3A_1329 : memref<!tpu.dma_semaphore, #tpu.memory_space<semaphore_mem>>)
    %dma_wait3A_1334 = arith.constant 0 : i32
    %dma_wait3A_1335 = arith.constant 1 : i32
    %dma_wait3A_1336 = tpu.memref_slice %arg11[%dma_wait3A_1335] : memref<7x!tpu.dma_semaphore, #tpu.memory_space<semaphore_mem>> -> memref<1x!tpu.dma_semaphore, #tpu.memory_space<semaphore_mem>>
    %dma_wait3A_1337 = tpu.memref_squeeze %dma_wait3A_1336 : memref<1x!tpu.dma_semaphore, #tpu.memory_space<semaphore_mem>> -> memref<!tpu.dma_semaphore, #tpu.memory_space<semaphore_mem>>
    %dma_wait3A_1338 = arith.constant 0 : i32
    %dma_wait3A_1339 = arith.constant 0 : i32
    %dma_wait3A_1340 = tpu.memref_slice %arg2[%add3A_73, %dma_wait3A_1334, %dma_wait3A_1338, %dma_wait3A_1339] : memref<32x3x512x512xf32, #tpu.memory_space<hbm>> -> memref<1x1x512x512xf32, #tpu.memory_space<hbm>>
    %dma_wait3A_1341 = tpu.memref_squeeze %dma_wait3A_1340 : memref<1x1x512x512xf32, #tpu.memory_space<hbm>> -> memref<512x512xf32, #tpu.memory_space<hbm>>
    tpu.wait_dma2 semaphore(%dma_wait3A_1337 : memref<!tpu.dma_semaphore, #tpu.memory_space<semaphore_mem>>) src(%arg4 : memref<512x512xf32, #tpu.memory_space<vmem_shared>>) dst(%dma_wait3A_1341 : memref<512x512xf32, #tpu.memory_space<hbm>>)
    %dma_start3A_1342 = arith.constant 1 : i32
    %dma_start3A_1343 = arith.constant 1 : i32
    %dma_start3A_1344 = tpu.memref_slice %arg10[%dma_start3A_1343] : memref<7x!tpu.dma_semaphore, #tpu.memory_space<semaphore_mem>> -> memref<1x!tpu.dma_semaphore, #tpu.memory_space<semaphore_mem>>
    %dma_start3A_1345 = tpu.memref_squeeze %dma_start3A_1344 : memref<1x!tpu.dma_semaphore, #tpu.memory_space<semaphore_mem>> -> memref<!tpu.dma_semaphore, #tpu.memory_space<semaphore_mem>>
    %dma_start3A_1346 = arith.constant 0 : i32
    %dma_start3A_1347 = arith.constant 0 : i32
    %dma_start3A_1348 = tpu.memref_slice %arg1[%add3A_87, %dma_start3A_1342, %dma_start3A_1346, %dma_start3A_1347] : memref<32x3x512x512xf32, #tpu.memory_space<hbm>> -> memref<1x1x512x512xf32, #tpu.memory_space<hbm>>
    %dma_start3A_1349 = tpu.memref_squeeze %dma_start3A_1348 : memref<1x1x512x512xf32, #tpu.memory_space<hbm>> -> memref<512x512xf32, #tpu.memory_space<hbm>>
    tpu.enqueue_dma source(%dma_start3A_1349 : memref<512x512xf32, #tpu.memory_space<hbm>>) target(%arg4 : memref<512x512xf32, #tpu.memory_space<vmem_shared>>) target_semaphore(%dma_start3A_1345 : memref<!tpu.dma_semaphore, #tpu.memory_space<semaphore_mem>>)
    %dma_wait3A_1350 = arith.constant 0 : i32
    %dma_wait3A_1351 = arith.constant 3 : i32
    %dma_wait3A_1352 = tpu.memref_slice %arg10[%dma_wait3A_1351] : memref<7x!tpu.dma_semaphore, #tpu.memory_space<semaphore_mem>> -> memref<1x!tpu.dma_semaphore, #tpu.memory_space<semaphore_mem>>
    %dma_wait3A_1353 = tpu.memref_squeeze %dma_wait3A_1352 : memref<1x!tpu.dma_semaphore, #tpu.memory_space<semaphore_mem>> -> memref<!tpu.dma_semaphore, #tpu.memory_space<semaphore_mem>>
    %dma_wait3A_1354 = arith.constant 0 : i32
    %dma_wait3A_1355 = arith.constant 0 : i32
    %dma_wait3A_1356 = tpu.memref_slice %arg1[%add3A_77, %dma_wait3A_1350, %dma_wait3A_1354, %dma_wait3A_1355] : memref<32x3x512x512xf32, #tpu.memory_space<hbm>> -> memref<1x1x512x512xf32, #tpu.memory_space<hbm>>
    %dma_wait3A_1357 = tpu.memref_squeeze %dma_wait3A_1356 : memref<1x1x512x512xf32, #tpu.memory_space<hbm>> -> memref<512x512xf32, #tpu.memory_space<hbm>>
    tpu.wait_dma2 semaphore(%dma_wait3A_1353 : memref<!tpu.dma_semaphore, #tpu.memory_space<semaphore_mem>>) src(%dma_wait3A_1357 : memref<512x512xf32, #tpu.memory_space<hbm>>) dst(%arg6 : memref<512x512xf32, #tpu.memory_space<vmem_shared>>)
    %dma_start3A_1358 = arith.constant 2 : i32
    %dma_start3A_1359 = arith.constant 3 : i32
    %dma_start3A_1360 = tpu.memref_slice %arg11[%dma_start3A_1359] : memref<7x!tpu.dma_semaphore, #tpu.memory_space<semaphore_mem>> -> memref<1x!tpu.dma_semaphore, #tpu.memory_space<semaphore_mem>>
    %dma_start3A_1361 = tpu.memref_squeeze %dma_start3A_1360 : memref<1x!tpu.dma_semaphore, #tpu.memory_space<semaphore_mem>> -> memref<!tpu.dma_semaphore, #tpu.memory_space<semaphore_mem>>
    %dma_start3A_1362 = arith.constant 0 : i32
    %dma_start3A_1363 = arith.constant 0 : i32
    %dma_start3A_1364 = tpu.memref_slice %arg2[%add3A_77, %dma_start3A_1358, %dma_start3A_1362, %dma_start3A_1363] : memref<32x3x512x512xf32, #tpu.memory_space<hbm>> -> memref<1x1x512x512xf32, #tpu.memory_space<hbm>>
    %dma_start3A_1365 = tpu.memref_squeeze %dma_start3A_1364 : memref<1x1x512x512xf32, #tpu.memory_space<hbm>> -> memref<512x512xf32, #tpu.memory_space<hbm>>
    tpu.enqueue_dma source(%arg6 : memref<512x512xf32, #tpu.memory_space<vmem_shared>>) target(%dma_start3A_1365 : memref<512x512xf32, #tpu.memory_space<hbm>>) target_semaphore(%dma_start3A_1361 : memref<!tpu.dma_semaphore, #tpu.memory_space<semaphore_mem>>)
    %dma_wait3A_1366 = arith.constant 1 : i32
    %dma_wait3A_1367 = arith.constant 2 : i32
    %dma_wait3A_1368 = tpu.memref_slice %arg11[%dma_wait3A_1367] : memref<7x!tpu.dma_semaphore, #tpu.memory_space<semaphore_mem>> -> memref<1x!tpu.dma_semaphore, #tpu.memory_space<semaphore_mem>>
    %dma_wait3A_1369 = tpu.memref_squeeze %dma_wait3A_1368 : memref<1x!tpu.dma_semaphore, #tpu.memory_space<semaphore_mem>> -> memref<!tpu.dma_semaphore, #tpu.memory_space<semaphore_mem>>
    %dma_wait3A_1370 = arith.constant 0 : i32
    %dma_wait3A_1371 = arith.constant 0 : i32
    %dma_wait3A_1372 = tpu.memref_slice %arg2[%add3A_75, %dma_wait3A_1366, %dma_wait3A_1370, %dma_wait3A_1371] : memref<32x3x512x512xf32, #tpu.memory_space<hbm>> -> memref<1x1x512x512xf32, #tpu.memory_space<hbm>>
    %dma_wait3A_1373 = tpu.memref_squeeze %dma_wait3A_1372 : memref<1x1x512x512xf32, #tpu.memory_space<hbm>> -> memref<512x512xf32, #tpu.memory_space<hbm>>
    tpu.wait_dma2 semaphore(%dma_wait3A_1369 : memref<!tpu.dma_semaphore, #tpu.memory_space<semaphore_mem>>) src(%arg5 : memref<512x512xf32, #tpu.memory_space<vmem_shared>>) dst(%dma_wait3A_1373 : memref<512x512xf32, #tpu.memory_space<hbm>>)
    %dma_start3A_1374 = arith.constant 0 : i32
    %dma_start3A_1375 = arith.constant 2 : i32
    %dma_start3A_1376 = tpu.memref_slice %arg10[%dma_start3A_1375] : memref<7x!tpu.dma_semaphore, #tpu.memory_space<semaphore_mem>> -> memref<1x!tpu.dma_semaphore, #tpu.memory_space<semaphore_mem>>
    %dma_start3A_1377 = tpu.memref_squeeze %dma_start3A_1376 : memref<1x!tpu.dma_semaphore, #tpu.memory_space<semaphore_mem>> -> memref<!tpu.dma_semaphore, #tpu.memory_space<semaphore_mem>>
    %dma_start3A_1378 = arith.constant 0 : i32
    %dma_start3A_1379 = arith.constant 0 : i32
    %dma_start3A_1380 = tpu.memref_slice %arg1[%add3A_89, %dma_start3A_1374, %dma_start3A_1378, %dma_start3A_1379] : memref<32x3x512x512xf32, #tpu.memory_space<hbm>> -> memref<1x1x512x512xf32, #tpu.memory_space<hbm>>
    %dma_start3A_1381 = tpu.memref_squeeze %dma_start3A_1380 : memref<1x1x512x512xf32, #tpu.memory_space<hbm>> -> memref<512x512xf32, #tpu.memory_space<hbm>>
    tpu.enqueue_dma source(%dma_start3A_1381 : memref<512x512xf32, #tpu.memory_space<hbm>>) target(%arg5 : memref<512x512xf32, #tpu.memory_space<vmem_shared>>) target_semaphore(%dma_start3A_1377 : memref<!tpu.dma_semaphore, #tpu.memory_space<semaphore_mem>>)
    %dma_wait3A_1382 = arith.constant 2 : i32
    %dma_wait3A_1383 = arith.constant 4 : i32
    %dma_wait3A_1384 = tpu.memref_slice %arg10[%dma_wait3A_1383] : memref<7x!tpu.dma_semaphore, #tpu.memory_space<semaphore_mem>> -> memref<1x!tpu.dma_semaphore, #tpu.memory_space<semaphore_mem>>
    %dma_wait3A_1385 = tpu.memref_squeeze %dma_wait3A_1384 : memref<1x!tpu.dma_semaphore, #tpu.memory_space<semaphore_mem>> -> memref<!tpu.dma_semaphore, #tpu.memory_space<semaphore_mem>>
    %dma_wait3A_1386 = arith.constant 0 : i32
    %dma_wait3A_1387 = arith.constant 0 : i32
    %dma_wait3A_1388 = tpu.memref_slice %arg1[%add3A_79, %dma_wait3A_1382, %dma_wait3A_1386, %dma_wait3A_1387] : memref<32x3x512x512xf32, #tpu.memory_space<hbm>> -> memref<1x1x512x512xf32, #tpu.memory_space<hbm>>
    %dma_wait3A_1389 = tpu.memref_squeeze %dma_wait3A_1388 : memref<1x1x512x512xf32, #tpu.memory_space<hbm>> -> memref<512x512xf32, #tpu.memory_space<hbm>>
    tpu.wait_dma2 semaphore(%dma_wait3A_1385 : memref<!tpu.dma_semaphore, #tpu.memory_space<semaphore_mem>>) src(%dma_wait3A_1389 : memref<512x512xf32, #tpu.memory_space<hbm>>) dst(%arg7 : memref<512x512xf32, #tpu.memory_space<vmem_shared>>)
    %dma_start3A_1390 = arith.constant 0 : i32
    %dma_start3A_1391 = arith.constant 4 : i32
    %dma_start3A_1392 = tpu.memref_slice %arg11[%dma_start3A_1391] : memref<7x!tpu.dma_semaphore, #tpu.memory_space<semaphore_mem>> -> memref<1x!tpu.dma_semaphore, #tpu.memory_space<semaphore_mem>>
    %dma_start3A_1393 = tpu.memref_squeeze %dma_start3A_1392 : memref<1x!tpu.dma_semaphore, #tpu.memory_space<semaphore_mem>> -> memref<!tpu.dma_semaphore, #tpu.memory_space<semaphore_mem>>
    %dma_start3A_1394 = arith.constant 0 : i32
    %dma_start3A_1395 = arith.constant 0 : i32
    %dma_start3A_1396 = tpu.memref_slice %arg2[%add3A_79, %dma_start3A_1390, %dma_start3A_1394, %dma_start3A_1395] : memref<32x3x512x512xf32, #tpu.memory_space<hbm>> -> memref<1x1x512x512xf32, #tpu.memory_space<hbm>>
    %dma_start3A_1397 = tpu.memref_squeeze %dma_start3A_1396 : memref<1x1x512x512xf32, #tpu.memory_space<hbm>> -> memref<512x512xf32, #tpu.memory_space<hbm>>
    tpu.enqueue_dma source(%arg7 : memref<512x512xf32, #tpu.memory_space<vmem_shared>>) target(%dma_start3A_1397 : memref<512x512xf32, #tpu.memory_space<hbm>>) target_semaphore(%dma_start3A_1393 : memref<!tpu.dma_semaphore, #tpu.memory_space<semaphore_mem>>)
    %dma_wait3A_1398 = arith.constant 2 : i32
    %dma_wait3A_1399 = arith.constant 3 : i32
    %dma_wait3A_1400 = tpu.memref_slice %arg11[%dma_wait3A_1399] : memref<7x!tpu.dma_semaphore, #tpu.memory_space<semaphore_mem>> -> memref<1x!tpu.dma_semaphore, #tpu.memory_space<semaphore_mem>>
    %dma_wait3A_1401 = tpu.memref_squeeze %dma_wait3A_1400 : memref<1x!tpu.dma_semaphore, #tpu.memory_space<semaphore_mem>> -> memref<!tpu.dma_semaphore, #tpu.memory_space<semaphore_mem>>
    %dma_wait3A_1402 = arith.constant 0 : i32
    %dma_wait3A_1403 = arith.constant 0 : i32
    %dma_wait3A_1404 = tpu.memref_slice %arg2[%add3A_77, %dma_wait3A_1398, %dma_wait3A_1402, %dma_wait3A_1403] : memref<32x3x512x512xf32, #tpu.memory_space<hbm>> -> memref<1x1x512x512xf32, #tpu.memory_space<hbm>>
    %dma_wait3A_1405 = tpu.memref_squeeze %dma_wait3A_1404 : memref<1x1x512x512xf32, #tpu.memory_space<hbm>> -> memref<512x512xf32, #tpu.memory_space<hbm>>
    tpu.wait_dma2 semaphore(%dma_wait3A_1401 : memref<!tpu.dma_semaphore, #tpu.memory_space<semaphore_mem>>) src(%arg6 : memref<512x512xf32, #tpu.memory_space<vmem_shared>>) dst(%dma_wait3A_1405 : memref<512x512xf32, #tpu.memory_space<hbm>>)
    %dma_start3A_1406 = arith.constant 2 : i32
    %dma_start3A_1407 = arith.constant 3 : i32
    %dma_start3A_1408 = tpu.memref_slice %arg10[%dma_start3A_1407] : memref<7x!tpu.dma_semaphore, #tpu.memory_space<semaphore_mem>> -> memref<1x!tpu.dma_semaphore, #tpu.memory_space<semaphore_mem>>
    %dma_start3A_1409 = tpu.memref_squeeze %dma_start3A_1408 : memref<1x!tpu.dma_semaphore, #tpu.memory_space<semaphore_mem>> -> memref<!tpu.dma_semaphore, #tpu.memory_space<semaphore_mem>>
    %dma_start3A_1410 = arith.constant 0 : i32
    %dma_start3A_1411 = arith.constant 0 : i32
    %dma_start3A_1412 = tpu.memref_slice %arg1[%add3A_91, %dma_start3A_1406, %dma_start3A_1410, %dma_start3A_1411] : memref<32x3x512x512xf32, #tpu.memory_space<hbm>> -> memref<1x1x512x512xf32, #tpu.memory_space<hbm>>
    %dma_start3A_1413 = tpu.memref_squeeze %dma_start3A_1412 : memref<1x1x512x512xf32, #tpu.memory_space<hbm>> -> memref<512x512xf32, #tpu.memory_space<hbm>>
    tpu.enqueue_dma source(%dma_start3A_1413 : memref<512x512xf32, #tpu.memory_space<hbm>>) target(%arg6 : memref<512x512xf32, #tpu.memory_space<vmem_shared>>) target_semaphore(%dma_start3A_1409 : memref<!tpu.dma_semaphore, #tpu.memory_space<semaphore_mem>>)
    %dma_wait3A_1414 = arith.constant 1 : i32
    %dma_wait3A_1415 = arith.constant 5 : i32
    %dma_wait3A_1416 = tpu.memref_slice %arg10[%dma_wait3A_1415] : memref<7x!tpu.dma_semaphore, #tpu.memory_space<semaphore_mem>> -> memref<1x!tpu.dma_semaphore, #tpu.memory_space<semaphore_mem>>
    %dma_wait3A_1417 = tpu.memref_squeeze %dma_wait3A_1416 : memref<1x!tpu.dma_semaphore, #tpu.memory_space<semaphore_mem>> -> memref<!tpu.dma_semaphore, #tpu.memory_space<semaphore_mem>>
    %dma_wait3A_1418 = arith.constant 0 : i32
    %dma_wait3A_1419 = arith.constant 0 : i32
    %dma_wait3A_1420 = tpu.memref_slice %arg1[%add3A_81, %dma_wait3A_1414, %dma_wait3A_1418, %dma_wait3A_1419] : memref<32x3x512x512xf32, #tpu.memory_space<hbm>> -> memref<1x1x512x512xf32, #tpu.memory_space<hbm>>
    %dma_wait3A_1421 = tpu.memref_squeeze %dma_wait3A_1420 : memref<1x1x512x512xf32, #tpu.memory_space<hbm>> -> memref<512x512xf32, #tpu.memory_space<hbm>>
    tpu.wait_dma2 semaphore(%dma_wait3A_1417 : memref<!tpu.dma_semaphore, #tpu.memory_space<semaphore_mem>>) src(%dma_wait3A_1421 : memref<512x512xf32, #tpu.memory_space<hbm>>) dst(%arg8 : memref<512x512xf32, #tpu.memory_space<vmem_shared>>)
    %dma_start3A_1422 = arith.constant 1 : i32
    %dma_start3A_1423 = arith.constant 5 : i32
    %dma_start3A_1424 = tpu.memref_slice %arg11[%dma_start3A_1423] : memref<7x!tpu.dma_semaphore, #tpu.memory_space<semaphore_mem>> -> memref<1x!tpu.dma_semaphore, #tpu.memory_space<semaphore_mem>>
    %dma_start3A_1425 = tpu.memref_squeeze %dma_start3A_1424 : memref<1x!tpu.dma_semaphore, #tpu.memory_space<semaphore_mem>> -> memref<!tpu.dma_semaphore, #tpu.memory_space<semaphore_mem>>
    %dma_start3A_1426 = arith.constant 0 : i32
    %dma_start3A_1427 = arith.constant 0 : i32
    %dma_start3A_1428 = tpu.memref_slice %arg2[%add3A_81, %dma_start3A_1422, %dma_start3A_1426, %dma_start3A_1427] : memref<32x3x512x512xf32, #tpu.memory_space<hbm>> -> memref<1x1x512x512xf32, #tpu.memory_space<hbm>>
    %dma_start3A_1429 = tpu.memref_squeeze %dma_start3A_1428 : memref<1x1x512x512xf32, #tpu.memory_space<hbm>> -> memref<512x512xf32, #tpu.memory_space<hbm>>
    tpu.enqueue_dma source(%arg8 : memref<512x512xf32, #tpu.memory_space<vmem_shared>>) target(%dma_start3A_1429 : memref<512x512xf32, #tpu.memory_space<hbm>>) target_semaphore(%dma_start3A_1425 : memref<!tpu.dma_semaphore, #tpu.memory_space<semaphore_mem>>)
    %dma_wait3A_1430 = arith.constant 0 : i32
    %dma_wait3A_1431 = arith.constant 4 : i32
    %dma_wait3A_1432 = tpu.memref_slice %arg11[%dma_wait3A_1431] : memref<7x!tpu.dma_semaphore, #tpu.memory_space<semaphore_mem>> -> memref<1x!tpu.dma_semaphore, #tpu.memory_space<semaphore_mem>>
    %dma_wait3A_1433 = tpu.memref_squeeze %dma_wait3A_1432 : memref<1x!tpu.dma_semaphore, #tpu.memory_space<semaphore_mem>> -> memref<!tpu.dma_semaphore, #tpu.memory_space<semaphore_mem>>
    %dma_wait3A_1434 = arith.constant 0 : i32
    %dma_wait3A_1435 = arith.constant 0 : i32
    %dma_wait3A_1436 = tpu.memref_slice %arg2[%add3A_79, %dma_wait3A_1430, %dma_wait3A_1434, %dma_wait3A_1435] : memref<32x3x512x512xf32, #tpu.memory_space<hbm>> -> memref<1x1x512x512xf32, #tpu.memory_space<hbm>>
    %dma_wait3A_1437 = tpu.memref_squeeze %dma_wait3A_1436 : memref<1x1x512x512xf32, #tpu.memory_space<hbm>> -> memref<512x512xf32, #tpu.memory_space<hbm>>
    tpu.wait_dma2 semaphore(%dma_wait3A_1433 : memref<!tpu.dma_semaphore, #tpu.memory_space<semaphore_mem>>) src(%arg7 : memref<512x512xf32, #tpu.memory_space<vmem_shared>>) dst(%dma_wait3A_1437 : memref<512x512xf32, #tpu.memory_space<hbm>>)
    %dma_start3A_1438 = arith.constant 1 : i32
    %dma_start3A_1439 = arith.constant 4 : i32
    %dma_start3A_1440 = tpu.memref_slice %arg10[%dma_start3A_1439] : memref<7x!tpu.dma_semaphore, #tpu.memory_space<semaphore_mem>> -> memref<1x!tpu.dma_semaphore, #tpu.memory_space<semaphore_mem>>
    %dma_start3A_1441 = tpu.memref_squeeze %dma_start3A_1440 : memref<1x!tpu.dma_semaphore, #tpu.memory_space<semaphore_mem>> -> memref<!tpu.dma_semaphore, #tpu.memory_space<semaphore_mem>>
    %dma_start3A_1442 = arith.constant 0 : i32
    %dma_start3A_1443 = arith.constant 0 : i32
    %dma_start3A_1444 = tpu.memref_slice %arg1[%add3A_93, %dma_start3A_1438, %dma_start3A_1442, %dma_start3A_1443] : memref<32x3x512x512xf32, #tpu.memory_space<hbm>> -> memref<1x1x512x512xf32, #tpu.memory_space<hbm>>
    %dma_start3A_1445 = tpu.memref_squeeze %dma_start3A_1444 : memref<1x1x512x512xf32, #tpu.memory_space<hbm>> -> memref<512x512xf32, #tpu.memory_space<hbm>>
    tpu.enqueue_dma source(%dma_start3A_1445 : memref<512x512xf32, #tpu.memory_space<hbm>>) target(%arg7 : memref<512x512xf32, #tpu.memory_space<vmem_shared>>) target_semaphore(%dma_start3A_1441 : memref<!tpu.dma_semaphore, #tpu.memory_space<semaphore_mem>>)
    %dma_wait3A_1446 = arith.constant 0 : i32
    %dma_wait3A_1447 = arith.constant 6 : i32
    %dma_wait3A_1448 = tpu.memref_slice %arg10[%dma_wait3A_1447] : memref<7x!tpu.dma_semaphore, #tpu.memory_space<semaphore_mem>> -> memref<1x!tpu.dma_semaphore, #tpu.memory_space<semaphore_mem>>
    %dma_wait3A_1449 = tpu.memref_squeeze %dma_wait3A_1448 : memref<1x!tpu.dma_semaphore, #tpu.memory_space<semaphore_mem>> -> memref<!tpu.dma_semaphore, #tpu.memory_space<semaphore_mem>>
    %dma_wait3A_1450 = arith.constant 0 : i32
    %dma_wait3A_1451 = arith.constant 0 : i32
    %dma_wait3A_1452 = tpu.memref_slice %arg1[%add3A_83, %dma_wait3A_1446, %dma_wait3A_1450, %dma_wait3A_1451] : memref<32x3x512x512xf32, #tpu.memory_space<hbm>> -> memref<1x1x512x512xf32, #tpu.memory_space<hbm>>
    %dma_wait3A_1453 = tpu.memref_squeeze %dma_wait3A_1452 : memref<1x1x512x512xf32, #tpu.memory_space<hbm>> -> memref<512x512xf32, #tpu.memory_space<hbm>>
    tpu.wait_dma2 semaphore(%dma_wait3A_1449 : memref<!tpu.dma_semaphore, #tpu.memory_space<semaphore_mem>>) src(%dma_wait3A_1453 : memref<512x512xf32, #tpu.memory_space<hbm>>) dst(%arg9 : memref<512x512xf32, #tpu.memory_space<vmem_shared>>)
    %dma_start3A_1454 = arith.constant 2 : i32
    %dma_start3A_1455 = arith.constant 6 : i32
    %dma_start3A_1456 = tpu.memref_slice %arg11[%dma_start3A_1455] : memref<7x!tpu.dma_semaphore, #tpu.memory_space<semaphore_mem>> -> memref<1x!tpu.dma_semaphore, #tpu.memory_space<semaphore_mem>>
    %dma_start3A_1457 = tpu.memref_squeeze %dma_start3A_1456 : memref<1x!tpu.dma_semaphore, #tpu.memory_space<semaphore_mem>> -> memref<!tpu.dma_semaphore, #tpu.memory_space<semaphore_mem>>
    %dma_start3A_1458 = arith.constant 0 : i32
    %dma_start3A_1459 = arith.constant 0 : i32
    %dma_start3A_1460 = tpu.memref_slice %arg2[%add3A_83, %dma_start3A_1454, %dma_start3A_1458, %dma_start3A_1459] : memref<32x3x512x512xf32, #tpu.memory_space<hbm>> -> memref<1x1x512x512xf32, #tpu.memory_space<hbm>>
    %dma_start3A_1461 = tpu.memref_squeeze %dma_start3A_1460 : memref<1x1x512x512xf32, #tpu.memory_space<hbm>> -> memref<512x512xf32, #tpu.memory_space<hbm>>
    tpu.enqueue_dma source(%arg9 : memref<512x512xf32, #tpu.memory_space<vmem_shared>>) target(%dma_start3A_1461 : memref<512x512xf32, #tpu.memory_space<hbm>>) target_semaphore(%dma_start3A_1457 : memref<!tpu.dma_semaphore, #tpu.memory_space<semaphore_mem>>)
    %dma_wait3A_1462 = arith.constant 1 : i32
    %dma_wait3A_1463 = arith.constant 5 : i32
    %dma_wait3A_1464 = tpu.memref_slice %arg11[%dma_wait3A_1463] : memref<7x!tpu.dma_semaphore, #tpu.memory_space<semaphore_mem>> -> memref<1x!tpu.dma_semaphore, #tpu.memory_space<semaphore_mem>>
    %dma_wait3A_1465 = tpu.memref_squeeze %dma_wait3A_1464 : memref<1x!tpu.dma_semaphore, #tpu.memory_space<semaphore_mem>> -> memref<!tpu.dma_semaphore, #tpu.memory_space<semaphore_mem>>
    %dma_wait3A_1466 = arith.constant 0 : i32
    %dma_wait3A_1467 = arith.constant 0 : i32
    %dma_wait3A_1468 = tpu.memref_slice %arg2[%add3A_81, %dma_wait3A_1462, %dma_wait3A_1466, %dma_wait3A_1467] : memref<32x3x512x512xf32, #tpu.memory_space<hbm>> -> memref<1x1x512x512xf32, #tpu.memory_space<hbm>>
    %dma_wait3A_1469 = tpu.memref_squeeze %dma_wait3A_1468 : memref<1x1x512x512xf32, #tpu.memory_space<hbm>> -> memref<512x512xf32, #tpu.memory_space<hbm>>
    tpu.wait_dma2 semaphore(%dma_wait3A_1465 : memref<!tpu.dma_semaphore, #tpu.memory_space<semaphore_mem>>) src(%arg8 : memref<512x512xf32, #tpu.memory_space<vmem_shared>>) dst(%dma_wait3A_1469 : memref<512x512xf32, #tpu.memory_space<hbm>>)
    %dma_start3A_1470 = arith.constant 0 : i32
    %dma_start3A_1471 = arith.constant 5 : i32
    %dma_start3A_1472 = tpu.memref_slice %arg10[%dma_start3A_1471] : memref<7x!tpu.dma_semaphore, #tpu.memory_space<semaphore_mem>> -> memref<1x!tpu.dma_semaphore, #tpu.memory_space<semaphore_mem>>
    %dma_start3A_1473 = tpu.memref_squeeze %dma_start3A_1472 : memref<1x!tpu.dma_semaphore, #tpu.memory_space<semaphore_mem>> -> memref<!tpu.dma_semaphore, #tpu.memory_space<semaphore_mem>>
    %dma_start3A_1474 = arith.constant 0 : i32
    %dma_start3A_1475 = arith.constant 0 : i32
    %dma_start3A_1476 = tpu.memref_slice %arg1[%add3A_95, %dma_start3A_1470, %dma_start3A_1474, %dma_start3A_1475] : memref<32x3x512x512xf32, #tpu.memory_space<hbm>> -> memref<1x1x512x512xf32, #tpu.memory_space<hbm>>
    %dma_start3A_1477 = tpu.memref_squeeze %dma_start3A_1476 : memref<1x1x512x512xf32, #tpu.memory_space<hbm>> -> memref<512x512xf32, #tpu.memory_space<hbm>>
    tpu.enqueue_dma source(%dma_start3A_1477 : memref<512x512xf32, #tpu.memory_space<hbm>>) target(%arg8 : memref<512x512xf32, #tpu.memory_space<vmem_shared>>) target_semaphore(%dma_start3A_1473 : memref<!tpu.dma_semaphore, #tpu.memory_space<semaphore_mem>>)
    %dma_wait3A_1478 = arith.constant 2 : i32
    %dma_wait3A_1479 = arith.constant 0 : i32
    %dma_wait3A_1480 = tpu.memref_slice %arg10[%dma_wait3A_1479] : memref<7x!tpu.dma_semaphore, #tpu.memory_space<semaphore_mem>> -> memref<1x!tpu.dma_semaphore, #tpu.memory_space<semaphore_mem>>
    %dma_wait3A_1481 = tpu.memref_squeeze %dma_wait3A_1480 : memref<1x!tpu.dma_semaphore, #tpu.memory_space<semaphore_mem>> -> memref<!tpu.dma_semaphore, #tpu.memory_space<semaphore_mem>>
    %dma_wait3A_1482 = arith.constant 0 : i32
    %dma_wait3A_1483 = arith.constant 0 : i32
    %dma_wait3A_1484 = tpu.memref_slice %arg1[%add3A_85, %dma_wait3A_1478, %dma_wait3A_1482, %dma_wait3A_1483] : memref<32x3x512x512xf32, #tpu.memory_space<hbm>> -> memref<1x1x512x512xf32, #tpu.memory_space<hbm>>
    %dma_wait3A_1485 = tpu.memref_squeeze %dma_wait3A_1484 : memref<1x1x512x512xf32, #tpu.memory_space<hbm>> -> memref<512x512xf32, #tpu.memory_space<hbm>>
    tpu.wait_dma2 semaphore(%dma_wait3A_1481 : memref<!tpu.dma_semaphore, #tpu.memory_space<semaphore_mem>>) src(%dma_wait3A_1485 : memref<512x512xf32, #tpu.memory_space<hbm>>) dst(%arg3 : memref<512x512xf32, #tpu.memory_space<vmem_shared>>)
    %dma_start3A_1486 = arith.constant 0 : i32
    %dma_start3A_1487 = arith.constant 0 : i32
    %dma_start3A_1488 = tpu.memref_slice %arg11[%dma_start3A_1487] : memref<7x!tpu.dma_semaphore, #tpu.memory_space<semaphore_mem>> -> memref<1x!tpu.dma_semaphore, #tpu.memory_space<semaphore_mem>>
    %dma_start3A_1489 = tpu.memref_squeeze %dma_start3A_1488 : memref<1x!tpu.dma_semaphore, #tpu.memory_space<semaphore_mem>> -> memref<!tpu.dma_semaphore, #tpu.memory_space<semaphore_mem>>
    %dma_start3A_1490 = arith.constant 0 : i32
    %dma_start3A_1491 = arith.constant 0 : i32
    %dma_start3A_1492 = tpu.memref_slice %arg2[%add3A_85, %dma_start3A_1486, %dma_start3A_1490, %dma_start3A_1491] : memref<32x3x512x512xf32, #tpu.memory_space<hbm>> -> memref<1x1x512x512xf32, #tpu.memory_space<hbm>>
    %dma_start3A_1493 = tpu.memref_squeeze %dma_start3A_1492 : memref<1x1x512x512xf32, #tpu.memory_space<hbm>> -> memref<512x512xf32, #tpu.memory_space<hbm>>
    tpu.enqueue_dma source(%arg3 : memref<512x512xf32, #tpu.memory_space<vmem_shared>>) target(%dma_start3A_1493 : memref<512x512xf32, #tpu.memory_space<hbm>>) target_semaphore(%dma_start3A_1489 : memref<!tpu.dma_semaphore, #tpu.memory_space<semaphore_mem>>)
    %dma_wait3A_1494 = arith.constant 1 : i32
    %dma_wait3A_1495 = arith.constant 1 : i32
    %dma_wait3A_1496 = tpu.memref_slice %arg10[%dma_wait3A_1495] : memref<7x!tpu.dma_semaphore, #tpu.memory_space<semaphore_mem>> -> memref<1x!tpu.dma_semaphore, #tpu.memory_space<semaphore_mem>>
    %dma_wait3A_1497 = tpu.memref_squeeze %dma_wait3A_1496 : memref<1x!tpu.dma_semaphore, #tpu.memory_space<semaphore_mem>> -> memref<!tpu.dma_semaphore, #tpu.memory_space<semaphore_mem>>
    %dma_wait3A_1498 = arith.constant 0 : i32
    %dma_wait3A_1499 = arith.constant 0 : i32
    %dma_wait3A_1500 = tpu.memref_slice %arg1[%add3A_87, %dma_wait3A_1494, %dma_wait3A_1498, %dma_wait3A_1499] : memref<32x3x512x512xf32, #tpu.memory_space<hbm>> -> memref<1x1x512x512xf32, #tpu.memory_space<hbm>>
    %dma_wait3A_1501 = tpu.memref_squeeze %dma_wait3A_1500 : memref<1x1x512x512xf32, #tpu.memory_space<hbm>> -> memref<512x512xf32, #tpu.memory_space<hbm>>
    tpu.wait_dma2 semaphore(%dma_wait3A_1497 : memref<!tpu.dma_semaphore, #tpu.memory_space<semaphore_mem>>) src(%dma_wait3A_1501 : memref<512x512xf32, #tpu.memory_space<hbm>>) dst(%arg4 : memref<512x512xf32, #tpu.memory_space<vmem_shared>>)
    %dma_start3A_1502 = arith.constant 1 : i32
    %dma_start3A_1503 = arith.constant 1 : i32
    %dma_start3A_1504 = tpu.memref_slice %arg11[%dma_start3A_1503] : memref<7x!tpu.dma_semaphore, #tpu.memory_space<semaphore_mem>> -> memref<1x!tpu.dma_semaphore, #tpu.memory_space<semaphore_mem>>
    %dma_start3A_1505 = tpu.memref_squeeze %dma_start3A_1504 : memref<1x!tpu.dma_semaphore, #tpu.memory_space<semaphore_mem>> -> memref<!tpu.dma_semaphore, #tpu.memory_space<semaphore_mem>>
    %dma_start3A_1506 = arith.constant 0 : i32
    %dma_start3A_1507 = arith.constant 0 : i32
    %dma_start3A_1508 = tpu.memref_slice %arg2[%add3A_87, %dma_start3A_1502, %dma_start3A_1506, %dma_start3A_1507] : memref<32x3x512x512xf32, #tpu.memory_space<hbm>> -> memref<1x1x512x512xf32, #tpu.memory_space<hbm>>
    %dma_start3A_1509 = tpu.memref_squeeze %dma_start3A_1508 : memref<1x1x512x512xf32, #tpu.memory_space<hbm>> -> memref<512x512xf32, #tpu.memory_space<hbm>>
    tpu.enqueue_dma source(%arg4 : memref<512x512xf32, #tpu.memory_space<vmem_shared>>) target(%dma_start3A_1509 : memref<512x512xf32, #tpu.memory_space<hbm>>) target_semaphore(%dma_start3A_1505 : memref<!tpu.dma_semaphore, #tpu.memory_space<semaphore_mem>>)
    %dma_wait3A_1510 = arith.constant 0 : i32
    %dma_wait3A_1511 = arith.constant 2 : i32
    %dma_wait3A_1512 = tpu.memref_slice %arg10[%dma_wait3A_1511] : memref<7x!tpu.dma_semaphore, #tpu.memory_space<semaphore_mem>> -> memref<1x!tpu.dma_semaphore, #tpu.memory_space<semaphore_mem>>
    %dma_wait3A_1513 = tpu.memref_squeeze %dma_wait3A_1512 : memref<1x!tpu.dma_semaphore, #tpu.memory_space<semaphore_mem>> -> memref<!tpu.dma_semaphore, #tpu.memory_space<semaphore_mem>>
    %dma_wait3A_1514 = arith.constant 0 : i32
    %dma_wait3A_1515 = arith.constant 0 : i32
    %dma_wait3A_1516 = tpu.memref_slice %arg1[%add3A_89, %dma_wait3A_1510, %dma_wait3A_1514, %dma_wait3A_1515] : memref<32x3x512x512xf32, #tpu.memory_space<hbm>> -> memref<1x1x512x512xf32, #tpu.memory_space<hbm>>
    %dma_wait3A_1517 = tpu.memref_squeeze %dma_wait3A_1516 : memref<1x1x512x512xf32, #tpu.memory_space<hbm>> -> memref<512x512xf32, #tpu.memory_space<hbm>>
    tpu.wait_dma2 semaphore(%dma_wait3A_1513 : memref<!tpu.dma_semaphore, #tpu.memory_space<semaphore_mem>>) src(%dma_wait3A_1517 : memref<512x512xf32, #tpu.memory_space<hbm>>) dst(%arg5 : memref<512x512xf32, #tpu.memory_space<vmem_shared>>)
    %dma_start3A_1518 = arith.constant 2 : i32
    %dma_start3A_1519 = arith.constant 2 : i32
    %dma_start3A_1520 = tpu.memref_slice %arg11[%dma_start3A_1519] : memref<7x!tpu.dma_semaphore, #tpu.memory_space<semaphore_mem>> -> memref<1x!tpu.dma_semaphore, #tpu.memory_space<semaphore_mem>>
    %dma_start3A_1521 = tpu.memref_squeeze %dma_start3A_1520 : memref<1x!tpu.dma_semaphore, #tpu.memory_space<semaphore_mem>> -> memref<!tpu.dma_semaphore, #tpu.memory_space<semaphore_mem>>
    %dma_start3A_1522 = arith.constant 0 : i32
    %dma_start3A_1523 = arith.constant 0 : i32
    %dma_start3A_1524 = tpu.memref_slice %arg2[%add3A_89, %dma_start3A_1518, %dma_start3A_1522, %dma_start3A_1523] : memref<32x3x512x512xf32, #tpu.memory_space<hbm>> -> memref<1x1x512x512xf32, #tpu.memory_space<hbm>>
    %dma_start3A_1525 = tpu.memref_squeeze %dma_start3A_1524 : memref<1x1x512x512xf32, #tpu.memory_space<hbm>> -> memref<512x512xf32, #tpu.memory_space<hbm>>
    tpu.enqueue_dma source(%arg5 : memref<512x512xf32, #tpu.memory_space<vmem_shared>>) target(%dma_start3A_1525 : memref<512x512xf32, #tpu.memory_space<hbm>>) target_semaphore(%dma_start3A_1521 : memref<!tpu.dma_semaphore, #tpu.memory_space<semaphore_mem>>)
    %dma_wait3A_1526 = arith.constant 2 : i32
    %dma_wait3A_1527 = arith.constant 3 : i32
    %dma_wait3A_1528 = tpu.memref_slice %arg10[%dma_wait3A_1527] : memref<7x!tpu.dma_semaphore, #tpu.memory_space<semaphore_mem>> -> memref<1x!tpu.dma_semaphore, #tpu.memory_space<semaphore_mem>>
    %dma_wait3A_1529 = tpu.memref_squeeze %dma_wait3A_1528 : memref<1x!tpu.dma_semaphore, #tpu.memory_space<semaphore_mem>> -> memref<!tpu.dma_semaphore, #tpu.memory_space<semaphore_mem>>
    %dma_wait3A_1530 = arith.constant 0 : i32
    %dma_wait3A_1531 = arith.constant 0 : i32
    %dma_wait3A_1532 = tpu.memref_slice %arg1[%add3A_91, %dma_wait3A_1526, %dma_wait3A_1530, %dma_wait3A_1531] : memref<32x3x512x512xf32, #tpu.memory_space<hbm>> -> memref<1x1x512x512xf32, #tpu.memory_space<hbm>>
    %dma_wait3A_1533 = tpu.memref_squeeze %dma_wait3A_1532 : memref<1x1x512x512xf32, #tpu.memory_space<hbm>> -> memref<512x512xf32, #tpu.memory_space<hbm>>
    tpu.wait_dma2 semaphore(%dma_wait3A_1529 : memref<!tpu.dma_semaphore, #tpu.memory_space<semaphore_mem>>) src(%dma_wait3A_1533 : memref<512x512xf32, #tpu.memory_space<hbm>>) dst(%arg6 : memref<512x512xf32, #tpu.memory_space<vmem_shared>>)
    %dma_start3A_1534 = arith.constant 0 : i32
    %dma_start3A_1535 = arith.constant 3 : i32
    %dma_start3A_1536 = tpu.memref_slice %arg11[%dma_start3A_1535] : memref<7x!tpu.dma_semaphore, #tpu.memory_space<semaphore_mem>> -> memref<1x!tpu.dma_semaphore, #tpu.memory_space<semaphore_mem>>
    %dma_start3A_1537 = tpu.memref_squeeze %dma_start3A_1536 : memref<1x!tpu.dma_semaphore, #tpu.memory_space<semaphore_mem>> -> memref<!tpu.dma_semaphore, #tpu.memory_space<semaphore_mem>>
    %dma_start3A_1538 = arith.constant 0 : i32
    %dma_start3A_1539 = arith.constant 0 : i32
    %dma_start3A_1540 = tpu.memref_slice %arg2[%add3A_91, %dma_start3A_1534, %dma_start3A_1538, %dma_start3A_1539] : memref<32x3x512x512xf32, #tpu.memory_space<hbm>> -> memref<1x1x512x512xf32, #tpu.memory_space<hbm>>
    %dma_start3A_1541 = tpu.memref_squeeze %dma_start3A_1540 : memref<1x1x512x512xf32, #tpu.memory_space<hbm>> -> memref<512x512xf32, #tpu.memory_space<hbm>>
    tpu.enqueue_dma source(%arg6 : memref<512x512xf32, #tpu.memory_space<vmem_shared>>) target(%dma_start3A_1541 : memref<512x512xf32, #tpu.memory_space<hbm>>) target_semaphore(%dma_start3A_1537 : memref<!tpu.dma_semaphore, #tpu.memory_space<semaphore_mem>>)
    %dma_wait3A_1542 = arith.constant 1 : i32
    %dma_wait3A_1543 = arith.constant 4 : i32
    %dma_wait3A_1544 = tpu.memref_slice %arg10[%dma_wait3A_1543] : memref<7x!tpu.dma_semaphore, #tpu.memory_space<semaphore_mem>> -> memref<1x!tpu.dma_semaphore, #tpu.memory_space<semaphore_mem>>
    %dma_wait3A_1545 = tpu.memref_squeeze %dma_wait3A_1544 : memref<1x!tpu.dma_semaphore, #tpu.memory_space<semaphore_mem>> -> memref<!tpu.dma_semaphore, #tpu.memory_space<semaphore_mem>>
    %dma_wait3A_1546 = arith.constant 0 : i32
    %dma_wait3A_1547 = arith.constant 0 : i32
    %dma_wait3A_1548 = tpu.memref_slice %arg1[%add3A_93, %dma_wait3A_1542, %dma_wait3A_1546, %dma_wait3A_1547] : memref<32x3x512x512xf32, #tpu.memory_space<hbm>> -> memref<1x1x512x512xf32, #tpu.memory_space<hbm>>
    %dma_wait3A_1549 = tpu.memref_squeeze %dma_wait3A_1548 : memref<1x1x512x512xf32, #tpu.memory_space<hbm>> -> memref<512x512xf32, #tpu.memory_space<hbm>>
    tpu.wait_dma2 semaphore(%dma_wait3A_1545 : memref<!tpu.dma_semaphore, #tpu.memory_space<semaphore_mem>>) src(%dma_wait3A_1549 : memref<512x512xf32, #tpu.memory_space<hbm>>) dst(%arg7 : memref<512x512xf32, #tpu.memory_space<vmem_shared>>)
    %dma_start3A_1550 = arith.constant 1 : i32
    %dma_start3A_1551 = arith.constant 4 : i32
    %dma_start3A_1552 = tpu.memref_slice %arg11[%dma_start3A_1551] : memref<7x!tpu.dma_semaphore, #tpu.memory_space<semaphore_mem>> -> memref<1x!tpu.dma_semaphore, #tpu.memory_space<semaphore_mem>>
    %dma_start3A_1553 = tpu.memref_squeeze %dma_start3A_1552 : memref<1x!tpu.dma_semaphore, #tpu.memory_space<semaphore_mem>> -> memref<!tpu.dma_semaphore, #tpu.memory_space<semaphore_mem>>
    %dma_start3A_1554 = arith.constant 0 : i32
    %dma_start3A_1555 = arith.constant 0 : i32
    %dma_start3A_1556 = tpu.memref_slice %arg2[%add3A_93, %dma_start3A_1550, %dma_start3A_1554, %dma_start3A_1555] : memref<32x3x512x512xf32, #tpu.memory_space<hbm>> -> memref<1x1x512x512xf32, #tpu.memory_space<hbm>>
    %dma_start3A_1557 = tpu.memref_squeeze %dma_start3A_1556 : memref<1x1x512x512xf32, #tpu.memory_space<hbm>> -> memref<512x512xf32, #tpu.memory_space<hbm>>
    tpu.enqueue_dma source(%arg7 : memref<512x512xf32, #tpu.memory_space<vmem_shared>>) target(%dma_start3A_1557 : memref<512x512xf32, #tpu.memory_space<hbm>>) target_semaphore(%dma_start3A_1553 : memref<!tpu.dma_semaphore, #tpu.memory_space<semaphore_mem>>)
    %dma_wait3A_1558 = arith.constant 0 : i32
    %dma_wait3A_1559 = arith.constant 5 : i32
    %dma_wait3A_1560 = tpu.memref_slice %arg10[%dma_wait3A_1559] : memref<7x!tpu.dma_semaphore, #tpu.memory_space<semaphore_mem>> -> memref<1x!tpu.dma_semaphore, #tpu.memory_space<semaphore_mem>>
    %dma_wait3A_1561 = tpu.memref_squeeze %dma_wait3A_1560 : memref<1x!tpu.dma_semaphore, #tpu.memory_space<semaphore_mem>> -> memref<!tpu.dma_semaphore, #tpu.memory_space<semaphore_mem>>
    %dma_wait3A_1562 = arith.constant 0 : i32
    %dma_wait3A_1563 = arith.constant 0 : i32
    %dma_wait3A_1564 = tpu.memref_slice %arg1[%add3A_95, %dma_wait3A_1558, %dma_wait3A_1562, %dma_wait3A_1563] : memref<32x3x512x512xf32, #tpu.memory_space<hbm>> -> memref<1x1x512x512xf32, #tpu.memory_space<hbm>>
    %dma_wait3A_1565 = tpu.memref_squeeze %dma_wait3A_1564 : memref<1x1x512x512xf32, #tpu.memory_space<hbm>> -> memref<512x512xf32, #tpu.memory_space<hbm>>
    tpu.wait_dma2 semaphore(%dma_wait3A_1561 : memref<!tpu.dma_semaphore, #tpu.memory_space<semaphore_mem>>) src(%dma_wait3A_1565 : memref<512x512xf32, #tpu.memory_space<hbm>>) dst(%arg8 : memref<512x512xf32, #tpu.memory_space<vmem_shared>>)
    %dma_start3A_1566 = arith.constant 2 : i32
    %dma_start3A_1567 = arith.constant 5 : i32
    %dma_start3A_1568 = tpu.memref_slice %arg11[%dma_start3A_1567] : memref<7x!tpu.dma_semaphore, #tpu.memory_space<semaphore_mem>> -> memref<1x!tpu.dma_semaphore, #tpu.memory_space<semaphore_mem>>
    %dma_start3A_1569 = tpu.memref_squeeze %dma_start3A_1568 : memref<1x!tpu.dma_semaphore, #tpu.memory_space<semaphore_mem>> -> memref<!tpu.dma_semaphore, #tpu.memory_space<semaphore_mem>>
    %dma_start3A_1570 = arith.constant 0 : i32
    %dma_start3A_1571 = arith.constant 0 : i32
    %dma_start3A_1572 = tpu.memref_slice %arg2[%add3A_95, %dma_start3A_1566, %dma_start3A_1570, %dma_start3A_1571] : memref<32x3x512x512xf32, #tpu.memory_space<hbm>> -> memref<1x1x512x512xf32, #tpu.memory_space<hbm>>
    %dma_start3A_1573 = tpu.memref_squeeze %dma_start3A_1572 : memref<1x1x512x512xf32, #tpu.memory_space<hbm>> -> memref<512x512xf32, #tpu.memory_space<hbm>>
    tpu.enqueue_dma source(%arg8 : memref<512x512xf32, #tpu.memory_space<vmem_shared>>) target(%dma_start3A_1573 : memref<512x512xf32, #tpu.memory_space<hbm>>) target_semaphore(%dma_start3A_1569 : memref<!tpu.dma_semaphore, #tpu.memory_space<semaphore_mem>>)
    %dma_wait3A_1574 = arith.constant 2 : i32
    %dma_wait3A_1575 = arith.constant 6 : i32
    %dma_wait3A_1576 = tpu.memref_slice %arg11[%dma_wait3A_1575] : memref<7x!tpu.dma_semaphore, #tpu.memory_space<semaphore_mem>> -> memref<1x!tpu.dma_semaphore, #tpu.memory_space<semaphore_mem>>
    %dma_wait3A_1577 = tpu.memref_squeeze %dma_wait3A_1576 : memref<1x!tpu.dma_semaphore, #tpu.memory_space<semaphore_mem>> -> memref<!tpu.dma_semaphore, #tpu.memory_space<semaphore_mem>>
    %dma_wait3A_1578 = arith.constant 0 : i32
    %dma_wait3A_1579 = arith.constant 0 : i32
    %dma_wait3A_1580 = tpu.memref_slice %arg2[%add3A_83, %dma_wait3A_1574, %dma_wait3A_1578, %dma_wait3A_1579] : memref<32x3x512x512xf32, #tpu.memory_space<hbm>> -> memref<1x1x512x512xf32, #tpu.memory_space<hbm>>
    %dma_wait3A_1581 = tpu.memref_squeeze %dma_wait3A_1580 : memref<1x1x512x512xf32, #tpu.memory_space<hbm>> -> memref<512x512xf32, #tpu.memory_space<hbm>>
    tpu.wait_dma2 semaphore(%dma_wait3A_1577 : memref<!tpu.dma_semaphore, #tpu.memory_space<semaphore_mem>>) src(%arg9 : memref<512x512xf32, #tpu.memory_space<vmem_shared>>) dst(%dma_wait3A_1581 : memref<512x512xf32, #tpu.memory_space<hbm>>)
    %dma_wait3A_1582 = arith.constant 0 : i32
    %dma_wait3A_1583 = arith.constant 0 : i32
    %dma_wait3A_1584 = tpu.memref_slice %arg11[%dma_wait3A_1583] : memref<7x!tpu.dma_semaphore, #tpu.memory_space<semaphore_mem>> -> memref<1x!tpu.dma_semaphore, #tpu.memory_space<semaphore_mem>>
    %dma_wait3A_1585 = tpu.memref_squeeze %dma_wait3A_1584 : memref<1x!tpu.dma_semaphore, #tpu.memory_space<semaphore_mem>> -> memref<!tpu.dma_semaphore, #tpu.memory_space<semaphore_mem>>
    %dma_wait3A_1586 = arith.constant 0 : i32
    %dma_wait3A_1587 = arith.constant 0 : i32
    %dma_wait3A_1588 = tpu.memref_slice %arg2[%add3A_85, %dma_wait3A_1582, %dma_wait3A_1586, %dma_wait3A_1587] : memref<32x3x512x512xf32, #tpu.memory_space<hbm>> -> memref<1x1x512x512xf32, #tpu.memory_space<hbm>>
    %dma_wait3A_1589 = tpu.memref_squeeze %dma_wait3A_1588 : memref<1x1x512x512xf32, #tpu.memory_space<hbm>> -> memref<512x512xf32, #tpu.memory_space<hbm>>
    tpu.wait_dma2 semaphore(%dma_wait3A_1585 : memref<!tpu.dma_semaphore, #tpu.memory_space<semaphore_mem>>) src(%arg3 : memref<512x512xf32, #tpu.memory_space<vmem_shared>>) dst(%dma_wait3A_1589 : memref<512x512xf32, #tpu.memory_space<hbm>>)
    %dma_wait3A_1590 = arith.constant 1 : i32
    %dma_wait3A_1591 = arith.constant 1 : i32
    %dma_wait3A_1592 = tpu.memref_slice %arg11[%dma_wait3A_1591] : memref<7x!tpu.dma_semaphore, #tpu.memory_space<semaphore_mem>> -> memref<1x!tpu.dma_semaphore, #tpu.memory_space<semaphore_mem>>
    %dma_wait3A_1593 = tpu.memref_squeeze %dma_wait3A_1592 : memref<1x!tpu.dma_semaphore, #tpu.memory_space<semaphore_mem>> -> memref<!tpu.dma_semaphore, #tpu.memory_space<semaphore_mem>>
    %dma_wait3A_1594 = arith.constant 0 : i32
    %dma_wait3A_1595 = arith.constant 0 : i32
    %dma_wait3A_1596 = tpu.memref_slice %arg2[%add3A_87, %dma_wait3A_1590, %dma_wait3A_1594, %dma_wait3A_1595] : memref<32x3x512x512xf32, #tpu.memory_space<hbm>> -> memref<1x1x512x512xf32, #tpu.memory_space<hbm>>
    %dma_wait3A_1597 = tpu.memref_squeeze %dma_wait3A_1596 : memref<1x1x512x512xf32, #tpu.memory_space<hbm>> -> memref<512x512xf32, #tpu.memory_space<hbm>>
    tpu.wait_dma2 semaphore(%dma_wait3A_1593 : memref<!tpu.dma_semaphore, #tpu.memory_space<semaphore_mem>>) src(%arg4 : memref<512x512xf32, #tpu.memory_space<vmem_shared>>) dst(%dma_wait3A_1597 : memref<512x512xf32, #tpu.memory_space<hbm>>)
    %dma_wait3A_1598 = arith.constant 2 : i32
    %dma_wait3A_1599 = arith.constant 2 : i32
    %dma_wait3A_1600 = tpu.memref_slice %arg11[%dma_wait3A_1599] : memref<7x!tpu.dma_semaphore, #tpu.memory_space<semaphore_mem>> -> memref<1x!tpu.dma_semaphore, #tpu.memory_space<semaphore_mem>>
    %dma_wait3A_1601 = tpu.memref_squeeze %dma_wait3A_1600 : memref<1x!tpu.dma_semaphore, #tpu.memory_space<semaphore_mem>> -> memref<!tpu.dma_semaphore, #tpu.memory_space<semaphore_mem>>
    %dma_wait3A_1602 = arith.constant 0 : i32
    %dma_wait3A_1603 = arith.constant 0 : i32
    %dma_wait3A_1604 = tpu.memref_slice %arg2[%add3A_89, %dma_wait3A_1598, %dma_wait3A_1602, %dma_wait3A_1603] : memref<32x3x512x512xf32, #tpu.memory_space<hbm>> -> memref<1x1x512x512xf32, #tpu.memory_space<hbm>>
    %dma_wait3A_1605 = tpu.memref_squeeze %dma_wait3A_1604 : memref<1x1x512x512xf32, #tpu.memory_space<hbm>> -> memref<512x512xf32, #tpu.memory_space<hbm>>
    tpu.wait_dma2 semaphore(%dma_wait3A_1601 : memref<!tpu.dma_semaphore, #tpu.memory_space<semaphore_mem>>) src(%arg5 : memref<512x512xf32, #tpu.memory_space<vmem_shared>>) dst(%dma_wait3A_1605 : memref<512x512xf32, #tpu.memory_space<hbm>>)
    %dma_wait3A_1606 = arith.constant 0 : i32
    %dma_wait3A_1607 = arith.constant 3 : i32
    %dma_wait3A_1608 = tpu.memref_slice %arg11[%dma_wait3A_1607] : memref<7x!tpu.dma_semaphore, #tpu.memory_space<semaphore_mem>> -> memref<1x!tpu.dma_semaphore, #tpu.memory_space<semaphore_mem>>
    %dma_wait3A_1609 = tpu.memref_squeeze %dma_wait3A_1608 : memref<1x!tpu.dma_semaphore, #tpu.memory_space<semaphore_mem>> -> memref<!tpu.dma_semaphore, #tpu.memory_space<semaphore_mem>>
    %dma_wait3A_1610 = arith.constant 0 : i32
    %dma_wait3A_1611 = arith.constant 0 : i32
    %dma_wait3A_1612 = tpu.memref_slice %arg2[%add3A_91, %dma_wait3A_1606, %dma_wait3A_1610, %dma_wait3A_1611] : memref<32x3x512x512xf32, #tpu.memory_space<hbm>> -> memref<1x1x512x512xf32, #tpu.memory_space<hbm>>
    %dma_wait3A_1613 = tpu.memref_squeeze %dma_wait3A_1612 : memref<1x1x512x512xf32, #tpu.memory_space<hbm>> -> memref<512x512xf32, #tpu.memory_space<hbm>>
    tpu.wait_dma2 semaphore(%dma_wait3A_1609 : memref<!tpu.dma_semaphore, #tpu.memory_space<semaphore_mem>>) src(%arg6 : memref<512x512xf32, #tpu.memory_space<vmem_shared>>) dst(%dma_wait3A_1613 : memref<512x512xf32, #tpu.memory_space<hbm>>)
    %dma_wait3A_1614 = arith.constant 1 : i32
    %dma_wait3A_1615 = arith.constant 4 : i32
    %dma_wait3A_1616 = tpu.memref_slice %arg11[%dma_wait3A_1615] : memref<7x!tpu.dma_semaphore, #tpu.memory_space<semaphore_mem>> -> memref<1x!tpu.dma_semaphore, #tpu.memory_space<semaphore_mem>>
    %dma_wait3A_1617 = tpu.memref_squeeze %dma_wait3A_1616 : memref<1x!tpu.dma_semaphore, #tpu.memory_space<semaphore_mem>> -> memref<!tpu.dma_semaphore, #tpu.memory_space<semaphore_mem>>
    %dma_wait3A_1618 = arith.constant 0 : i32
    %dma_wait3A_1619 = arith.constant 0 : i32
    %dma_wait3A_1620 = tpu.memref_slice %arg2[%add3A_93, %dma_wait3A_1614, %dma_wait3A_1618, %dma_wait3A_1619] : memref<32x3x512x512xf32, #tpu.memory_space<hbm>> -> memref<1x1x512x512xf32, #tpu.memory_space<hbm>>
    %dma_wait3A_1621 = tpu.memref_squeeze %dma_wait3A_1620 : memref<1x1x512x512xf32, #tpu.memory_space<hbm>> -> memref<512x512xf32, #tpu.memory_space<hbm>>
    tpu.wait_dma2 semaphore(%dma_wait3A_1617 : memref<!tpu.dma_semaphore, #tpu.memory_space<semaphore_mem>>) src(%arg7 : memref<512x512xf32, #tpu.memory_space<vmem_shared>>) dst(%dma_wait3A_1621 : memref<512x512xf32, #tpu.memory_space<hbm>>)
    %dma_wait3A_1622 = arith.constant 2 : i32
    %dma_wait3A_1623 = arith.constant 5 : i32
    %dma_wait3A_1624 = tpu.memref_slice %arg11[%dma_wait3A_1623] : memref<7x!tpu.dma_semaphore, #tpu.memory_space<semaphore_mem>> -> memref<1x!tpu.dma_semaphore, #tpu.memory_space<semaphore_mem>>
    %dma_wait3A_1625 = tpu.memref_squeeze %dma_wait3A_1624 : memref<1x!tpu.dma_semaphore, #tpu.memory_space<semaphore_mem>> -> memref<!tpu.dma_semaphore, #tpu.memory_space<semaphore_mem>>
    %dma_wait3A_1626 = arith.constant 0 : i32
    %dma_wait3A_1627 = arith.constant 0 : i32
    %dma_wait3A_1628 = tpu.memref_slice %arg2[%add3A_95, %dma_wait3A_1622, %dma_wait3A_1626, %dma_wait3A_1627] : memref<32x3x512x512xf32, #tpu.memory_space<hbm>> -> memref<1x1x512x512xf32, #tpu.memory_space<hbm>>
    %dma_wait3A_1629 = tpu.memref_squeeze %dma_wait3A_1628 : memref<1x1x512x512xf32, #tpu.memory_space<hbm>> -> memref<512x512xf32, #tpu.memory_space<hbm>>
    tpu.wait_dma2 semaphore(%dma_wait3A_1625 : memref<!tpu.dma_semaphore, #tpu.memory_space<semaphore_mem>>) src(%arg8 : memref<512x512xf32, #tpu.memory_space<vmem_shared>>) dst(%dma_wait3A_1629 : memref<512x512xf32, #tpu.memory_space<hbm>>)
    return
  }
}

</mosaic_0001>

<sc_bundles>
// kernel: kernel.3.cloned.1.call-start
scs
__scs_entry_jumppad:
0x0: {  	(pc) =	sbr.rel $0x88, $3  }
0x1: {  	(tag) =	ssettag $0x0;
	lr =	simm.s32 $0x1  }
0x2: {  	[smem:$0x3FA0] =	sst lr;
	_ =	strace $0xD0000000  }
0x3: {  	_ = 	snop  }
0x4: {  	_ = 	snop  }
0x5: {  	_ = 	snop  }
0x6: {  	_ = 	snop  }
0x7: {  	_ = 	snop  }
__scs_overlays_trampoline_lowered:
0x8: {  	[smem:$0x3FAF] =	sst s0  }
0x9: {  	[smem:$0x3FB0] =	sst s1  }
0xa: {  	[smem:$0x3FB1] =	sst s2  }
0xb: {  	[smem:$0x3FB2] =	sst s3  }
0xc: {  	[smem:$0x3FB3] =	sst s4  }
0xd: {  	[smem:$0x3FB4] =	sst s5  }
0xe: {  	[smem:$0x3FB5] =	sst s6  }
0xf: {  	[smem:$0x3FB6] =	sst s7  }
0x10: {  	[smem:$0x3FB7] =	sst s8  }
0x11: {  	[smem:$0x3FB8] =	sst s9;
	s0 =	simm.s32 @!p0 $0x0  }
0x12: {  	s1 =	sld [smem:$0x3F9E];
	s0 =	simm.s32 @p0 $0x1  }
0x13: {  	[smem:$0x3FB9] =	sst s0;
	s0 =	simm.s32 @!p1 $0x0  }
0x14: {  	s2 =	sld [smem:$0x3F9D];
	s0 =	simm.s32 @p1 $0x1  }
0x15: {  	[smem:$0x3FBA] =	sst s0;
	s0 =	simm.s32 @!p2 $0x0  }
0x16: {  	s3 =	sld [smem:$0x3FDB];
	s0 =	simm.s32 @p2 $0x1  }
0x17: {  	s4 =	simm.s32 $0x1BF5;
	[smem:$0x3FBC] =	sst s0  }
0x18: {  	s0 =	sld [smem:$0x3F9F];
	_ =	swait.ge [sflag:s4], $0x0  }
0x19: {  	s7 =	sld [smem:$0x3FA0]  }
0x1a: {  	s8 =	sadd.s32 $0xFFFFE003, lr  }
0x1b: {  	s9 =	sadd.s32 $0xFFFFFEF7, lr;
	s5 =	simm.s32 $0xFFFFFFFF;
	p2 =	slt.u32 s8, $0xFFFFF086  }
0x1c: {  	p1 =	slt.u32 s9, $0xF7A;
	s5 =	simm.s32 @!p2 $0x0  }
0x1d: {  	s5 =	simm.s32 @p1 $0x1;
	p0 =	seq.s32 s7, s2  }
0x1e: {  	s7 =	smul.u32 @!p0 $0xF7A, s2;
	p2 =	seq.s32 @!p0 s5, $0x0  }
0x1f: {  	s9 =	smul.u32 $0xF7A, s1;
	s8 =	simm.s32 @!p0 $0x1BF5;
	p2 =	por !p2, p0  }
0x20: {  	[sflag:s8] =	ssyncset.s32 @!p0 $0xFFFFF086;
	s6 =	sadd.s32 @!p0 s3, s7;
	s7 =	simm.s32 @!p0 $0x108  }
0x21: {  	s3 =	sadd.s32 s3, s9;
	s6 =	sadd.s32 @!p0 $0x88, s6;
	s7 =	simm.s32 @p2 $0x1082  }
0x22: {  	[simem:s7], [sflag:s8] =	dma.local @!p0 [hbm:s6], $0xF7A  }
0x23: {  	s9 =	sor.u32 $0xD0000000, s2;
	s6 =	simm.s32 $0x108;
	_ =	swait.ge @!p0 [sflag:s8], $0x0  }
0x24: {  	s3 =	sadd.s32 $0x88, s3;
	s6 =	simm.s32 @!p1 $0x1082;
	[sflag:s4] =	ssyncset.s32 $0xFFFFF086  }
0x25: {  	[simem:s6], [sflag:s4] =	dma.local [hbm:s3], $0xF7A  }
0x26: {  	[smem:$0x3FA0] =	sst s1;
	(tag) =	ssettag s2;
	_ =	strace s9  }
0x27: {  	s1 =	sld [smem:$0x3FB0]  }
0x28: {  	s2 =	sld [smem:$0x3FB1]  }
0x29: {  	s4 =	sld [smem:$0x3FB3]  }
0x2a: {  	p0 =	seq.s32 s5, $0x0;
	s5 =	sld [smem:$0x3FB4]  }
0x2b: {  	s6 =	sld [smem:$0x3FB5]  }
0x2c: {  	s7 =	sld [smem:$0x3FB6]  }
0x2d: {  	s3 =	simm.s32 $0x108;
	s8 =	sld [smem:$0x3FB7]  }
0x2e: {  	s3 =	simm.s32 @!p0 $0x1082;
	s9 =	sld [smem:$0x3FB8]  }
0x2f: {  	lr =	sadd.s32 s0, s3;
	s0 =	sld [smem:$0x3FAF]  }
0x30: {  	s3 =	sld [smem:$0x3FB2]  }
0x31: {  	[smem:$0x3FBB] =	sst s10  }
0x32: {  	s10 =	sld [smem:$0x3FB9];
	_ =	sdelay $0x3  }
0x33: {  	p0 =	seq.s32 s10, $0x1;
	s10 =	sld [smem:$0x3FBB];
	_ =	sdelay $0x3  }
0x34: {  	[smem:$0x3FBB] =	sst s10  }
0x35: {  	s10 =	sld [smem:$0x3FBA];
	_ =	sdelay $0x3  }
0x36: {  	p1 =	seq.s32 s10, $0x1;
	s10 =	sld [smem:$0x3FBB];
	_ =	sdelay $0x3  }
0x37: {  	[smem:$0x3FBB] =	sst s10  }
0x38: {  	s10 =	sld [smem:$0x3FBC]  }
0x39: {  	_ = 	snop;
	(pc) =	sbr.ind lr, $3  }
0x3a: {  	_ = 	snop  }
0x3b: {  	_ = 	snop  }
0x3c: {  	p2 =	seq.s32 s10, $0x1;
	s10 =	sld [smem:$0x3FBB]  }
0x3d: {  	_ =	shalt  }
0x3e: {  	_ =	shalt  }
0x3f: {  	_ =	shalt  }
0x40: {  	_ =	shalt  }
0x41: {  	_ =	shalt  }
0x42: {  	_ =	shalt  }
0x43: {  	_ =	shalt  }
0x44: {  	_ =	shalt  }
0x45: {  	_ =	shalt  }
0x46: {  	_ =	shalt  }
0x47: {  	_ =	shalt  }
0x48: {  	_ =	shalt  }
0x49: {  	_ =	shalt  }
0x4a: {  	_ =	shalt  }
0x4b: {  	_ =	shalt  }
0x4c: {  	_ =	shalt  }
0x4d: {  	_ =	shalt  }
0x4e: {  	_ =	shalt  }
0x4f: {  	_ =	shalt  }
0x50: {  	_ =	shalt  }
0x51: {  	_ =	shalt  }
0x52: {  	_ =	shalt  }
0x53: {  	_ =	shalt  }
0x54: {  	_ =	shalt  }
0x55: {  	_ =	shalt  }
0x56: {  	_ =	shalt  }
0x57: {  	_ =	shalt  }
0x58: {  	_ =	shalt  }
0x59: {  	_ =	shalt  }
0x5a: {  	_ =	shalt  }
0x5b: {  	_ =	shalt  }
0x5c: {  	_ =	shalt  }
0x5d: {  	_ =	shalt  }
0x5e: {  	_ =	shalt  }
0x5f: {  	_ =	shalt  }
0x60: {  	_ =	shalt  }
0x61: {  	_ =	shalt  }
0x62: {  	_ =	shalt  }
0x63: {  	_ =	shalt  }
0x64: {  	_ =	shalt  }
0x65: {  	_ =	shalt  }
0x66: {  	_ =	shalt  }
0x67: {  	_ =	shalt  }
0x68: {  	_ =	shalt  }
0x69: {  	_ =	shalt  }
0x6a: {  	_ =	shalt  }
0x6b: {  	_ =	shalt  }
0x6c: {  	_ =	shalt  }
0x6d: {  	_ =	shalt  }
0x6e: {  	_ =	shalt  }
0x6f: {  	_ =	shalt  }
0x70: {  	_ =	shalt  }
0x71: {  	_ =	shalt  }
0x72: {  	_ =	shalt  }
0x73: {  	_ =	shalt  }
0x74: {  	_ =	shalt  }
0x75: {  	_ =	shalt  }
0x76: {  	_ =	shalt  }
0x77: {  	_ =	shalt  }
0x78: {  	_ =	shalt  }
0x79: {  	_ =	shalt  }
0x7a: {  	_ =	shalt  }
0x7b: {  	_ =	shalt  }
0x7c: {  	_ =	shalt  }
0x7d: {  	_ =	shalt  }
0x7e: {  	_ =	shalt  }
0x7f: {  	_ =	shalt  }
0x80: {  	_ =	shalt  }
0x81: {  	_ =	shalt  }
0x82: {  	_ =	shalt  }
0x83: {  	_ =	shalt  }
0x84: {  	_ =	shalt  }
0x85: {  	_ =	shalt  }
0x86: {  	_ =	shalt  }
0x87: {  	_ =	shalt  }
.Lfunc_end0:
.L_simem_size_0:
called_computation_lowered:
.L_overlay_start_0:
0x88: {  	s2 =	sld [smem:$0x3FD9]  }
0x89: {  	s3 =	sld [smem:$0x3FFE];
	_ =	sdelay $0x1  }
0x8a: {  	s0 =	srdreg.scid  }
0x8b: {  	s0 =	sand.u32 $0x1, s0  }
0x8c: {  	s28 =	sshll.u32 s0, $0xA;
	s2 =	sadd.s32 s3, s2  }
0x8d: {  	[dreg:$0x0] =	wrdreg s0;
	s2 =	sadd.s32 s2, s28  }
0x8e: {  	s3 =	simm.s32 $0x0;
	[smem:$0x3FC7] =	sst s2  }
0x8f: {  	[smem:$0xF] =	sst s3  }
0x90: {  	s4 =	sld [smem:$0x3FC9]  }
0x91: {  	s2 =	sld [smem:$0x3FD0];
	(tm) =	ssettm $0x1  }
0x92: {  	s5 =	sld [smem:$0x3FFB];
	_ =	sdelay $0x3  }
0x93: {  	_ =	strace s5  }
0x94: {  	s5 =	sld [smem:$0x3FFC];
	_ =	sdelay $0x3  }
0x95: {  	_ =	strace s5  }
0x96: {  	s5 =	sld [smem:$0x3FFD];
	_ =	sdelay $0x2  }
0x97: {  	s29 =	simm.s32 $0x1B8B;
	s30 =	simm.s32 $0x1B8E;
	s16 =	simm.s32 $0x9  }
0x98: {  	s15 =	simm.s32 $0xA;
	s6 =	smul.u32 $0xC00000, s0;
	_ =	strace s5  }
0x99: {  	s10 =	simm.s32 $0x8000;
	s11 =	simm.s32 $0xB;
	_ =	strace $0x8FFFFFFF  }
0x9a: {  	s12 =	simm.s32 $0xC;
	s17 =	sshrl.u32 s6, $0x3;
	_ =	swait.ge [sflag:s29], $0x1  }
0x9b: {  	s13 =	simm.s32 $0xD;
	s19 =	sor.u32 $0x10000, s17;
	[sflag:s29] =	ssyncset.done $0x0  }
0x9c: {  	s18 =	sor.u32 $0x8000, s17;
	s22 =	sor.u32 $0x28000, s17;
	[sflag:s29] =	ssyncadd.s32 $0xFFFFFFFF  }
0x9d: {  	s31 =	sadd.s32 s19, s4;
	s0 =	sadd.s32 s18, s4;
	[smem:$0x3FD2] =	sst s30  }
0x9e: {  	s6 =	sadd.s32 s17, s4;
	s5 =	simm.s32 $0x10000;
	_ =	strace $0x80000046  }
0x9f: {  	[spmem:s3], [sflag:s16] =	dma.local [hbm:s31], $0x8000  }
0xa0: {  	[spmem:s10], [sflag:s15] =	dma.local [hbm:s0], $0x8000  }
0xa1: {  	[spmem:s5], [sflag:s11] =	dma.local [hbm:s6], $0x8000  }
0xa2: {  	s21 =	sor.u32 $0x20000, s17;
	s7 =	sadd.s32 s22, s4;
	s6 =	simm.s32 $0x18000  }
0xa3: {  	[spmem:s6], [sflag:s12] =	dma.local [hbm:s7], $0x8000  }
0xa4: {  	s20 =	sor.u32 $0x18000, s17;
	s8 =	sadd.s32 s21, s4;
	s7 =	simm.s32 $0x20000  }
0xa5: {  	[spmem:s7], [sflag:s13] =	dma.local [hbm:s8], $0x8000  }
0xa6: {  	s14 =	simm.s32 $0xE;
	s9 =	sadd.s32 s20, s4;
	s8 =	simm.s32 $0x28000  }
0xa7: {  	[spmem:s8], [sflag:s14] =	dma.local [hbm:s9], $0x8000  }
0xa8: {  	_ =	swait.ge [sflag:s16], $0x8000  }
0xa9: {  	s26 =	sor.u32 $0x40000, s17;
	[sflag:s16] =	ssyncset.done $0x0  }
0xaa: {  	s23 =	sadd.s32 s17, s2;
	s9 =	simm.s32 $0x10;
	[sflag:s16] =	ssyncadd.s32 $0xFFFF8000  }
0xab: {  	[hbm:s23], [sflag:s9] =	dma.local [spmem:s3], $0x8000  }
0xac: {  	s24 =	simm.s32 $0xF;
	s25 =	sadd.s32 s26, s4;
	s23 =	simm.s32 $0x30000  }
0xad: {  	[spmem:s23], [sflag:s24] =	dma.local [hbm:s25], $0x8000  }
0xae: {  	_ =	swait.ge [sflag:s15], $0x8000  }
0xaf: {  	[sflag:s15] =	ssyncset.done $0x0  }
0xb0: {  	[sflag:s15] =	ssyncadd.s32 $0xFFFF8000  }
0xb1: {  	s1 =	sadd.s32 s18, s2;
	s18 =	simm.s32 $0x11  }
0xb2: {  	[hbm:s1], [sflag:s18] =	dma.local [spmem:s10], $0x8000  }
0xb3: {  	_ =	swait.ge [sflag:s9], $0x8000  }
0xb4: {  	[sflag:s9] =	ssyncset.done $0x0  }
0xb5: {  	s30 =	sor.u32 $0x38000, s17;
	[sflag:s9] =	ssyncadd.s32 $0xFFFF8000  }
0xb6: {  	s28 =	sadd.s32 s30, s4  }
0xb7: {  	[spmem:s3], [sflag:s16] =	dma.local [hbm:s28], $0x8000  }
0xb8: {  	_ =	swait.ge [sflag:s11], $0x8000  }
0xb9: {  	[sflag:s11] =	ssyncset.done $0x0  }
0xba: {  	[sflag:s11] =	ssyncadd.s32 $0xFFFF8000  }
0xbb: {  	s29 =	sadd.s32 s19, s2;
	s19 =	simm.s32 $0x12  }
0xbc: {  	[hbm:s29], [sflag:s19] =	dma.local [spmem:s5], $0x8000  }
0xbd: {  	_ =	swait.ge [sflag:s18], $0x8000  }
0xbe: {  	[sflag:s18] =	ssyncset.done $0x0  }
0xbf: {  	s25 =	sor.u32 $0x30000, s17;
	[sflag:s18] =	ssyncadd.s32 $0xFFFF8000  }
0xc0: {  	s28 =	sadd.s32 s25, s4  }
0xc1: {  	[spmem:s10], [sflag:s15] =	dma.local [hbm:s28], $0x8000  }
0xc2: {  	_ =	swait.ge [sflag:s12], $0x8000  }
0xc3: {  	[sflag:s12] =	ssyncset.done $0x0  }
0xc4: {  	[sflag:s12] =	ssyncadd.s32 $0xFFFF8000  }
0xc5: {  	s31 =	sadd.s32 s20, s2;
	s20 =	simm.s32 $0x13  }
0xc6: {  	[hbm:s31], [sflag:s20] =	dma.local [spmem:s6], $0x8000  }
0xc7: {  	_ =	swait.ge [sflag:s19], $0x8000  }
0xc8: {  	[sflag:s19] =	ssyncset.done $0x0  }
0xc9: {  	s28 =	sor.u32 $0x58000, s17;
	[sflag:s19] =	ssyncadd.s32 $0xFFFF8000  }
0xca: {  	s29 =	sadd.s32 s28, s4  }
0xcb: {  	[spmem:s5], [sflag:s11] =	dma.local [hbm:s29], $0x8000  }
0xcc: {  	_ =	swait.ge [sflag:s13], $0x8000  }
0xcd: {  	[sflag:s13] =	ssyncset.done $0x0  }
0xce: {  	[sflag:s13] =	ssyncadd.s32 $0xFFFF8000  }
0xcf: {  	s0 =	sadd.s32 s21, s2;
	s21 =	simm.s32 $0x14  }
0xd0: {  	[hbm:s0], [sflag:s21] =	dma.local [spmem:s7], $0x8000  }
0xd1: {  	_ =	swait.ge [sflag:s20], $0x8000  }
0xd2: {  	[sflag:s20] =	ssyncset.done $0x0  }
0xd3: {  	s31 =	sor.u32 $0x50000, s17;
	[sflag:s20] =	ssyncadd.s32 $0xFFFF8000  }
0xd4: {  	s1 =	sadd.s32 s31, s4  }
0xd5: {  	[spmem:s6], [sflag:s12] =	dma.local [hbm:s1], $0x8000  }
0xd6: {  	_ =	swait.ge [sflag:s14], $0x8000  }
0xd7: {  	[sflag:s14] =	ssyncset.done $0x0  }
0xd8: {  	[sflag:s14] =	ssyncadd.s32 $0xFFFF8000  }
0xd9: {  	s0 =	sadd.s32 s22, s2;
	s22 =	simm.s32 $0x15  }
0xda: {  	[hbm:s0], [sflag:s22] =	dma.local [spmem:s8], $0x8000  }
0xdb: {  	_ =	swait.ge [sflag:s21], $0x8000  }
0xdc: {  	[sflag:s21] =	ssyncset.done $0x0  }
0xdd: {  	s0 =	sor.u32 $0x48000, s17;
	[sflag:s21] =	ssyncadd.s32 $0xFFFF8000  }
0xde: {  	s1 =	sadd.s32 s0, s4  }
0xdf: {  	[spmem:s7], [sflag:s13] =	dma.local [hbm:s1], $0x8000  }
0xe0: {  	_ =	swait.ge [sflag:s24], $0x8000  }
0xe1: {  	[sflag:s24] =	ssyncset.done $0x0  }
0xe2: {  	[sflag:s24] =	ssyncadd.s32 $0xFFFF8000  }
0xe3: {  	s1 =	sadd.s32 s25, s2;
	s25 =	simm.s32 $0x16  }
0xe4: {  	[hbm:s1], [sflag:s25] =	dma.local [spmem:s23], $0x8000  }
0xe5: {  	_ =	swait.ge [sflag:s22], $0x8000  }
0xe6: {  	[sflag:s22] =	ssyncset.done $0x0  }
0xe7: {  	s29 =	sor.u32 $0x70000, s17;
	[sflag:s22] =	ssyncadd.s32 $0xFFFF8000  }
0xe8: {  	s1 =	sadd.s32 s29, s4  }
0xe9: {  	[spmem:s8], [sflag:s14] =	dma.local [hbm:s1], $0x8000  }
0xea: {  	_ =	swait.ge [sflag:s16], $0x8000  }
0xeb: {  	[sflag:s16] =	ssyncset.done $0x0  }
0xec: {  	[sflag:s16] =	ssyncadd.s32 $0xFFFF8000  }
0xed: {  	s30 =	sadd.s32 s30, s2  }
0xee: {  	[hbm:s30], [sflag:s9] =	dma.local [spmem:s3], $0x8000  }
0xef: {  	_ =	swait.ge [sflag:s25], $0x8000  }
0xf0: {  	[sflag:s25] =	ssyncset.done $0x0  }
0xf1: {  	s1 =	sor.u32 $0x68000, s17;
	[sflag:s25] =	ssyncadd.s32 $0xFFFF8000  }
0xf2: {  	s30 =	sadd.s32 s1, s4  }
0xf3: {  	[spmem:s23], [sflag:s24] =	dma.local [hbm:s30], $0x8000  }
0xf4: {  	_ =	swait.ge [sflag:s15], $0x8000  }
0xf5: {  	[sflag:s15] =	ssyncset.done $0x0  }
0xf6: {  	[sflag:s15] =	ssyncadd.s32 $0xFFFF8000  }
0xf7: {  	s26 =	sadd.s32 s26, s2  }
0xf8: {  	[hbm:s26], [sflag:s18] =	dma.local [spmem:s10], $0x8000  }
0xf9: {  	_ =	swait.ge [sflag:s9], $0x8000  }
0xfa: {  	[sflag:s9] =	ssyncset.done $0x0  }
0xfb: {  	s30 =	sor.u32 $0x60000, s17;
	[sflag:s9] =	ssyncadd.s32 $0xFFFF8000  }
0xfc: {  	s26 =	sadd.s32 s30, s4  }
0xfd: {  	[spmem:s3], [sflag:s16] =	dma.local [hbm:s26], $0x8000  }
0xfe: {  	_ =	swait.ge [sflag:s11], $0x8000  }
0xff: {  	[sflag:s11] =	ssyncset.done $0x0  }
0x100: {  	[sflag:s11] =	ssyncadd.s32 $0xFFFF8000  }
0x101: {  	s0 =	sadd.s32 s0, s2  }
0x102: {  	[hbm:s0], [sflag:s19] =	dma.local [spmem:s5], $0x8000  }
0x103: {  	_ =	swait.ge [sflag:s18], $0x8000  }
0x104: {  	[sflag:s18] =	ssyncset.done $0x0  }
0x105: {  	s26 =	sadd.s32 $0x88000, s17;
	[sflag:s18] =	ssyncadd.s32 $0xFFFF8000  }
0x106: {  	s0 =	sadd.s32 s26, s4  }
0x107: {  	[spmem:s10], [sflag:s15] =	dma.local [hbm:s0], $0x8000  }
0x108: {  	_ =	swait.ge [sflag:s12], $0x8000  }
0x109: {  	[sflag:s12] =	ssyncset.done $0x0  }
0x10a: {  	[sflag:s12] =	ssyncadd.s32 $0xFFFF8000  }
0x10b: {  	s31 =	sadd.s32 s31, s2  }
0x10c: {  	[hbm:s31], [sflag:s20] =	dma.local [spmem:s6], $0x8000  }
0x10d: {  	_ =	swait.ge [sflag:s19], $0x8000  }
0x10e: {  	[sflag:s19] =	ssyncset.done $0x0  }
0x10f: {  	s0 =	sadd.s32 $0x80000, s17;
	[sflag:s19] =	ssyncadd.s32 $0xFFFF8000  }
0x110: {  	s31 =	sadd.s32 s0, s4  }
0x111: {  	[spmem:s5], [sflag:s11] =	dma.local [hbm:s31], $0x8000  }
0x112: {  	_ =	swait.ge [sflag:s13], $0x8000  }
0x113: {  	[sflag:s13] =	ssyncset.done $0x0  }
0x114: {  	[sflag:s13] =	ssyncadd.s32 $0xFFFF8000  }
0x115: {  	s28 =	sadd.s32 s28, s2  }
0x116: {  	[hbm:s28], [sflag:s21] =	dma.local [spmem:s7], $0x8000  }
0x117: {  	_ =	swait.ge [sflag:s20], $0x8000  }
0x118: {  	[sflag:s20] =	ssyncset.done $0x0  }
0x119: {  	s31 =	sor.u32 $0x78000, s17;
	[sflag:s20] =	ssyncadd.s32 $0xFFFF8000  }
0x11a: {  	s28 =	sadd.s32 s31, s4  }
0x11b: {  	[spmem:s6], [sflag:s12] =	dma.local [hbm:s28], $0x8000  }
0x11c: {  	_ =	swait.ge [sflag:s14], $0x8000  }
0x11d: {  	[sflag:s14] =	ssyncset.done $0x0  }
0x11e: {  	[sflag:s14] =	ssyncadd.s32 $0xFFFF8000  }
0x11f: {  	s30 =	sadd.s32 s30, s2  }
0x120: {  	[hbm:s30], [sflag:s22] =	dma.local [spmem:s8], $0x8000  }
0x121: {  	_ =	swait.ge [sflag:s21], $0x8000  }
0x122: {  	[sflag:s21] =	ssyncset.done $0x0  }
0x123: {  	s28 =	sadd.s32 $0xA0000, s17;
	[sflag:s21] =	ssyncadd.s32 $0xFFFF8000  }
0x124: {  	s30 =	sadd.s32 s28, s4  }
0x125: {  	[spmem:s7], [sflag:s13] =	dma.local [hbm:s30], $0x8000  }
0x126: {  	_ =	swait.ge [sflag:s24], $0x8000  }
0x127: {  	[sflag:s24] =	ssyncset.done $0x0  }
0x128: {  	[sflag:s24] =	ssyncadd.s32 $0xFFFF8000  }
0x129: {  	s1 =	sadd.s32 s1, s2  }
0x12a: {  	[hbm:s1], [sflag:s25] =	dma.local [spmem:s23], $0x8000  }
0x12b: {  	_ =	swait.ge [sflag:s22], $0x8000  }
0x12c: {  	[sflag:s22] =	ssyncset.done $0x0  }
0x12d: {  	s1 =	sadd.s32 $0x98000, s17;
	[sflag:s22] =	ssyncadd.s32 $0xFFFF8000  }
0x12e: {  	s30 =	sadd.s32 s1, s4  }
0x12f: {  	[spmem:s8], [sflag:s14] =	dma.local [hbm:s30], $0x8000  }
0x130: {  	_ =	swait.ge [sflag:s16], $0x8000  }
0x131: {  	[sflag:s16] =	ssyncset.done $0x0  }
0x132: {  	[sflag:s16] =	ssyncadd.s32 $0xFFFF8000  }
0x133: {  	s29 =	sadd.s32 s29, s2  }
0x134: {  	[hbm:s29], [sflag:s9] =	dma.local [spmem:s3], $0x8000  }
0x135: {  	_ =	swait.ge [sflag:s25], $0x8000  }
0x136: {  	[sflag:s25] =	ssyncset.done $0x0  }
0x137: {  	s30 =	sadd.s32 $0x90000, s17;
	[sflag:s25] =	ssyncadd.s32 $0xFFFF8000  }
0x138: {  	s29 =	sadd.s32 s30, s4  }
0x139: {  	[spmem:s23], [sflag:s24] =	dma.local [hbm:s29], $0x8000  }
0x13a: {  	_ =	swait.ge [sflag:s15], $0x8000  }
0x13b: {  	[sflag:s15] =	ssyncset.done $0x0  }
0x13c: {  	[sflag:s15] =	ssyncadd.s32 $0xFFFF8000  }
0x13d: {  	s31 =	sadd.s32 s31, s2  }
0x13e: {  	[hbm:s31], [sflag:s18] =	dma.local [spmem:s10], $0x8000  }
0x13f: {  	_ =	swait.ge [sflag:s9], $0x8000  }
0x140: {  	[sflag:s9] =	ssyncset.done $0x0  }
0x141: {  	s29 =	sadd.s32 $0xB8000, s17;
	[sflag:s9] =	ssyncadd.s32 $0xFFFF8000  }
0x142: {  	s31 =	sadd.s32 s29, s4  }
0x143: {  	[spmem:s3], [sflag:s16] =	dma.local [hbm:s31], $0x8000  }
0x144: {  	_ =	swait.ge [sflag:s11], $0x8000  }
0x145: {  	[sflag:s11] =	ssyncset.done $0x0  }
0x146: {  	[sflag:s11] =	ssyncadd.s32 $0xFFFF8000  }
0x147: {  	s0 =	sadd.s32 s0, s2  }
0x148: {  	[hbm:s0], [sflag:s19] =	dma.local [spmem:s5], $0x8000  }
0x149: {  	_ =	swait.ge [sflag:s18], $0x8000  }
0x14a: {  	[sflag:s18] =	ssyncset.done $0x0  }
0x14b: {  	s0 =	sadd.s32 $0xB0000, s17;
	[sflag:s18] =	ssyncadd.s32 $0xFFFF8000  }
0x14c: {  	s31 =	sadd.s32 s0, s4  }
0x14d: {  	[spmem:s10], [sflag:s15] =	dma.local [hbm:s31], $0x8000  }
0x14e: {  	_ =	swait.ge [sflag:s12], $0x8000  }
0x14f: {  	[sflag:s12] =	ssyncset.done $0x0  }
0x150: {  	[sflag:s12] =	ssyncadd.s32 $0xFFFF8000  }
0x151: {  	s26 =	sadd.s32 s26, s2  }
0x152: {  	[hbm:s26], [sflag:s20] =	dma.local [spmem:s6], $0x8000  }
0x153: {  	_ =	swait.ge [sflag:s19], $0x8000  }
0x154: {  	[sflag:s19] =	ssyncset.done $0x0  }
0x155: {  	s31 =	sadd.s32 $0xA8000, s17;
	[sflag:s19] =	ssyncadd.s32 $0xFFFF8000  }
0x156: {  	s26 =	sadd.s32 s31, s4  }
0x157: {  	[spmem:s5], [sflag:s11] =	dma.local [hbm:s26], $0x8000  }
0x158: {  	_ =	swait.ge [sflag:s13], $0x8000  }
0x159: {  	[sflag:s13] =	ssyncset.done $0x0  }
0x15a: {  	[sflag:s13] =	ssyncadd.s32 $0xFFFF8000  }
0x15b: {  	s30 =	sadd.s32 s30, s2  }
0x15c: {  	[hbm:s30], [sflag:s21] =	dma.local [spmem:s7], $0x8000  }
0x15d: {  	_ =	swait.ge [sflag:s20], $0x8000  }
0x15e: {  	[sflag:s20] =	ssyncset.done $0x0  }
0x15f: {  	s26 =	sadd.s32 $0xD0000, s17;
	[sflag:s20] =	ssyncadd.s32 $0xFFFF8000  }
0x160: {  	s30 =	sadd.s32 s26, s4  }
0x161: {  	[spmem:s6], [sflag:s12] =	dma.local [hbm:s30], $0x8000  }
0x162: {  	_ =	swait.ge [sflag:s14], $0x8000  }
0x163: {  	[sflag:s14] =	ssyncset.done $0x0  }
0x164: {  	[sflag:s14] =	ssyncadd.s32 $0xFFFF8000  }
0x165: {  	s1 =	sadd.s32 s1, s2  }
0x166: {  	[hbm:s1], [sflag:s22] =	dma.local [spmem:s8], $0x8000  }
0x167: {  	_ =	swait.ge [sflag:s21], $0x8000  }
0x168: {  	[sflag:s21] =	ssyncset.done $0x0  }
0x169: {  	s1 =	sadd.s32 $0xC8000, s17;
	[sflag:s21] =	ssyncadd.s32 $0xFFFF8000  }
0x16a: {  	s30 =	sadd.s32 s1, s4  }
0x16b: {  	[spmem:s7], [sflag:s13] =	dma.local [hbm:s30], $0x8000  }
0x16c: {  	_ =	swait.ge [sflag:s24], $0x8000  }
0x16d: {  	[sflag:s24] =	ssyncset.done $0x0  }
0x16e: {  	[sflag:s24] =	ssyncadd.s32 $0xFFFF8000  }
0x16f: {  	s28 =	sadd.s32 s28, s2  }
0x170: {  	[hbm:s28], [sflag:s25] =	dma.local [spmem:s23], $0x8000  }
0x171: {  	_ =	swait.ge [sflag:s22], $0x8000  }
0x172: {  	[sflag:s22] =	ssyncset.done $0x0  }
0x173: {  	s30 =	sadd.s32 $0xC0000, s17;
	[sflag:s22] =	ssyncadd.s32 $0xFFFF8000  }
0x174: {  	s28 =	sadd.s32 s30, s4  }
0x175: {  	[spmem:s8], [sflag:s14] =	dma.local [hbm:s28], $0x8000  }
0x176: {  	_ =	swait.ge [sflag:s16], $0x8000  }
0x177: {  	[sflag:s16] =	ssyncset.done $0x0  }
0x178: {  	[sflag:s16] =	ssyncadd.s32 $0xFFFF8000  }
0x179: {  	s31 =	sadd.s32 s31, s2  }
0x17a: {  	[hbm:s31], [sflag:s9] =	dma.local [spmem:s3], $0x8000  }
0x17b: {  	_ =	swait.ge [sflag:s25], $0x8000  }
0x17c: {  	[sflag:s25] =	ssyncset.done $0x0  }
0x17d: {  	s28 =	sadd.s32 $0xE8000, s17;
	[sflag:s25] =	ssyncadd.s32 $0xFFFF8000  }
0x17e: {  	s31 =	sadd.s32 s28, s4  }
0x17f: {  	[spmem:s23], [sflag:s24] =	dma.local [hbm:s31], $0x8000  }
0x180: {  	_ =	swait.ge [sflag:s15], $0x8000  }
0x181: {  	[sflag:s15] =	ssyncset.done $0x0  }
0x182: {  	[sflag:s15] =	ssyncadd.s32 $0xFFFF8000  }
0x183: {  	s0 =	sadd.s32 s0, s2  }
0x184: {  	[hbm:s0], [sflag:s18] =	dma.local [spmem:s10], $0x8000  }
0x185: {  	_ =	swait.ge [sflag:s9], $0x8000  }
0x186: {  	[sflag:s9] =	ssyncset.done $0x0  }
0x187: {  	s0 =	sadd.s32 $0xE0000, s17;
	[sflag:s9] =	ssyncadd.s32 $0xFFFF8000  }
0x188: {  	s31 =	sadd.s32 s0, s4  }
0x189: {  	[spmem:s3], [sflag:s16] =	dma.local [hbm:s31], $0x8000  }
0x18a: {  	_ =	swait.ge [sflag:s11], $0x8000  }
0x18b: {  	[sflag:s11] =	ssyncset.done $0x0  }
0x18c: {  	[sflag:s11] =	ssyncadd.s32 $0xFFFF8000  }
0x18d: {  	s29 =	sadd.s32 s29, s2  }
0x18e: {  	[hbm:s29], [sflag:s19] =	dma.local [spmem:s5], $0x8000  }
0x18f: {  	_ =	swait.ge [sflag:s18], $0x8000  }
0x190: {  	[sflag:s18] =	ssyncset.done $0x0  }
0x191: {  	s31 =	sadd.s32 $0xD8000, s17;
	[sflag:s18] =	ssyncadd.s32 $0xFFFF8000  }
0x192: {  	s29 =	sadd.s32 s31, s4  }
0x193: {  	[spmem:s10], [sflag:s15] =	dma.local [hbm:s29], $0x8000  }
0x194: {  	_ =	swait.ge [sflag:s12], $0x8000  }
0x195: {  	[sflag:s12] =	ssyncset.done $0x0  }
0x196: {  	[sflag:s12] =	ssyncadd.s32 $0xFFFF8000  }
0x197: {  	s30 =	sadd.s32 s30, s2  }
0x198: {  	[hbm:s30], [sflag:s20] =	dma.local [spmem:s6], $0x8000  }
0x199: {  	_ =	swait.ge [sflag:s19], $0x8000  }
0x19a: {  	[sflag:s19] =	ssyncset.done $0x0  }
0x19b: {  	s29 =	sadd.s32 $0x100000, s17;
	[sflag:s19] =	ssyncadd.s32 $0xFFFF8000  }
0x19c: {  	s30 =	sadd.s32 s29, s4  }
0x19d: {  	[spmem:s5], [sflag:s11] =	dma.local [hbm:s30], $0x8000  }
0x19e: {  	_ =	swait.ge [sflag:s13], $0x8000  }
0x19f: {  	[sflag:s13] =	ssyncset.done $0x0  }
0x1a0: {  	[sflag:s13] =	ssyncadd.s32 $0xFFFF8000  }
0x1a1: {  	s1 =	sadd.s32 s1, s2  }
0x1a2: {  	[hbm:s1], [sflag:s21] =	dma.local [spmem:s7], $0x8000  }
0x1a3: {  	_ =	swait.ge [sflag:s20], $0x8000  }
0x1a4: {  	[sflag:s20] =	ssyncset.done $0x0  }
0x1a5: {  	s1 =	sadd.s32 $0xF8000, s17;
	[sflag:s20] =	ssyncadd.s32 $0xFFFF8000  }
0x1a6: {  	s30 =	sadd.s32 s1, s4  }
0x1a7: {  	[spmem:s6], [sflag:s12] =	dma.local [hbm:s30], $0x8000  }
0x1a8: {  	_ =	swait.ge [sflag:s14], $0x8000  }
0x1a9: {  	[sflag:s14] =	ssyncset.done $0x0  }
0x1aa: {  	[sflag:s14] =	ssyncadd.s32 $0xFFFF8000  }
0x1ab: {  	s26 =	sadd.s32 s26, s2  }
0x1ac: {  	[hbm:s26], [sflag:s22] =	dma.local [spmem:s8], $0x8000  }
0x1ad: {  	_ =	swait.ge [sflag:s21], $0x8000  }
0x1ae: {  	[sflag:s21] =	ssyncset.done $0x0  }
0x1af: {  	s30 =	sadd.s32 $0xF0000, s17;
	[sflag:s21] =	ssyncadd.s32 $0xFFFF8000  }
0x1b0: {  	s26 =	sadd.s32 s30, s4  }
0x1b1: {  	[spmem:s7], [sflag:s13] =	dma.local [hbm:s26], $0x8000  }
0x1b2: {  	_ =	swait.ge [sflag:s24], $0x8000  }
0x1b3: {  	[sflag:s24] =	ssyncset.done $0x0  }
0x1b4: {  	[sflag:s24] =	ssyncadd.s32 $0xFFFF8000  }
0x1b5: {  	s31 =	sadd.s32 s31, s2  }
0x1b6: {  	[hbm:s31], [sflag:s25] =	dma.local [spmem:s23], $0x8000  }
0x1b7: {  	_ =	swait.ge [sflag:s22], $0x8000  }
0x1b8: {  	[sflag:s22] =	ssyncset.done $0x0  }
0x1b9: {  	s26 =	sadd.s32 $0x118000, s17;
	[sflag:s22] =	ssyncadd.s32 $0xFFFF8000  }
0x1ba: {  	s31 =	sadd.s32 s26, s4  }
0x1bb: {  	[spmem:s8], [sflag:s14] =	dma.local [hbm:s31], $0x8000  }
0x1bc: {  	_ =	swait.ge [sflag:s16], $0x8000  }
0x1bd: {  	[sflag:s16] =	ssyncset.done $0x0  }
0x1be: {  	[sflag:s16] =	ssyncadd.s32 $0xFFFF8000  }
0x1bf: {  	s0 =	sadd.s32 s0, s2  }
0x1c0: {  	[hbm:s0], [sflag:s9] =	dma.local [spmem:s3], $0x8000  }
0x1c1: {  	_ =	swait.ge [sflag:s25], $0x8000  }
0x1c2: {  	[sflag:s25] =	ssyncset.done $0x0  }
0x1c3: {  	s0 =	sadd.s32 $0x110000, s17;
	[sflag:s25] =	ssyncadd.s32 $0xFFFF8000  }
0x1c4: {  	s31 =	sadd.s32 s0, s4  }
0x1c5: {  	[spmem:s23], [sflag:s24] =	dma.local [hbm:s31], $0x8000  }
0x1c6: {  	_ =	swait.ge [sflag:s15], $0x8000  }
0x1c7: {  	[sflag:s15] =	ssyncset.done $0x0  }
0x1c8: {  	[sflag:s15] =	ssyncadd.s32 $0xFFFF8000  }
0x1c9: {  	s28 =	sadd.s32 s28, s2  }
0x1ca: {  	[hbm:s28], [sflag:s18] =	dma.local [spmem:s10], $0x8000  }
0x1cb: {  	_ =	swait.ge [sflag:s9], $0x8000  }
0x1cc: {  	[sflag:s9] =	ssyncset.done $0x0  }
0x1cd: {  	s31 =	sadd.s32 $0x108000, s17;
	[sflag:s9] =	ssyncadd.s32 $0xFFFF8000  }
0x1ce: {  	s28 =	sadd.s32 s31, s4  }
0x1cf: {  	[spmem:s3], [sflag:s16] =	dma.local [hbm:s28], $0x8000  }
0x1d0: {  	_ =	swait.ge [sflag:s11], $0x8000  }
0x1d1: {  	[sflag:s11] =	ssyncset.done $0x0  }
0x1d2: {  	[sflag:s11] =	ssyncadd.s32 $0xFFFF8000  }
0x1d3: {  	s30 =	sadd.s32 s30, s2  }
0x1d4: {  	[hbm:s30], [sflag:s19] =	dma.local [spmem:s5], $0x8000  }
0x1d5: {  	_ =	swait.ge [sflag:s18], $0x8000  }
0x1d6: {  	[sflag:s18] =	ssyncset.done $0x0  }
0x1d7: {  	s28 =	sadd.s32 $0x130000, s17;
	[sflag:s18] =	ssyncadd.s32 $0xFFFF8000  }
0x1d8: {  	s30 =	sadd.s32 s28, s4  }
0x1d9: {  	[spmem:s10], [sflag:s15] =	dma.local [hbm:s30], $0x8000  }
0x1da: {  	_ =	swait.ge [sflag:s12], $0x8000  }
0x1db: {  	[sflag:s12] =	ssyncset.done $0x0  }
0x1dc: {  	[sflag:s12] =	ssyncadd.s32 $0xFFFF8000  }
0x1dd: {  	s1 =	sadd.s32 s1, s2  }
0x1de: {  	[hbm:s1], [sflag:s20] =	dma.local [spmem:s6], $0x8000  }
0x1df: {  	_ =	swait.ge [sflag:s19], $0x8000  }
0x1e0: {  	[sflag:s19] =	ssyncset.done $0x0  }
0x1e1: {  	s1 =	sadd.s32 $0x128000, s17;
	[sflag:s19] =	ssyncadd.s32 $0xFFFF8000  }
0x1e2: {  	s30 =	sadd.s32 s1, s4  }
0x1e3: {  	[spmem:s5], [sflag:s11] =	dma.local [hbm:s30], $0x8000  }
0x1e4: {  	_ =	swait.ge [sflag:s13], $0x8000  }
0x1e5: {  	[sflag:s13] =	ssyncset.done $0x0  }
0x1e6: {  	[sflag:s13] =	ssyncadd.s32 $0xFFFF8000  }
0x1e7: {  	s29 =	sadd.s32 s29, s2  }
0x1e8: {  	[hbm:s29], [sflag:s21] =	dma.local [spmem:s7], $0x8000  }
0x1e9: {  	_ =	swait.ge [sflag:s20], $0x8000  }
0x1ea: {  	[sflag:s20] =	ssyncset.done $0x0  }
0x1eb: {  	s30 =	sadd.s32 $0x120000, s17;
	[sflag:s20] =	ssyncadd.s32 $0xFFFF8000  }
0x1ec: {  	s29 =	sadd.s32 s30, s4  }
0x1ed: {  	[spmem:s6], [sflag:s12] =	dma.local [hbm:s29], $0x8000  }
0x1ee: {  	_ =	swait.ge [sflag:s14], $0x8000  }
0x1ef: {  	[sflag:s14] =	ssyncset.done $0x0  }
0x1f0: {  	[sflag:s14] =	ssyncadd.s32 $0xFFFF8000  }
0x1f1: {  	s31 =	sadd.s32 s31, s2  }
0x1f2: {  	[hbm:s31], [sflag:s22] =	dma.local [spmem:s8], $0x8000  }
0x1f3: {  	_ =	swait.ge [sflag:s21], $0x8000  }
0x1f4: {  	[sflag:s21] =	ssyncset.done $0x0  }
0x1f5: {  	s29 =	sadd.s32 $0x148000, s17;
	[sflag:s21] =	ssyncadd.s32 $0xFFFF8000  }
0x1f6: {  	s31 =	sadd.s32 s29, s4  }
0x1f7: {  	[spmem:s7], [sflag:s13] =	dma.local [hbm:s31], $0x8000  }
0x1f8: {  	_ =	swait.ge [sflag:s24], $0x8000  }
0x1f9: {  	[sflag:s24] =	ssyncset.done $0x0  }
0x1fa: {  	[sflag:s24] =	ssyncadd.s32 $0xFFFF8000  }
0x1fb: {  	s0 =	sadd.s32 s0, s2  }
0x1fc: {  	[hbm:s0], [sflag:s25] =	dma.local [spmem:s23], $0x8000  }
0x1fd: {  	_ =	swait.ge [sflag:s22], $0x8000  }
0x1fe: {  	[sflag:s22] =	ssyncset.done $0x0  }
0x1ff: {  	s0 =	sadd.s32 $0x140000, s17;
	[sflag:s22] =	ssyncadd.s32 $0xFFFF8000  }
0x200: {  	s31 =	sadd.s32 s0, s4  }
0x201: {  	[spmem:s8], [sflag:s14] =	dma.local [hbm:s31], $0x8000  }
0x202: {  	_ =	swait.ge [sflag:s16], $0x8000  }
0x203: {  	[sflag:s16] =	ssyncset.done $0x0  }
0x204: {  	[sflag:s16] =	ssyncadd.s32 $0xFFFF8000  }
0x205: {  	s26 =	sadd.s32 s26, s2  }
0x206: {  	[hbm:s26], [sflag:s9] =	dma.local [spmem:s3], $0x8000  }
0x207: {  	_ =	swait.ge [sflag:s25], $0x8000  }
0x208: {  	[sflag:s25] =	ssyncset.done $0x0  }
0x209: {  	s31 =	sadd.s32 $0x138000, s17;
	[sflag:s25] =	ssyncadd.s32 $0xFFFF8000  }
0x20a: {  	s26 =	sadd.s32 s31, s4  }
0x20b: {  	[spmem:s23], [sflag:s24] =	dma.local [hbm:s26], $0x8000  }
0x20c: {  	_ =	swait.ge [sflag:s15], $0x8000  }
0x20d: {  	[sflag:s15] =	ssyncset.done $0x0  }
0x20e: {  	[sflag:s15] =	ssyncadd.s32 $0xFFFF8000  }
0x20f: {  	s30 =	sadd.s32 s30, s2  }
0x210: {  	[hbm:s30], [sflag:s18] =	dma.local [spmem:s10], $0x8000  }
0x211: {  	_ =	swait.ge [sflag:s9], $0x8000  }
0x212: {  	[sflag:s9] =	ssyncset.done $0x0  }
0x213: {  	s26 =	sadd.s32 $0x160000, s17;
	[sflag:s9] =	ssyncadd.s32 $0xFFFF8000  }
0x214: {  	s30 =	sadd.s32 s26, s4  }
0x215: {  	[spmem:s3], [sflag:s16] =	dma.local [hbm:s30], $0x8000  }
0x216: {  	_ =	swait.ge [sflag:s11], $0x8000  }
0x217: {  	[sflag:s11] =	ssyncset.done $0x0  }
0x218: {  	[sflag:s11] =	ssyncadd.s32 $0xFFFF8000  }
0x219: {  	s1 =	sadd.s32 s1, s2  }
0x21a: {  	[hbm:s1], [sflag:s19] =	dma.local [spmem:s5], $0x8000  }
0x21b: {  	_ =	swait.ge [sflag:s18], $0x8000  }
0x21c: {  	[sflag:s18] =	ssyncset.done $0x0  }
0x21d: {  	s1 =	sadd.s32 $0x158000, s17;
	[sflag:s18] =	ssyncadd.s32 $0xFFFF8000  }
0x21e: {  	s30 =	sadd.s32 s1, s4  }
0x21f: {  	[spmem:s10], [sflag:s15] =	dma.local [hbm:s30], $0x8000  }
0x220: {  	_ =	swait.ge [sflag:s12], $0x8000  }
0x221: {  	[sflag:s12] =	ssyncset.done $0x0  }
0x222: {  	[sflag:s12] =	ssyncadd.s32 $0xFFFF8000  }
0x223: {  	s28 =	sadd.s32 s28, s2  }
0x224: {  	[hbm:s28], [sflag:s20] =	dma.local [spmem:s6], $0x8000  }
0x225: {  	_ =	swait.ge [sflag:s19], $0x8000  }
0x226: {  	[sflag:s19] =	ssyncset.done $0x0  }
0x227: {  	s28 =	sadd.s32 $0x150000, s17;
	[sflag:s19] =	ssyncadd.s32 $0xFFFF8000  }
0x228: {  	s30 =	sadd.s32 s28, s4  }
0x229: {  	[spmem:s5], [sflag:s11] =	dma.local [hbm:s30], $0x8000  }
0x22a: {  	_ =	swait.ge [sflag:s13], $0x8000  }
0x22b: {  	[sflag:s13] =	ssyncset.done $0x0  }
0x22c: {  	[sflag:s13] =	ssyncadd.s32 $0xFFFF8000  }
0x22d: {  	s31 =	sadd.s32 s31, s2  }
0x22e: {  	[hbm:s31], [sflag:s21] =	dma.local [spmem:s7], $0x8000  }
0x22f: {  	_ =	swait.ge [sflag:s20], $0x8000  }
0x230: {  	[sflag:s20] =	ssyncset.done $0x0  }
0x231: {  	s30 =	sadd.s32 $0x178000, s17;
	[sflag:s20] =	ssyncadd.s32 $0xFFFF8000  }
0x232: {  	s31 =	sadd.s32 s30, s4  }
0x233: {  	[spmem:s6], [sflag:s12] =	dma.local [hbm:s31], $0x8000  }
0x234: {  	_ =	swait.ge [sflag:s14], $0x8000  }
0x235: {  	[sflag:s14] =	ssyncset.done $0x0  }
0x236: {  	[sflag:s14] =	ssyncadd.s32 $0xFFFF8000  }
0x237: {  	s0 =	sadd.s32 s0, s2  }
0x238: {  	[hbm:s0], [sflag:s22] =	dma.local [spmem:s8], $0x8000  }
0x239: {  	_ =	swait.ge [sflag:s21], $0x8000  }
0x23a: {  	[sflag:s21] =	ssyncset.done $0x0  }
0x23b: {  	s0 =	sadd.s32 $0x170000, s17;
	[sflag:s21] =	ssyncadd.s32 $0xFFFF8000  }
0x23c: {  	s31 =	sadd.s32 s0, s4  }
0x23d: {  	[spmem:s7], [sflag:s13] =	dma.local [hbm:s31], $0x8000  }
0x23e: {  	_ =	swait.ge [sflag:s24], $0x8000  }
0x23f: {  	[sflag:s24] =	ssyncset.done $0x0  }
0x240: {  	[sflag:s24] =	ssyncadd.s32 $0xFFFF8000  }
0x241: {  	s31 =	sadd.s32 s29, s2  }
0x242: {  	[hbm:s31], [sflag:s25] =	dma.local [spmem:s23], $0x8000  }
0x243: {  	_ =	swait.ge [sflag:s22], $0x8000  }
0x244: {  	[sflag:s22] =	ssyncset.done $0x0  }
0x245: {  	s17 =	sadd.s32 $0x168000, s17;
	[sflag:s22] =	ssyncadd.s32 $0xFFFF8000  }
0x246: {  	s4 =	sadd.s32 s17, s4  }
0x247: {  	[spmem:s8], [sflag:s14] =	dma.local [hbm:s4], $0x8000  }
0x248: {  	_ =	swait.ge [sflag:s16], $0x8000  }
0x249: {  	[sflag:s16] =	ssyncset.done $0x0  }
0x24a: {  	[sflag:s16] =	ssyncadd.s32 $0xFFFF8000  }
0x24b: {  	s16 =	sadd.s32 s28, s2  }
0x24c: {  	[hbm:s16], [sflag:s9] =	dma.local [spmem:s3], $0x8000  }
0x24d: {  	_ =	swait.ge [sflag:s15], $0x8000  }
0x24e: {  	[sflag:s15] =	ssyncset.done $0x0  }
0x24f: {  	[sflag:s15] =	ssyncadd.s32 $0xFFFF8000  }
0x250: {  	s1 =	sadd.s32 s1, s2  }
0x251: {  	[hbm:s1], [sflag:s18] =	dma.local [spmem:s10], $0x8000  }
0x252: {  	_ =	swait.ge [sflag:s11], $0x8000  }
0x253: {  	[sflag:s11] =	ssyncset.done $0x0  }
0x254: {  	[sflag:s11] =	ssyncadd.s32 $0xFFFF8000  }
0x255: {  	s23 =	sadd.s32 s26, s2  }
0x256: {  	[hbm:s23], [sflag:s19] =	dma.local [spmem:s5], $0x8000  }
0x257: {  	_ =	swait.ge [sflag:s12], $0x8000  }
0x258: {  	[sflag:s12] =	ssyncset.done $0x0  }
0x259: {  	[sflag:s12] =	ssyncadd.s32 $0xFFFF8000  }
0x25a: {  	s24 =	sadd.s32 s17, s2  }
0x25b: {  	[hbm:s24], [sflag:s20] =	dma.local [spmem:s6], $0x8000  }
0x25c: {  	_ =	swait.ge [sflag:s13], $0x8000  }
0x25d: {  	[sflag:s13] =	ssyncset.done $0x0  }
0x25e: {  	[sflag:s13] =	ssyncadd.s32 $0xFFFF8000  }
0x25f: {  	s0 =	sadd.s32 s0, s2  }
0x260: {  	[hbm:s0], [sflag:s21] =	dma.local [spmem:s7], $0x8000  }
0x261: {  	_ =	swait.ge [sflag:s14], $0x8000  }
0x262: {  	[sflag:s14] =	ssyncset.done $0x0  }
0x263: {  	[sflag:s14] =	ssyncadd.s32 $0xFFFF8000  }
0x264: {  	s26 =	sadd.s32 s30, s2  }
0x265: {  	[hbm:s26], [sflag:s22] =	dma.local [spmem:s8], $0x8000  }
0x266: {  	_ =	swait.ge [sflag:s25], $0x8000  }
0x267: {  	[sflag:s25] =	ssyncset.done $0x0  }
0x268: {  	[sflag:s25] =	ssyncadd.s32 $0xFFFF8000;
	_ =	sdelay $0x2  }
0x269: {  	_ =	swait.ge [sflag:s9], $0x8000  }
0x26a: {  	[sflag:s9] =	ssyncset.done $0x0  }
0x26b: {  	[sflag:s9] =	ssyncadd.s32 $0xFFFF8000;
	_ =	sdelay $0x2  }
0x26c: {  	_ =	swait.ge [sflag:s18], $0x8000  }
0x26d: {  	[sflag:s18] =	ssyncset.done $0x0  }
0x26e: {  	[sflag:s18] =	ssyncadd.s32 $0xFFFF8000;
	_ =	sdelay $0x2  }
0x26f: {  	_ =	swait.ge [sflag:s19], $0x8000  }
0x270: {  	[sflag:s19] =	ssyncset.done $0x0  }
0x271: {  	[sflag:s19] =	ssyncadd.s32 $0xFFFF8000;
	_ =	sdelay $0x2  }
0x272: {  	_ =	swait.ge [sflag:s20], $0x8000  }
0x273: {  	[sflag:s20] =	ssyncset.done $0x0  }
0x274: {  	[sflag:s20] =	ssyncadd.s32 $0xFFFF8000;
	_ =	sdelay $0x2  }
0x275: {  	_ =	swait.ge [sflag:s21], $0x8000  }
0x276: {  	[sflag:s21] =	ssyncset.done $0x0  }
0x277: {  	[sflag:s21] =	ssyncadd.s32 $0xFFFF8000;
	_ =	sdelay $0x2  }
0x278: {  	_ =	swait.ge [sflag:s22], $0x8000  }
0x279: {  	[sflag:s22] =	ssyncset.done $0x0  }
0x27a: {  	[sflag:s22] =	ssyncadd.s32 $0xFFFF8000  }
0x27b: {  	_ =	strace $0x90000046  }
0x27c: {  	_ =	sfence  }
0x27d: {  	s28 =	sld [smem:$0x0];
	_ =	sdelay $0x1  }
0x27e: {  	s29 =	srdreg.scid  }
0x27f: {  	s30 =	sshll.u32 s29, $0xD;
	s2 =	sshrl.u32 s29, $0x2  }
0x280: {  	s1 =	sand.u32 $0x4000, s30;
	s31 =	rddreg [dreg:$0x0];
	s0 =	sadd.s32 s2, s28  }
0x281: {  	s1 =	sor.u32 s1, s31;
	s0 =	sshll.u32 s0, $0x11  }
0x282: {  	s0 =	sor.u32 s0, s1  }
0x283: {  	s0 =	sadd.s32 $0x8F2B, s0;
	(pc) =	sbr.abs _section_cstart, $3  }
0x284: {  	[sflag:s0] =	ssyncadd.remote.s32 $0x1  }
0x285: {  	_ =	strace $0x9FFFFFFF  }
0x286: {  	(tm) =	ssettm $0x7FFFFFFF  }
0x287: {  	_ =	shalt  }

</sc_bundles>
